<compile_context>
chip_gen: v7x
topology: tpu7x:2x2x1
jax: 0.10.2.dev20260603
libtpu: 0.0.44.dev20260713+nightly
codegen_flags: <defaults>
</compile_context>

<pallas_src>
import functools

import jax
import jax.numpy as jnp
from jax import lax
from jax.experimental import pallas as pl
from jax.experimental.pallas import tpu as pltpu
from jax.experimental.pallas import tpu_sc as plsc

B = 8
N = 8192
G = 1024
K = 32
C = 13
CP = 16
G_BLK = 128

_NC = 2
_NS = 16
_NW = _NC * _NS
_E = B * G * K
_EPW = _E // _NW
_CH = 1024
_NCH = _EPW // _CH



def _fps_body(px_ref, py_ref, pz_ref, fidx_ref, cx_ref, cy_ref, cz_ref):
    px = px_ref[...]
    py = py_ref[...]
    pz = pz_ref[...]
    col = lax.broadcasted_iota(jnp.int32, (B, N), 1)
    gcol = lax.broadcasted_iota(jnp.int32, (B, G), 1)

    lx = px[:, 0:1]
    ly = py[:, 0:1]
    lz = pz[:, 0:1]
    mind = jnp.full((B, N), jnp.inf, dtype=jnp.float32)
    zero_g = jnp.zeros((B, G), jnp.float32)
    hit0 = gcol == 0
    idxs = jnp.zeros((B, G), jnp.int32)
    cxs = jnp.where(hit0, lx, zero_g)
    cys = jnp.where(hit0, ly, zero_g)
    czs = jnp.where(hit0, lz, zero_g)

    def body(i, st):
        mind, lx, ly, lz, idxs, cxs, cys, czs = st
        dx = px - lx
        dy = py - ly
        dz = pz - lz
        d = (dx * dx + dy * dy) + dz * dz
        mind = jnp.minimum(mind, d)
        m = jnp.max(mind, axis=1, keepdims=True)
        nxt = jnp.min(jnp.where(mind == m, col, N), axis=1, keepdims=True)
        sel = col == nxt
        lx = jnp.sum(jnp.where(sel, px, 0.0), axis=1, keepdims=True)
        ly = jnp.sum(jnp.where(sel, py, 0.0), axis=1, keepdims=True)
        lz = jnp.sum(jnp.where(sel, pz, 0.0), axis=1, keepdims=True)
        hit = gcol == i
        idxs = jnp.where(hit, nxt, idxs)
        cxs = jnp.where(hit, lx, cxs)
        cys = jnp.where(hit, ly, cys)
        czs = jnp.where(hit, lz, czs)
        return (mind, lx, ly, lz, idxs, cxs, cys, czs)

    st = (mind, lx, ly, lz, idxs, cxs, cys, czs)
    st = lax.fori_loop(1, G, body, st)
    _, _, _, _, idxs, cxs, cys, czs = st
    fidx_ref[...] = idxs
    cx_ref[...] = cxs
    cy_ref[...] = cys
    cz_ref[...] = czs


def _fps(px, py, pz, *, interpret=False):
    out_shapes = (
        jax.ShapeDtypeStruct((B, G), jnp.int32),
        jax.ShapeDtypeStruct((B, G), jnp.float32),
        jax.ShapeDtypeStruct((B, G), jnp.float32),
        jax.ShapeDtypeStruct((B, G), jnp.float32),
    )
    return pl.pallas_call(
        _fps_body,
        out_shape=out_shapes,
        interpret=interpret,
    )(px, py, pz)



def _knn_body(px_ref, py_ref, pz_ref, qx_ref, qy_ref, qz_ref, d_ref, tau_ref):
    px = px_ref[0]
    py = py_ref[0]
    pz = pz_ref[0]
    qx = qx_ref[0]
    qy = qy_ref[0]
    qz = qz_ref[0]

    r2 = (px * px + py * py) + pz * pz
    q2 = (qx * qx + qy * qy) + qz * qz
    pxb = px.astype(jnp.bfloat16).astype(jnp.float32)
    pyb = py.astype(jnp.bfloat16).astype(jnp.float32)
    pzb = pz.astype(jnp.bfloat16).astype(jnp.float32)
    qxb = qx.astype(jnp.bfloat16).astype(jnp.float32)
    qyb = qy.astype(jnp.bfloat16).astype(jnp.float32)
    qzb = qz.astype(jnp.bfloat16).astype(jnp.float32)
    inner = (qxb * pxb + qyb * pyb) + qzb * pzb
    d = (q2 + r2) - 2.0 * inner

    M = d[:, 0:128]
    for c in range(1, N // 128):
        M = jnp.minimum(M, d[:, c * 128:(c + 1) * 128])

    def tbody(k, st):
        M, m = st
        m = jnp.min(M, axis=1, keepdims=True)
        M = jnp.where(M == m, jnp.inf, M)
        return (M, m)

    _, tau = lax.fori_loop(0, K, tbody, (M, jnp.zeros((G_BLK, 1), jnp.float32)))
    d_ref[...] = d
    tau_ref[0] = tau


def _knn_dist(px, py, pz, qcx, qcy, qcz, *, interpret=False):
    grid = (B, G // G_BLK)
    nj = G // G_BLK
    p_spec = pl.BlockSpec((1, 1, N), lambda b, j: (b, 0, 0))
    q_spec = pl.BlockSpec((1, G_BLK, 1), lambda b, j: (b * nj + j, 0, 0))
    d_spec = pl.BlockSpec((G_BLK, N), lambda b, j: (b * nj + j, 0))
    tau_spec = pl.BlockSpec((1, G_BLK, 1), lambda b, j: (b * nj + j, 0, 0))
    return pl.pallas_call(
        _knn_body,
        grid=grid,
        in_specs=[p_spec, p_spec, p_spec, q_spec, q_spec, q_spec],
        out_specs=[d_spec, tau_spec],
        out_shape=[
            jax.ShapeDtypeStruct((B * G, N), jnp.float32),
            jax.ShapeDtypeStruct((B * nj, G_BLK, 1), jnp.float32),
        ],
        interpret=interpret,
    )(px.reshape(B, 1, N), py.reshape(B, 1, N), pz.reshape(B, 1, N),
      qcx.reshape(-1, G_BLK, 1), qcy.reshape(-1, G_BLK, 1), qcz.reshape(-1, G_BLK, 1))



_RPW = (B * G) // _NW
_CAP = 512
_NCV = 4


def _selgather_body(d_hbm, tau_hbm, xt_hbm, ctr_hbm, out_hbm,
                    tau_v, db0, db1, cd_v, ci_v, sidx_v, rows_v, ctr_v,
                    sem0, sem1, gsem):
    wid = lax.axis_index("s") * _NC + lax.axis_index("c")
    rbase = pl.multiple_of(wid * _RPW, _RPW)
    pltpu.sync_copy(tau_hbm.at[pl.ds(rbase, _RPW)], tau_v)
    pltpu.sync_copy(ctr_hbm.at[pl.ds(rbase, _RPW)], ctr_v)
    pltpu.async_copy(d_hbm.at[rbase], db0, sem0)
    pltpu.async_copy(d_hbm.at[rbase + 1], db1, sem1)

    inf16 = jnp.full((16,), jnp.inf, jnp.float32)
    iota16 = lax.iota(jnp.int32, 16)

    def row_pair(p, _):
        for ph in range(2):
            rr = p * 2 + ph
            db = db0 if ph == 0 else db1
            sem = sem0 if ph == 0 else sem1
            pltpu.make_async_copy(d_hbm.at[rbase], db, sem).wait()
            tau_b = plsc.load_gather(tau_v, [jnp.full((16,), rr, jnp.int32)])

            def comp(c8, ptr):
                for u in range(8):
                    c = c8 * 8 + u
                    dv = db[pl.ds(c * 16, 16)]
                    msk = dv <= tau_b
                    plsc.store_compressed(ci_v.at[pl.ds(ptr, 16)],
                                          iota16 + c * 16, mask=msk)
                    cnt = plsc.all_reduce_population_count(msk)
                    ptr = jnp.minimum(ptr + cnt[0], _CAP - 16)
                return ptr

            ptr = lax.fori_loop(0, N // 16 // 8, comp, 0)

            for j in range(_NCV):
                civ = jnp.minimum(jnp.maximum(ci_v[pl.ds(j * 16, 16)], 0),
                                  N - 1)
                dv = plsc.load_gather(db, [civ])
                lane = iota16 + j * 16
                cd_v[pl.ds(j * 16, 16)] = jnp.where(lane < ptr, dv, jnp.inf)

            @pl.when(rr + 2 < _RPW)
            def _():
                pltpu.async_copy(d_hbm.at[rbase + rr + 2], db, sem)

            ebase = ((rbase + rr) >> 10) * N

            def kbody(k, st):
                acc_lo, acc_hi = st

                m = inf16
                for j in range(_NCV):
                    m = jnp.minimum(m, cd_v[pl.ds(j * 16, 16)])
                ms = jnp.min(m)

                av = jnp.full((16,), N, jnp.int32)
                for j in range(_NCV):
                    dv = cd_v[pl.ds(j * 16, 16)]
                    iv = ci_v[pl.ds(j * 16, 16)]
                    av = jnp.minimum(av, jnp.where(dv == ms, iv, N))
                a = jnp.min(av)

                for j in range(_NCV):
                    dv = cd_v[pl.ds(j * 16, 16)]
                    iv = ci_v[pl.ds(j * 16, 16)]
                    hit = jnp.logical_and(dv == ms, iv == a)
                    cd_v[pl.ds(j * 16, 16)] = jnp.where(hit, jnp.inf, dv)
                ag = a + ebase
                acc_lo = jnp.where(iota16 == k, ag, acc_lo)
                acc_hi = jnp.where(iota16 == k - 16, ag, acc_hi)
                return (acc_lo, acc_hi)

            z16 = jnp.zeros((16,), jnp.int32)
            acc_lo, acc_hi = lax.fori_loop(0, K, kbody, (z16, z16))
            sidx_v[pl.ds(rr * K, 16)] = acc_lo
            sidx_v[pl.ds(rr * K + 16, 16)] = acc_hi
        return 0

    lax.fori_loop(0, _RPW // 2, row_pair, 0)

    def chunk_body(cc, _):
        base = pl.multiple_of(cc * _CH, _CH)
        pltpu.async_copy(xt_hbm.at[sidx_v.at[pl.ds(base, _CH)]], rows_v,
                         gsem).wait()

        def grp_body(g, _):
            cv = ctr_v[cc * (_CH // K) + g]
            for j in range(K):
                rows_v[g * K + j] = rows_v[g * K + j] + cv
            return 0

        lax.fori_loop(0, _CH // K, grp_body, 0)
        obase = pl.multiple_of(wid * _EPW + cc * _CH, _CH)
        pltpu.sync_copy(rows_v, out_hbm.at[pl.ds(obase, _CH)])
        return 0

    lax.fori_loop(0, _NCH, chunk_body, 0)


def _select_gather(d, tau, xt, ctrn):
    mesh = plsc.VectorSubcoreMesh(core_axis_name="c", subcore_axis_name="s")
    f = functools.partial(
        pl.kernel,
        out_type=jax.ShapeDtypeStruct((_E, CP), jnp.float32),
        mesh=mesh,
        compiler_params=pltpu.CompilerParams(use_tc_tiling_on_sc=False,
                                             needs_layout_passes=False),
        scratch_types=[
            pltpu.VMEM((_RPW,), jnp.float32),
            pltpu.VMEM((N,), jnp.float32),
            pltpu.VMEM((N,), jnp.float32),
            pltpu.VMEM((_CAP,), jnp.float32),
            pltpu.VMEM((_CAP,), jnp.int32),
            pltpu.VMEM((_EPW,), jnp.int32),
            pltpu.VMEM((_CH, CP), jnp.float32),
            pltpu.VMEM((_RPW, CP), jnp.float32),
            pltpu.SemaphoreType.DMA,
            pltpu.SemaphoreType.DMA,
            pltpu.SemaphoreType.DMA,
        ],
    )(_selgather_body)
    return f(d, tau, xt, ctrn)



def kernel(x):
    pts = x[:, :, 4:7]
    px = pts[:, :, 0]
    py = pts[:, :, 1]
    pz = pts[:, :, 2]

    fidx, cx, cy, cz = _fps(px, py, pz)

    qcx = cx.reshape(B * G, 1)
    qcy = cy.reshape(B * G, 1)
    qcz = cz.reshape(B * G, 1)
    d, tau3 = _knn_dist(px, py, pz, qcx, qcy, qcz)
    tau = tau3.reshape(B * G)

    xt = jnp.pad(x.reshape(B * N, C), ((0, 0), (0, CP - C)))
    zc = jnp.zeros((B * G, 4), jnp.float32)
    zt = jnp.zeros((B * G, CP - 7), jnp.float32)
    ctrn = jnp.concatenate([zc, -qcx, -qcy, -qcz, zt], axis=1)

    nbh = _select_gather(d, tau, xt, ctrn)
    neighborhood = nbh.reshape(B, G, K, CP)[:, :, :, :C]
    center_xyz = jnp.stack([cx, cy, cz], axis=-1)
    return (neighborhood, center_xyz)

# --- scband reference (transcript-rebuilt; emitter-appended) ---
"""Pipeline reference for scband-group-38371237822530 (READ-ONLY COPY).

The authoritative reference and input builder live on the scoring server;
editing this copy changes nothing except your own understanding.
"""

import jax, jax.numpy as jnp
import numpy as np

NUM_GROUP = 1024
GROUP_SIZE = 32


def fps_indices(pts, n_samples):
    # pts: [B, N, 3]. Deterministic farthest point sampling starting at index 0.
    B, N, _ = pts.shape
    dists = jnp.full((B, N), jnp.inf, dtype=pts.dtype)
    idxs = jnp.zeros((B, n_samples), dtype=jnp.int32)
    last = jnp.zeros((B,), dtype=jnp.int32)

    def body(i, state):
        dists, idxs, last = state
        last_pt = jnp.take_along_axis(pts, last[:, None, None].astype(jnp.int32), axis=1)  # [B,1,3]
        d = jnp.sum((pts - last_pt) ** 2, axis=-1)  # [B,N]
        dists = jnp.minimum(dists, d)
        nxt = jnp.argmax(dists, axis=-1).astype(jnp.int32)
        idxs = idxs.at[:, i].set(nxt)
        return (dists, idxs, nxt)

    dists, idxs, last = jax.lax.fori_loop(1, n_samples, body, (dists, idxs, last))
    return idxs


def knn_indices(ref, query, k):
    # ref: [B,N,3], query: [B,G,3] -> idx [B,G,k] of nearest ref points per query
    r2 = jnp.sum(ref ** 2, axis=-1)  # [B,N]
    q2 = jnp.sum(query ** 2, axis=-1)  # [B,G]
    d = q2[:, :, None] + r2[:, None, :] - 2.0 * jnp.einsum('bgd,bnd->bgn', query, ref)  # [B,G,N]
    _, idx = jax.lax.top_k(-d, k)
    return idx


def setup_inputs(seed: int = 0) -> dict:
    key = jax.random.key(seed)
    x = jax.random.normal(key, (8, 8192, 13), dtype=jnp.float32)
    return {"x": x}


def reference(x):
    B, N, C = x.shape
    pts = x[:, :, 4:7]
    # index computations are non-differentiable (match torch KNN/FPS semantics)
    pts_ng = jax.lax.stop_gradient(pts)
    fidx = fps_indices(pts_ng, NUM_GROUP)  # [B,G]
    center_xyz = jnp.take_along_axis(pts, fidx[:, :, None].astype(jnp.int32), axis=1)  # [B,G,3]
    idx = knn_indices(pts_ng, jax.lax.stop_gradient(center_xyz), GROUP_SIZE)  # [B,G,k]
    assert idx.shape[1] == NUM_GROUP
    assert idx.shape[2] == GROUP_SIZE
    batch_idx = jnp.arange(B)[:, None, None]
    neighborhood = x[batch_idx, idx]  # [B,G,k,13]
    neighborhood = neighborhood.at[:, :, :, 4:7].add(-center_xyz[:, :, None, :])
    return (neighborhood, center_xyz)

if __name__ == "__main__":
    import jax
    _d = setup_inputs()
    print(jax.jit(kernel)(*tuple(_d.values())))

</pallas_src>

<mosaic_0001>
#map = affine_map<(d0, d1) -> (0, 0)>
#map1 = affine_map<(d0, d1) -> (0)>
module attributes {stable_mosaic.version = 14 : i64} {
  func.func @_selgather_body(%arg0: i32, %arg1: i32, %arg2: memref<8192x8192xf32, #tpu.memory_space<hbm>>, %arg3: memref<8192xf32, #tpu.memory_space<hbm>>, %arg4: memref<65536x16xf32, #tpu.memory_space<hbm>>, %arg5: memref<8192x16xf32, #tpu.memory_space<hbm>>, %arg6: memref<262144x16xf32, #tpu.memory_space<hbm>>, %arg7: memref<256xf32, #tpu.memory_space<vmem>>, %arg8: memref<8192xf32, #tpu.memory_space<vmem>>, %arg9: memref<8192xf32, #tpu.memory_space<vmem>>, %arg10: memref<512xf32, #tpu.memory_space<vmem>>, %arg11: memref<512xi32, #tpu.memory_space<vmem>>, %arg12: memref<8192xi32, #tpu.memory_space<vmem>>, %arg13: memref<1024x16xf32, #tpu.memory_space<vmem>>, %arg14: memref<256x16xf32, #tpu.memory_space<vmem>>, %arg15: memref<!tpu.dma_semaphore, #tpu.memory_space<semaphore_mem>>, %arg16: memref<!tpu.dma_semaphore, #tpu.memory_space<semaphore_mem>>, %arg17: memref<!tpu.dma_semaphore, #tpu.memory_space<semaphore_mem>>) attributes {dimension_semantics = [#tpu.dimension_semantics<core_parallel>, #tpu.dimension_semantics<subcore_parallel>], iteration_bounds = array<i64: 2, 16>, scalar_prefetch = 0 : i64, scratch_operands = 11 : i64, tpu.core_type = #tpu.core_type<sc_vector_subcore>, window_params = [{transform_indices = #map}, {transform_indices = #map1}, {transform_indices = #map}, {transform_indices = #map}, {transform_indices = #map}]} {
    %mul3A = arith.constant 2 : i32
    %mul3A_0 = arith.muli %arg1, %mul3A : i32
    %add3A = arith.addi %mul3A_0, %arg0 : i32
    %mul3A_1 = arith.constant 256 : i32
    %mul3A_2 = arith.muli %add3A, %mul3A_1 : i32
    %multiple_of3A = tpu.assume_multiple %mul3A_2, 256 : i32
    "tpu.region"() ({
      %run_scoped3A = tpu.sem_alloc : memref<!tpu.dma_semaphore, #tpu.memory_space<semaphore_mem>>
      %dma_start3A_30 = tpu.memref_slice %arg3[%multiple_of3A] : memref<8192xf32, #tpu.memory_space<hbm>> -> memref<256xf32, #tpu.memory_space<hbm>>
      %dma_start3A_31 = tpu.memref_slice %arg3[%multiple_of3A] : memref<8192xf32, #tpu.memory_space<hbm>> -> memref<256xf32, #tpu.memory_space<hbm>>
      tpu.enqueue_dma source(%dma_start3A_31 : memref<256xf32, #tpu.memory_space<hbm>>) target(%arg7 : memref<256xf32, #tpu.memory_space<vmem>>) target_semaphore(%run_scoped3A : memref<!tpu.dma_semaphore, #tpu.memory_space<semaphore_mem>>)
      %dma_wait3A = tpu.memref_slice %arg3[%multiple_of3A] : memref<8192xf32, #tpu.memory_space<hbm>> -> memref<256xf32, #tpu.memory_space<hbm>>
      %dma_wait3A_32 = tpu.memref_slice %arg3[%multiple_of3A] : memref<8192xf32, #tpu.memory_space<hbm>> -> memref<256xf32, #tpu.memory_space<hbm>>
      tpu.wait_dma2 semaphore(%run_scoped3A : memref<!tpu.dma_semaphore, #tpu.memory_space<semaphore_mem>>) src(%dma_wait3A_32 : memref<256xf32, #tpu.memory_space<hbm>>) dst(%arg7 : memref<256xf32, #tpu.memory_space<vmem>>)
      tpu.yield
    }) : () -> ()
    "tpu.region"() ({
      %run_scoped3A = tpu.sem_alloc : memref<!tpu.dma_semaphore, #tpu.memory_space<semaphore_mem>>
      %dma_start3A_30 = arith.constant 0 : i32
      %dma_start3A_31 = tpu.memref_slice %arg5[%multiple_of3A, %dma_start3A_30] : memref<8192x16xf32, #tpu.memory_space<hbm>> -> memref<256x16xf32, #tpu.memory_space<hbm>>
      %dma_start3A_32 = arith.constant 0 : i32
      %dma_start3A_33 = tpu.memref_slice %arg5[%multiple_of3A, %dma_start3A_32] : memref<8192x16xf32, #tpu.memory_space<hbm>> -> memref<256x16xf32, #tpu.memory_space<hbm>>
      tpu.enqueue_dma source(%dma_start3A_33 : memref<256x16xf32, #tpu.memory_space<hbm>>) target(%arg14 : memref<256x16xf32, #tpu.memory_space<vmem>>) target_semaphore(%run_scoped3A : memref<!tpu.dma_semaphore, #tpu.memory_space<semaphore_mem>>)
      %dma_wait3A = arith.constant 0 : i32
      %dma_wait3A_34 = tpu.memref_slice %arg5[%multiple_of3A, %dma_wait3A] : memref<8192x16xf32, #tpu.memory_space<hbm>> -> memref<256x16xf32, #tpu.memory_space<hbm>>
      %dma_wait3A_35 = arith.constant 0 : i32
      %dma_wait3A_36 = tpu.memref_slice %arg5[%multiple_of3A, %dma_wait3A_35] : memref<8192x16xf32, #tpu.memory_space<hbm>> -> memref<256x16xf32, #tpu.memory_space<hbm>>
      tpu.wait_dma2 semaphore(%run_scoped3A : memref<!tpu.dma_semaphore, #tpu.memory_space<semaphore_mem>>) src(%dma_wait3A_36 : memref<256x16xf32, #tpu.memory_space<hbm>>) dst(%arg14 : memref<256x16xf32, #tpu.memory_space<vmem>>)
      tpu.yield
    }) : () -> ()
    %dma_start3A = arith.constant 0 : i32
    %dma_start3A_3 = tpu.memref_slice %arg2[%multiple_of3A, %dma_start3A] : memref<8192x8192xf32, #tpu.memory_space<hbm>> -> memref<1x8192xf32, #tpu.memory_space<hbm>>
    %dma_start3A_4 = tpu.memref_squeeze %dma_start3A_3 : memref<1x8192xf32, #tpu.memory_space<hbm>> -> memref<8192xf32, #tpu.memory_space<hbm>>
    %dma_start3A_5 = arith.constant 0 : i32
    %dma_start3A_6 = tpu.memref_slice %arg2[%multiple_of3A, %dma_start3A_5] : memref<8192x8192xf32, #tpu.memory_space<hbm>> -> memref<1x8192xf32, #tpu.memory_space<hbm>>
    %dma_start3A_7 = tpu.memref_squeeze %dma_start3A_6 : memref<1x8192xf32, #tpu.memory_space<hbm>> -> memref<8192xf32, #tpu.memory_space<hbm>>
    tpu.enqueue_dma source(%dma_start3A_7 : memref<8192xf32, #tpu.memory_space<hbm>>) target(%arg8 : memref<8192xf32, #tpu.memory_space<vmem>>) target_semaphore(%arg15 : memref<!tpu.dma_semaphore, #tpu.memory_space<semaphore_mem>>)
    %add3A_8 = arith.constant 1 : i32
    %add3A_9 = arith.addi %multiple_of3A, %add3A_8 : i32
    %dma_start3A_10 = arith.constant 0 : i32
    %dma_start3A_11 = tpu.memref_slice %arg2[%add3A_9, %dma_start3A_10] : memref<8192x8192xf32, #tpu.memory_space<hbm>> -> memref<1x8192xf32, #tpu.memory_space<hbm>>
    %dma_start3A_12 = tpu.memref_squeeze %dma_start3A_11 : memref<1x8192xf32, #tpu.memory_space<hbm>> -> memref<8192xf32, #tpu.memory_space<hbm>>
    %dma_start3A_13 = arith.constant 0 : i32
    %dma_start3A_14 = tpu.memref_slice %arg2[%add3A_9, %dma_start3A_13] : memref<8192x8192xf32, #tpu.memory_space<hbm>> -> memref<1x8192xf32, #tpu.memory_space<hbm>>
    %dma_start3A_15 = tpu.memref_squeeze %dma_start3A_14 : memref<1x8192xf32, #tpu.memory_space<hbm>> -> memref<8192xf32, #tpu.memory_space<hbm>>
    tpu.enqueue_dma source(%dma_start3A_15 : memref<8192xf32, #tpu.memory_space<hbm>>) target(%arg9 : memref<8192xf32, #tpu.memory_space<vmem>>) target_semaphore(%arg16 : memref<!tpu.dma_semaphore, #tpu.memory_space<semaphore_mem>>)
    %broadcast_in_dim3A = arith.constant 0x7F800000 : f32
    %broadcast_in_dim3A_16 = vector.broadcast %broadcast_in_dim3A : f32 to vector<16xf32>
    %iota3A = tpu.iota {dimensions = array<i32: 0>} : vector<16xi32>
    %scan3A = arith.constant 0 : i32
    %scan3A_17 = arith.constant 0 : i32
    %scan3A_18 = arith.constant 128 : i32
    %scan3A_19 = arith.addi %scan3A_17, %scan3A_18 : i32
    %scan3A_20 = arith.constant 1 : i32
    %scan3A_21 = scf.for %scan3A_30 = %scan3A_17 to %scan3A_19 step %scan3A_20 iter_args(%scan3A_31 = %scan3A) -> (i32)  : i32 {
      %mul3A_32 = arith.constant 2 : i32
      %mul3A_33 = arith.muli %scan3A_30, %mul3A_32 : i32
      %add3A_34 = arith.constant 0 : i32
      %add3A_35 = arith.addi %mul3A_33, %add3A_34 : i32
      %dma_wait3A = arith.constant 0 : i32
      %dma_wait3A_36 = tpu.memref_slice %arg2[%multiple_of3A, %dma_wait3A] : memref<8192x8192xf32, #tpu.memory_space<hbm>> -> memref<1x8192xf32, #tpu.memory_space<hbm>>
      %dma_wait3A_37 = tpu.memref_squeeze %dma_wait3A_36 : memref<1x8192xf32, #tpu.memory_space<hbm>> -> memref<8192xf32, #tpu.memory_space<hbm>>
      %dma_wait3A_38 = arith.constant 0 : i32
      %dma_wait3A_39 = tpu.memref_slice %arg2[%multiple_of3A, %dma_wait3A_38] : memref<8192x8192xf32, #tpu.memory_space<hbm>> -> memref<1x8192xf32, #tpu.memory_space<hbm>>
      %dma_wait3A_40 = tpu.memref_squeeze %dma_wait3A_39 : memref<1x8192xf32, #tpu.memory_space<hbm>> -> memref<8192xf32, #tpu.memory_space<hbm>>
      tpu.wait_dma2 semaphore(%arg15 : memref<!tpu.dma_semaphore, #tpu.memory_space<semaphore_mem>>) src(%dma_wait3A_40 : memref<8192xf32, #tpu.memory_space<hbm>>) dst(%arg8 : memref<8192xf32, #tpu.memory_space<vmem>>)
      %broadcast_in_dim3A_41 = vector.broadcast %add3A_35 : i32 to vector<16xi32>
      %gather3A = tpu.vector_load_idx %arg7[%broadcast_in_dim3A_41] : memref<256xf32, #tpu.memory_space<vmem>>[vector<16xi32>], vector<16xf32>,
      %scan3A_42 = arith.constant 0 : i32
      %scan3A_43 = arith.constant 0 : i32
      %scan3A_44 = arith.constant 64 : i32
      %scan3A_45 = arith.addi %scan3A_43, %scan3A_44 : i32
      %scan3A_46 = arith.constant 1 : i32
      %scan3A_47 = scf.for %scan3A_271 = %scan3A_43 to %scan3A_45 step %scan3A_46 iter_args(%scan3A_272 = %scan3A_42) -> (i32)  : i32 {
        %mul3A_273 = arith.constant 8 : i32
        %mul3A_274 = arith.muli %scan3A_271, %mul3A_273 : i32
        %add3A_275 = arith.constant 0 : i32
        %add3A_276 = arith.addi %mul3A_274, %add3A_275 : i32
        %mul3A_277 = arith.constant 16 : i32
        %mul3A_278 = arith.muli %add3A_276, %mul3A_277 : i32
        %get3A_279 = arith.index_cast %mul3A_278 : i32 to index
        %get3A_280 = tpu.vector_load %arg8[%get3A_279] {strides = array<i32>} : memref<8192xf32, #tpu.memory_space<vmem>>, vector<16xf32>,
        %le3A = arith.cmpf ole, %get3A_280, %gather3A : vector<16xf32>
        %mul3A_281 = arith.constant 16 : i32
        %mul3A_282 = arith.muli %add3A_276, %mul3A_281 : i32
        %add3A_283 = vector.broadcast %mul3A_282 : i32 to vector<16xi32>
        %add3A_284 = arith.addi %iota3A, %add3A_283 : vector<16xi32>
        %swap3A_285 = arith.index_cast %scan3A_272 : i32 to index
        %swap3A_286 = tpu.vector_load %arg11[%swap3A_285] masked %le3A {strides = array<i32>} : memref<512xi32, #tpu.memory_space<vmem>>, vector<16xi32>, vector<16xi1>
        tpu.vector_store %arg11[%swap3A_285], %add3A_284 masked %le3A {strides = array<i32>} : memref<512xi32, #tpu.memory_space<vmem>>, vector<16xi32>, vector<16xi1>
        %all_reduce_population_count3A = tpu.all_reduce %le3A {dim = 0 : i64, kind = #tpu.reduction_kind<sum>} : vector<16xi1> -> vector<16xi32>
        %slice3A = vector.extract_strided_slice %all_reduce_population_count3A {offsets = [0], sizes = [1], strides = [1]} : vector<16xi32> to vector<1xi32>
        %squeeze3A = vector.extract %slice3A[0] : i32 from vector<1xi32>
        %add3A_287 = arith.addi %scan3A_272, %squeeze3A : i32
        %min3A_288 = arith.constant 496 : i32
        %min3A_289 = arith.minsi %add3A_287, %min3A_288 : i32
        %mul3A_290 = arith.constant 8 : i32
        %mul3A_291 = arith.muli %scan3A_271, %mul3A_290 : i32
        %add3A_292 = arith.constant 1 : i32
        %add3A_293 = arith.addi %mul3A_291, %add3A_292 : i32
        %mul3A_294 = arith.constant 16 : i32
        %mul3A_295 = arith.muli %add3A_293, %mul3A_294 : i32
        %get3A_296 = arith.index_cast %mul3A_295 : i32 to index
        %get3A_297 = tpu.vector_load %arg8[%get3A_296] {strides = array<i32>} : memref<8192xf32, #tpu.memory_space<vmem>>, vector<16xf32>,
        %le3A_298 = arith.cmpf ole, %get3A_297, %gather3A : vector<16xf32>
        %mul3A_299 = arith.constant 16 : i32
        %mul3A_300 = arith.muli %add3A_293, %mul3A_299 : i32
        %add3A_301 = vector.broadcast %mul3A_300 : i32 to vector<16xi32>
        %add3A_302 = arith.addi %iota3A, %add3A_301 : vector<16xi32>
        %swap3A_303 = arith.index_cast %min3A_289 : i32 to index
        %swap3A_304 = tpu.vector_load %arg11[%swap3A_303] masked %le3A_298 {strides = array<i32>} : memref<512xi32, #tpu.memory_space<vmem>>, vector<16xi32>, vector<16xi1>
        tpu.vector_store %arg11[%swap3A_303], %add3A_302 masked %le3A_298 {strides = array<i32>} : memref<512xi32, #tpu.memory_space<vmem>>, vector<16xi32>, vector<16xi1>
        %all_reduce_population_count3A_305 = tpu.all_reduce %le3A_298 {dim = 0 : i64, kind = #tpu.reduction_kind<sum>} : vector<16xi1> -> vector<16xi32>
        %slice3A_306 = vector.extract_strided_slice %all_reduce_population_count3A_305 {offsets = [0], sizes = [1], strides = [1]} : vector<16xi32> to vector<1xi32>
        %squeeze3A_307 = vector.extract %slice3A_306[0] : i32 from vector<1xi32>
        %add3A_308 = arith.addi %min3A_289, %squeeze3A_307 : i32
        %min3A_309 = arith.constant 496 : i32
        %min3A_310 = arith.minsi %add3A_308, %min3A_309 : i32
        %mul3A_311 = arith.constant 8 : i32
        %mul3A_312 = arith.muli %scan3A_271, %mul3A_311 : i32
        %add3A_313 = arith.constant 2 : i32
        %add3A_314 = arith.addi %mul3A_312, %add3A_313 : i32
        %mul3A_315 = arith.constant 16 : i32
        %mul3A_316 = arith.muli %add3A_314, %mul3A_315 : i32
        %get3A_317 = arith.index_cast %mul3A_316 : i32 to index
        %get3A_318 = tpu.vector_load %arg8[%get3A_317] {strides = array<i32>} : memref<8192xf32, #tpu.memory_space<vmem>>, vector<16xf32>,
        %le3A_319 = arith.cmpf ole, %get3A_318, %gather3A : vector<16xf32>
        %mul3A_320 = arith.constant 16 : i32
        %mul3A_321 = arith.muli %add3A_314, %mul3A_320 : i32
        %add3A_322 = vector.broadcast %mul3A_321 : i32 to vector<16xi32>
        %add3A_323 = arith.addi %iota3A, %add3A_322 : vector<16xi32>
        %swap3A_324 = arith.index_cast %min3A_310 : i32 to index
        %swap3A_325 = tpu.vector_load %arg11[%swap3A_324] masked %le3A_319 {strides = array<i32>} : memref<512xi32, #tpu.memory_space<vmem>>, vector<16xi32>, vector<16xi1>
        tpu.vector_store %arg11[%swap3A_324], %add3A_323 masked %le3A_319 {strides = array<i32>} : memref<512xi32, #tpu.memory_space<vmem>>, vector<16xi32>, vector<16xi1>
        %all_reduce_population_count3A_326 = tpu.all_reduce %le3A_319 {dim = 0 : i64, kind = #tpu.reduction_kind<sum>} : vector<16xi1> -> vector<16xi32>
        %slice3A_327 = vector.extract_strided_slice %all_reduce_population_count3A_326 {offsets = [0], sizes = [1], strides = [1]} : vector<16xi32> to vector<1xi32>
        %squeeze3A_328 = vector.extract %slice3A_327[0] : i32 from vector<1xi32>
        %add3A_329 = arith.addi %min3A_310, %squeeze3A_328 : i32
        %min3A_330 = arith.constant 496 : i32
        %min3A_331 = arith.minsi %add3A_329, %min3A_330 : i32
        %mul3A_332 = arith.constant 8 : i32
        %mul3A_333 = arith.muli %scan3A_271, %mul3A_332 : i32
        %add3A_334 = arith.constant 3 : i32
        %add3A_335 = arith.addi %mul3A_333, %add3A_334 : i32
        %mul3A_336 = arith.constant 16 : i32
        %mul3A_337 = arith.muli %add3A_335, %mul3A_336 : i32
        %get3A_338 = arith.index_cast %mul3A_337 : i32 to index
        %get3A_339 = tpu.vector_load %arg8[%get3A_338] {strides = array<i32>} : memref<8192xf32, #tpu.memory_space<vmem>>, vector<16xf32>,
        %le3A_340 = arith.cmpf ole, %get3A_339, %gather3A : vector<16xf32>
        %mul3A_341 = arith.constant 16 : i32
        %mul3A_342 = arith.muli %add3A_335, %mul3A_341 : i32
        %add3A_343 = vector.broadcast %mul3A_342 : i32 to vector<16xi32>
        %add3A_344 = arith.addi %iota3A, %add3A_343 : vector<16xi32>
        %swap3A_345 = arith.index_cast %min3A_331 : i32 to index
        %swap3A_346 = tpu.vector_load %arg11[%swap3A_345] masked %le3A_340 {strides = array<i32>} : memref<512xi32, #tpu.memory_space<vmem>>, vector<16xi32>, vector<16xi1>
        tpu.vector_store %arg11[%swap3A_345], %add3A_344 masked %le3A_340 {strides = array<i32>} : memref<512xi32, #tpu.memory_space<vmem>>, vector<16xi32>, vector<16xi1>
        %all_reduce_population_count3A_347 = tpu.all_reduce %le3A_340 {dim = 0 : i64, kind = #tpu.reduction_kind<sum>} : vector<16xi1> -> vector<16xi32>
        %slice3A_348 = vector.extract_strided_slice %all_reduce_population_count3A_347 {offsets = [0], sizes = [1], strides = [1]} : vector<16xi32> to vector<1xi32>
        %squeeze3A_349 = vector.extract %slice3A_348[0] : i32 from vector<1xi32>
        %add3A_350 = arith.addi %min3A_331, %squeeze3A_349 : i32
        %min3A_351 = arith.constant 496 : i32
        %min3A_352 = arith.minsi %add3A_350, %min3A_351 : i32
        %mul3A_353 = arith.constant 8 : i32
        %mul3A_354 = arith.muli %scan3A_271, %mul3A_353 : i32
        %add3A_355 = arith.constant 4 : i32
        %add3A_356 = arith.addi %mul3A_354, %add3A_355 : i32
        %mul3A_357 = arith.constant 16 : i32
        %mul3A_358 = arith.muli %add3A_356, %mul3A_357 : i32
        %get3A_359 = arith.index_cast %mul3A_358 : i32 to index
        %get3A_360 = tpu.vector_load %arg8[%get3A_359] {strides = array<i32>} : memref<8192xf32, #tpu.memory_space<vmem>>, vector<16xf32>,
        %le3A_361 = arith.cmpf ole, %get3A_360, %gather3A : vector<16xf32>
        %mul3A_362 = arith.constant 16 : i32
        %mul3A_363 = arith.muli %add3A_356, %mul3A_362 : i32
        %add3A_364 = vector.broadcast %mul3A_363 : i32 to vector<16xi32>
        %add3A_365 = arith.addi %iota3A, %add3A_364 : vector<16xi32>
        %swap3A_366 = arith.index_cast %min3A_352 : i32 to index
        %swap3A_367 = tpu.vector_load %arg11[%swap3A_366] masked %le3A_361 {strides = array<i32>} : memref<512xi32, #tpu.memory_space<vmem>>, vector<16xi32>, vector<16xi1>
        tpu.vector_store %arg11[%swap3A_366], %add3A_365 masked %le3A_361 {strides = array<i32>} : memref<512xi32, #tpu.memory_space<vmem>>, vector<16xi32>, vector<16xi1>
        %all_reduce_population_count3A_368 = tpu.all_reduce %le3A_361 {dim = 0 : i64, kind = #tpu.reduction_kind<sum>} : vector<16xi1> -> vector<16xi32>
        %slice3A_369 = vector.extract_strided_slice %all_reduce_population_count3A_368 {offsets = [0], sizes = [1], strides = [1]} : vector<16xi32> to vector<1xi32>
        %squeeze3A_370 = vector.extract %slice3A_369[0] : i32 from vector<1xi32>
        %add3A_371 = arith.addi %min3A_352, %squeeze3A_370 : i32
        %min3A_372 = arith.constant 496 : i32
        %min3A_373 = arith.minsi %add3A_371, %min3A_372 : i32
        %mul3A_374 = arith.constant 8 : i32
        %mul3A_375 = arith.muli %scan3A_271, %mul3A_374 : i32
        %add3A_376 = arith.constant 5 : i32
        %add3A_377 = arith.addi %mul3A_375, %add3A_376 : i32
        %mul3A_378 = arith.constant 16 : i32
        %mul3A_379 = arith.muli %add3A_377, %mul3A_378 : i32
        %get3A_380 = arith.index_cast %mul3A_379 : i32 to index
        %get3A_381 = tpu.vector_load %arg8[%get3A_380] {strides = array<i32>} : memref<8192xf32, #tpu.memory_space<vmem>>, vector<16xf32>,
        %le3A_382 = arith.cmpf ole, %get3A_381, %gather3A : vector<16xf32>
        %mul3A_383 = arith.constant 16 : i32
        %mul3A_384 = arith.muli %add3A_377, %mul3A_383 : i32
        %add3A_385 = vector.broadcast %mul3A_384 : i32 to vector<16xi32>
        %add3A_386 = arith.addi %iota3A, %add3A_385 : vector<16xi32>
        %swap3A_387 = arith.index_cast %min3A_373 : i32 to index
        %swap3A_388 = tpu.vector_load %arg11[%swap3A_387] masked %le3A_382 {strides = array<i32>} : memref<512xi32, #tpu.memory_space<vmem>>, vector<16xi32>, vector<16xi1>
        tpu.vector_store %arg11[%swap3A_387], %add3A_386 masked %le3A_382 {strides = array<i32>} : memref<512xi32, #tpu.memory_space<vmem>>, vector<16xi32>, vector<16xi1>
        %all_reduce_population_count3A_389 = tpu.all_reduce %le3A_382 {dim = 0 : i64, kind = #tpu.reduction_kind<sum>} : vector<16xi1> -> vector<16xi32>
        %slice3A_390 = vector.extract_strided_slice %all_reduce_population_count3A_389 {offsets = [0], sizes = [1], strides = [1]} : vector<16xi32> to vector<1xi32>
        %squeeze3A_391 = vector.extract %slice3A_390[0] : i32 from vector<1xi32>
        %add3A_392 = arith.addi %min3A_373, %squeeze3A_391 : i32
        %min3A_393 = arith.constant 496 : i32
        %min3A_394 = arith.minsi %add3A_392, %min3A_393 : i32
        %mul3A_395 = arith.constant 8 : i32
        %mul3A_396 = arith.muli %scan3A_271, %mul3A_395 : i32
        %add3A_397 = arith.constant 6 : i32
        %add3A_398 = arith.addi %mul3A_396, %add3A_397 : i32
        %mul3A_399 = arith.constant 16 : i32
        %mul3A_400 = arith.muli %add3A_398, %mul3A_399 : i32
        %get3A_401 = arith.index_cast %mul3A_400 : i32 to index
        %get3A_402 = tpu.vector_load %arg8[%get3A_401] {strides = array<i32>} : memref<8192xf32, #tpu.memory_space<vmem>>, vector<16xf32>,
        %le3A_403 = arith.cmpf ole, %get3A_402, %gather3A : vector<16xf32>
        %mul3A_404 = arith.constant 16 : i32
        %mul3A_405 = arith.muli %add3A_398, %mul3A_404 : i32
        %add3A_406 = vector.broadcast %mul3A_405 : i32 to vector<16xi32>
        %add3A_407 = arith.addi %iota3A, %add3A_406 : vector<16xi32>
        %swap3A_408 = arith.index_cast %min3A_394 : i32 to index
        %swap3A_409 = tpu.vector_load %arg11[%swap3A_408] masked %le3A_403 {strides = array<i32>} : memref<512xi32, #tpu.memory_space<vmem>>, vector<16xi32>, vector<16xi1>
        tpu.vector_store %arg11[%swap3A_408], %add3A_407 masked %le3A_403 {strides = array<i32>} : memref<512xi32, #tpu.memory_space<vmem>>, vector<16xi32>, vector<16xi1>
        %all_reduce_population_count3A_410 = tpu.all_reduce %le3A_403 {dim = 0 : i64, kind = #tpu.reduction_kind<sum>} : vector<16xi1> -> vector<16xi32>
        %slice3A_411 = vector.extract_strided_slice %all_reduce_population_count3A_410 {offsets = [0], sizes = [1], strides = [1]} : vector<16xi32> to vector<1xi32>
        %squeeze3A_412 = vector.extract %slice3A_411[0] : i32 from vector<1xi32>
        %add3A_413 = arith.addi %min3A_394, %squeeze3A_412 : i32
        %min3A_414 = arith.constant 496 : i32
        %min3A_415 = arith.minsi %add3A_413, %min3A_414 : i32
        %mul3A_416 = arith.constant 8 : i32
        %mul3A_417 = arith.muli %scan3A_271, %mul3A_416 : i32
        %add3A_418 = arith.constant 7 : i32
        %add3A_419 = arith.addi %mul3A_417, %add3A_418 : i32
        %mul3A_420 = arith.constant 16 : i32
        %mul3A_421 = arith.muli %add3A_419, %mul3A_420 : i32
        %get3A_422 = arith.index_cast %mul3A_421 : i32 to index
        %get3A_423 = tpu.vector_load %arg8[%get3A_422] {strides = array<i32>} : memref<8192xf32, #tpu.memory_space<vmem>>, vector<16xf32>,
        %le3A_424 = arith.cmpf ole, %get3A_423, %gather3A : vector<16xf32>
        %mul3A_425 = arith.constant 16 : i32
        %mul3A_426 = arith.muli %add3A_419, %mul3A_425 : i32
        %add3A_427 = vector.broadcast %mul3A_426 : i32 to vector<16xi32>
        %add3A_428 = arith.addi %iota3A, %add3A_427 : vector<16xi32>
        %swap3A_429 = arith.index_cast %min3A_415 : i32 to index
        %swap3A_430 = tpu.vector_load %arg11[%swap3A_429] masked %le3A_424 {strides = array<i32>} : memref<512xi32, #tpu.memory_space<vmem>>, vector<16xi32>, vector<16xi1>
        tpu.vector_store %arg11[%swap3A_429], %add3A_428 masked %le3A_424 {strides = array<i32>} : memref<512xi32, #tpu.memory_space<vmem>>, vector<16xi32>, vector<16xi1>
        %all_reduce_population_count3A_431 = tpu.all_reduce %le3A_424 {dim = 0 : i64, kind = #tpu.reduction_kind<sum>} : vector<16xi1> -> vector<16xi32>
        %slice3A_432 = vector.extract_strided_slice %all_reduce_population_count3A_431 {offsets = [0], sizes = [1], strides = [1]} : vector<16xi32> to vector<1xi32>
        %squeeze3A_433 = vector.extract %slice3A_432[0] : i32 from vector<1xi32>
        %add3A_434 = arith.addi %min3A_415, %squeeze3A_433 : i32
        %min3A_435 = arith.constant 496 : i32
        %min3A_436 = arith.minsi %add3A_434, %min3A_435 : i32
        scf.yield %min3A_436 : i32
      }
      %scan3A_48 = arith.constant 64 : i32
      %get3A = arith.constant 0 : index
      %get3A_49 = tpu.vector_load %arg11[%get3A] {strides = array<i32>} : memref<512xi32, #tpu.memory_space<vmem>>, vector<16xi32>,
      %max3A = arith.constant 0 : i32
      %max3A_50 = vector.broadcast %max3A : i32 to vector<16xi32>
      %max3A_51 = arith.maxsi %get3A_49, %max3A_50 : vector<16xi32>
      %min3A = arith.constant 8191 : i32
      %min3A_52 = vector.broadcast %min3A : i32 to vector<16xi32>
      %min3A_53 = arith.minsi %max3A_51, %min3A_52 : vector<16xi32>
      %gather3A_54 = tpu.vector_load_idx %arg8[%min3A_53] : memref<8192xf32, #tpu.memory_space<vmem>>[vector<16xi32>], vector<16xf32>,
      %add3A_55 = arith.constant 0 : i32
      %add3A_56 = vector.broadcast %add3A_55 : i32 to vector<16xi32>
      %add3A_57 = arith.addi %iota3A, %add3A_56 : vector<16xi32>
      %lt3A = vector.broadcast %scan3A_47 : i32 to vector<16xi32>
      %lt3A_58 = arith.cmpi slt, %add3A_57, %lt3A : vector<16xi32>
      %jit3A = arith.constant 0x7F800000 : f32
      %broadcast_in_dim3A_59 = vector.broadcast %jit3A : f32 to vector<16xf32>
      %select_n3A = arith.select %lt3A_58, %gather3A_54, %broadcast_in_dim3A_59 : vector<16xi1>, vector<16xf32>
      %swap3A = arith.constant 0 : index
      %swap3A_60 = tpu.vector_load %arg10[%swap3A] {strides = array<i32>} : memref<512xf32, #tpu.memory_space<vmem>>, vector<16xf32>,
      tpu.vector_store %arg10[%swap3A], %select_n3A {strides = array<i32>} : memref<512xf32, #tpu.memory_space<vmem>>, vector<16xf32>,
      %get3A_61 = arith.constant 16 : index
      %get3A_62 = tpu.vector_load %arg11[%get3A_61] {strides = array<i32>} : memref<512xi32, #tpu.memory_space<vmem>>, vector<16xi32>,
      %max3A_63 = arith.constant 0 : i32
      %max3A_64 = vector.broadcast %max3A_63 : i32 to vector<16xi32>
      %max3A_65 = arith.maxsi %get3A_62, %max3A_64 : vector<16xi32>
      %min3A_66 = arith.constant 8191 : i32
      %min3A_67 = vector.broadcast %min3A_66 : i32 to vector<16xi32>
      %min3A_68 = arith.minsi %max3A_65, %min3A_67 : vector<16xi32>
      %gather3A_69 = tpu.vector_load_idx %arg8[%min3A_68] : memref<8192xf32, #tpu.memory_space<vmem>>[vector<16xi32>], vector<16xf32>,
      %add3A_70 = arith.constant 16 : i32
      %add3A_71 = vector.broadcast %add3A_70 : i32 to vector<16xi32>
      %add3A_72 = arith.addi %iota3A, %add3A_71 : vector<16xi32>
      %lt3A_73 = vector.broadcast %scan3A_47 : i32 to vector<16xi32>
      %lt3A_74 = arith.cmpi slt, %add3A_72, %lt3A_73 : vector<16xi32>
      %jit3A_75 = arith.constant 0x7F800000 : f32
      %broadcast_in_dim3A_76 = vector.broadcast %jit3A_75 : f32 to vector<16xf32>
      %select_n3A_77 = arith.select %lt3A_74, %gather3A_69, %broadcast_in_dim3A_76 : vector<16xi1>, vector<16xf32>
      %swap3A_78 = arith.constant 16 : index
      %swap3A_79 = tpu.vector_load %arg10[%swap3A_78] {strides = array<i32>} : memref<512xf32, #tpu.memory_space<vmem>>, vector<16xf32>,
      tpu.vector_store %arg10[%swap3A_78], %select_n3A_77 {strides = array<i32>} : memref<512xf32, #tpu.memory_space<vmem>>, vector<16xf32>,
      %get3A_80 = arith.constant 32 : index
      %get3A_81 = tpu.vector_load %arg11[%get3A_80] {strides = array<i32>} : memref<512xi32, #tpu.memory_space<vmem>>, vector<16xi32>,
      %max3A_82 = arith.constant 0 : i32
      %max3A_83 = vector.broadcast %max3A_82 : i32 to vector<16xi32>
      %max3A_84 = arith.maxsi %get3A_81, %max3A_83 : vector<16xi32>
      %min3A_85 = arith.constant 8191 : i32
      %min3A_86 = vector.broadcast %min3A_85 : i32 to vector<16xi32>
      %min3A_87 = arith.minsi %max3A_84, %min3A_86 : vector<16xi32>
      %gather3A_88 = tpu.vector_load_idx %arg8[%min3A_87] : memref<8192xf32, #tpu.memory_space<vmem>>[vector<16xi32>], vector<16xf32>,
      %add3A_89 = arith.constant 32 : i32
      %add3A_90 = vector.broadcast %add3A_89 : i32 to vector<16xi32>
      %add3A_91 = arith.addi %iota3A, %add3A_90 : vector<16xi32>
      %lt3A_92 = vector.broadcast %scan3A_47 : i32 to vector<16xi32>
      %lt3A_93 = arith.cmpi slt, %add3A_91, %lt3A_92 : vector<16xi32>
      %jit3A_94 = arith.constant 0x7F800000 : f32
      %broadcast_in_dim3A_95 = vector.broadcast %jit3A_94 : f32 to vector<16xf32>
      %select_n3A_96 = arith.select %lt3A_93, %gather3A_88, %broadcast_in_dim3A_95 : vector<16xi1>, vector<16xf32>
      %swap3A_97 = arith.constant 32 : index
      %swap3A_98 = tpu.vector_load %arg10[%swap3A_97] {strides = array<i32>} : memref<512xf32, #tpu.memory_space<vmem>>, vector<16xf32>,
      tpu.vector_store %arg10[%swap3A_97], %select_n3A_96 {strides = array<i32>} : memref<512xf32, #tpu.memory_space<vmem>>, vector<16xf32>,
      %get3A_99 = arith.constant 48 : index
      %get3A_100 = tpu.vector_load %arg11[%get3A_99] {strides = array<i32>} : memref<512xi32, #tpu.memory_space<vmem>>, vector<16xi32>,
      %max3A_101 = arith.constant 0 : i32
      %max3A_102 = vector.broadcast %max3A_101 : i32 to vector<16xi32>
      %max3A_103 = arith.maxsi %get3A_100, %max3A_102 : vector<16xi32>
      %min3A_104 = arith.constant 8191 : i32
      %min3A_105 = vector.broadcast %min3A_104 : i32 to vector<16xi32>
      %min3A_106 = arith.minsi %max3A_103, %min3A_105 : vector<16xi32>
      %gather3A_107 = tpu.vector_load_idx %arg8[%min3A_106] : memref<8192xf32, #tpu.memory_space<vmem>>[vector<16xi32>], vector<16xf32>,
      %add3A_108 = arith.constant 48 : i32
      %add3A_109 = vector.broadcast %add3A_108 : i32 to vector<16xi32>
      %add3A_110 = arith.addi %iota3A, %add3A_109 : vector<16xi32>
      %lt3A_111 = vector.broadcast %scan3A_47 : i32 to vector<16xi32>
      %lt3A_112 = arith.cmpi slt, %add3A_110, %lt3A_111 : vector<16xi32>
      %jit3A_113 = arith.constant 0x7F800000 : f32
      %broadcast_in_dim3A_114 = vector.broadcast %jit3A_113 : f32 to vector<16xf32>
      %select_n3A_115 = arith.select %lt3A_112, %gather3A_107, %broadcast_in_dim3A_114 : vector<16xi1>, vector<16xf32>
      %swap3A_116 = arith.constant 48 : index
      %swap3A_117 = tpu.vector_load %arg10[%swap3A_116] {strides = array<i32>} : memref<512xf32, #tpu.memory_space<vmem>>, vector<16xf32>,
      tpu.vector_store %arg10[%swap3A_116], %select_n3A_115 {strides = array<i32>} : memref<512xf32, #tpu.memory_space<vmem>>, vector<16xf32>,
      %add3A_118 = arith.constant 2 : i32
      %add3A_119 = arith.addi %add3A_35, %add3A_118 : i32
      %lt3A_120 = arith.constant 256 : i32
      %lt3A_121 = arith.cmpi slt, %add3A_119, %lt3A_120 : i32
      %convert_element_type3A = arith.extui %lt3A_121 : i1 to i32
      %cond3A = arith.constant 0 : i32
      %cond3A_122 = arith.cmpi ne, %convert_element_type3A, %cond3A : i32
      scf.if %cond3A_122 {
        %add3A_271 = arith.addi %multiple_of3A, %add3A_35 : i32
        %add3A_272 = arith.constant 2 : i32
        %add3A_273 = arith.addi %add3A_271, %add3A_272 : i32
        %dma_start3A_274 = arith.constant 0 : i32
        %dma_start3A_275 = tpu.memref_slice %arg2[%add3A_273, %dma_start3A_274] : memref<8192x8192xf32, #tpu.memory_space<hbm>> -> memref<1x8192xf32, #tpu.memory_space<hbm>>
        %dma_start3A_276 = tpu.memref_squeeze %dma_start3A_275 : memref<1x8192xf32, #tpu.memory_space<hbm>> -> memref<8192xf32, #tpu.memory_space<hbm>>
        %dma_start3A_277 = arith.constant 0 : i32
        %dma_start3A_278 = tpu.memref_slice %arg2[%add3A_273, %dma_start3A_277] : memref<8192x8192xf32, #tpu.memory_space<hbm>> -> memref<1x8192xf32, #tpu.memory_space<hbm>>
        %dma_start3A_279 = tpu.memref_squeeze %dma_start3A_278 : memref<1x8192xf32, #tpu.memory_space<hbm>> -> memref<8192xf32, #tpu.memory_space<hbm>>
        tpu.enqueue_dma source(%dma_start3A_279 : memref<8192xf32, #tpu.memory_space<hbm>>) target(%arg8 : memref<8192xf32, #tpu.memory_space<vmem>>) target_semaphore(%arg15 : memref<!tpu.dma_semaphore, #tpu.memory_space<semaphore_mem>>)
      } else {
      }
      %add3A_123 = arith.addi %multiple_of3A, %add3A_35 : i32
      %shift_right_arithmetic3A = arith.constant 10 : i32
      %shift_right_arithmetic3A_124 = arith.shrsi %add3A_123, %shift_right_arithmetic3A : i32
      %mul3A_125 = arith.constant 8192 : i32
      %mul3A_126 = arith.muli %shift_right_arithmetic3A_124, %mul3A_125 : i32
      %broadcast_in_dim3A_127 = arith.constant 0 : i32
      %broadcast_in_dim3A_128 = vector.broadcast %broadcast_in_dim3A_127 : i32 to vector<16xi32>
      %scan3A_129 = arith.constant 0 : i32
      %scan3A_130 = arith.constant 32 : i32
      %scan3A_131 = arith.addi %scan3A_129, %scan3A_130 : i32
      %scan3A_132 = arith.constant 1 : i32
      %scan3A_133:2 = scf.for %scan3A_271 = %scan3A_129 to %scan3A_131 step %scan3A_132 iter_args(%scan3A_272 = %broadcast_in_dim3A_128, %scan3A_273 = %broadcast_in_dim3A_128) -> (vector<16xi32>, vector<16xi32>)  : i32 {
        %get3A_274 = arith.constant 0 : index
        %get3A_275 = tpu.vector_load %arg10[%get3A_274] {strides = array<i32>} : memref<512xf32, #tpu.memory_space<vmem>>, vector<16xf32>,
        %min3A_276 = arith.minimumf %broadcast_in_dim3A_16, %get3A_275 : vector<16xf32>
        %get3A_277 = arith.constant 16 : index
        %get3A_278 = tpu.vector_load %arg10[%get3A_277] {strides = array<i32>} : memref<512xf32, #tpu.memory_space<vmem>>, vector<16xf32>,
        %min3A_279 = arith.minimumf %min3A_276, %get3A_278 : vector<16xf32>
        %get3A_280 = arith.constant 32 : index
        %get3A_281 = tpu.vector_load %arg10[%get3A_280] {strides = array<i32>} : memref<512xf32, #tpu.memory_space<vmem>>, vector<16xf32>,
        %min3A_282 = arith.minimumf %min3A_279, %get3A_281 : vector<16xf32>
        %get3A_283 = arith.constant 48 : index
        %get3A_284 = tpu.vector_load %arg10[%get3A_283] {strides = array<i32>} : memref<512xf32, #tpu.memory_space<vmem>>, vector<16xf32>,
        %min3A_285 = arith.minimumf %min3A_282, %get3A_284 : vector<16xf32>
        %reduce_min3A = arith.constant true
        %reduce_min3A_286 = vector.broadcast %reduce_min3A : i1 to vector<16xi1>
        %reduce_min3A_287 = tpu.scan <min>, %min3A_285 masked %reduce_min3A_286 : vector<16xf32>, vector<16xi1> -> vector<16xf32>
        %reduce_min3A_288 = vector.extract %reduce_min3A_287[15] : f32 from vector<16xf32>
        %broadcast_in_dim3A_289 = arith.constant 8192 : i32
        %broadcast_in_dim3A_290 = vector.broadcast %broadcast_in_dim3A_289 : i32 to vector<16xi32>
        %get3A_291 = arith.constant 0 : index
        %get3A_292 = tpu.vector_load %arg10[%get3A_291] {strides = array<i32>} : memref<512xf32, #tpu.memory_space<vmem>>, vector<16xf32>,
        %get3A_293 = arith.constant 0 : index
        %get3A_294 = tpu.vector_load %arg11[%get3A_293] {strides = array<i32>} : memref<512xi32, #tpu.memory_space<vmem>>, vector<16xi32>,
        %eq3A = vector.broadcast %reduce_min3A_288 : f32 to vector<16xf32>
        %eq3A_295 = arith.cmpf oeq, %get3A_292, %eq3A : vector<16xf32>
        %jit3A_296 = arith.constant 8192 : i32
        %broadcast_in_dim3A_297 = vector.broadcast %jit3A_296 : i32 to vector<16xi32>
        %select_n3A_298 = arith.select %eq3A_295, %get3A_294, %broadcast_in_dim3A_297 : vector<16xi1>, vector<16xi32>
        %min3A_299 = arith.minsi %broadcast_in_dim3A_290, %select_n3A_298 : vector<16xi32>
        %get3A_300 = arith.constant 16 : index
        %get3A_301 = tpu.vector_load %arg10[%get3A_300] {strides = array<i32>} : memref<512xf32, #tpu.memory_space<vmem>>, vector<16xf32>,
        %get3A_302 = arith.constant 16 : index
        %get3A_303 = tpu.vector_load %arg11[%get3A_302] {strides = array<i32>} : memref<512xi32, #tpu.memory_space<vmem>>, vector<16xi32>,
        %eq3A_304 = vector.broadcast %reduce_min3A_288 : f32 to vector<16xf32>
        %eq3A_305 = arith.cmpf oeq, %get3A_301, %eq3A_304 : vector<16xf32>
        %jit3A_306 = arith.constant 8192 : i32
        %broadcast_in_dim3A_307 = vector.broadcast %jit3A_306 : i32 to vector<16xi32>
        %select_n3A_308 = arith.select %eq3A_305, %get3A_303, %broadcast_in_dim3A_307 : vector<16xi1>, vector<16xi32>
        %min3A_309 = arith.minsi %min3A_299, %select_n3A_308 : vector<16xi32>
        %get3A_310 = arith.constant 32 : index
        %get3A_311 = tpu.vector_load %arg10[%get3A_310] {strides = array<i32>} : memref<512xf32, #tpu.memory_space<vmem>>, vector<16xf32>,
        %get3A_312 = arith.constant 32 : index
        %get3A_313 = tpu.vector_load %arg11[%get3A_312] {strides = array<i32>} : memref<512xi32, #tpu.memory_space<vmem>>, vector<16xi32>,
        %eq3A_314 = vector.broadcast %reduce_min3A_288 : f32 to vector<16xf32>
        %eq3A_315 = arith.cmpf oeq, %get3A_311, %eq3A_314 : vector<16xf32>
        %jit3A_316 = arith.constant 8192 : i32
        %broadcast_in_dim3A_317 = vector.broadcast %jit3A_316 : i32 to vector<16xi32>
        %select_n3A_318 = arith.select %eq3A_315, %get3A_313, %broadcast_in_dim3A_317 : vector<16xi1>, vector<16xi32>
        %min3A_319 = arith.minsi %min3A_309, %select_n3A_318 : vector<16xi32>
        %get3A_320 = arith.constant 48 : index
        %get3A_321 = tpu.vector_load %arg10[%get3A_320] {strides = array<i32>} : memref<512xf32, #tpu.memory_space<vmem>>, vector<16xf32>,
        %get3A_322 = arith.constant 48 : index
        %get3A_323 = tpu.vector_load %arg11[%get3A_322] {strides = array<i32>} : memref<512xi32, #tpu.memory_space<vmem>>, vector<16xi32>,
        %eq3A_324 = vector.broadcast %reduce_min3A_288 : f32 to vector<16xf32>
        %eq3A_325 = arith.cmpf oeq, %get3A_321, %eq3A_324 : vector<16xf32>
        %jit3A_326 = arith.constant 8192 : i32
        %broadcast_in_dim3A_327 = vector.broadcast %jit3A_326 : i32 to vector<16xi32>
        %select_n3A_328 = arith.select %eq3A_325, %get3A_323, %broadcast_in_dim3A_327 : vector<16xi1>, vector<16xi32>
        %min3A_329 = arith.minsi %min3A_319, %select_n3A_328 : vector<16xi32>
        %reduce_min3A_330 = arith.constant true
        %reduce_min3A_331 = vector.broadcast %reduce_min3A_330 : i1 to vector<16xi1>
        %reduce_min3A_332 = arith.constant -2147483648 : i32
        %reduce_min3A_333 = vector.broadcast %reduce_min3A_332 : i32 to vector<16xi32>
        %reduce_min3A_334 = arith.xori %min3A_329, %reduce_min3A_333 : vector<16xi32>
        %reduce_min3A_335 = tpu.scan <min>, %reduce_min3A_334 masked %reduce_min3A_331 : vector<16xi32>, vector<16xi1> -> vector<16xi32>
        %reduce_min3A_336 = arith.xori %reduce_min3A_335, %reduce_min3A_333 : vector<16xi32>
        %reduce_min3A_337 = vector.extract %reduce_min3A_336[15] : i32 from vector<16xi32>
        %get3A_338 = arith.constant 0 : index
        %get3A_339 = tpu.vector_load %arg10[%get3A_338] {strides = array<i32>} : memref<512xf32, #tpu.memory_space<vmem>>, vector<16xf32>,
        %get3A_340 = arith.constant 0 : index
        %get3A_341 = tpu.vector_load %arg11[%get3A_340] {strides = array<i32>} : memref<512xi32, #tpu.memory_space<vmem>>, vector<16xi32>,
        %eq3A_342 = vector.broadcast %reduce_min3A_288 : f32 to vector<16xf32>
        %eq3A_343 = arith.cmpf oeq, %get3A_339, %eq3A_342 : vector<16xf32>
        %eq3A_344 = vector.broadcast %reduce_min3A_337 : i32 to vector<16xi32>
        %eq3A_345 = arith.cmpi eq, %get3A_341, %eq3A_344 : vector<16xi32>
        %and3A = arith.andi %eq3A_343, %eq3A_345 : vector<16xi1>
        %jit3A_346 = arith.constant 0x7F800000 : f32
        %broadcast_in_dim3A_347 = vector.broadcast %jit3A_346 : f32 to vector<16xf32>
        %select_n3A_348 = arith.select %and3A, %broadcast_in_dim3A_347, %get3A_339 : vector<16xi1>, vector<16xf32>
        %swap3A_349 = arith.constant 0 : index
        %swap3A_350 = tpu.vector_load %arg10[%swap3A_349] {strides = array<i32>} : memref<512xf32, #tpu.memory_space<vmem>>, vector<16xf32>,
        tpu.vector_store %arg10[%swap3A_349], %select_n3A_348 {strides = array<i32>} : memref<512xf32, #tpu.memory_space<vmem>>, vector<16xf32>,
        %get3A_351 = arith.constant 16 : index
        %get3A_352 = tpu.vector_load %arg10[%get3A_351] {strides = array<i32>} : memref<512xf32, #tpu.memory_space<vmem>>, vector<16xf32>,
        %get3A_353 = arith.constant 16 : index
        %get3A_354 = tpu.vector_load %arg11[%get3A_353] {strides = array<i32>} : memref<512xi32, #tpu.memory_space<vmem>>, vector<16xi32>,
        %eq3A_355 = vector.broadcast %reduce_min3A_288 : f32 to vector<16xf32>
        %eq3A_356 = arith.cmpf oeq, %get3A_352, %eq3A_355 : vector<16xf32>
        %eq3A_357 = vector.broadcast %reduce_min3A_337 : i32 to vector<16xi32>
        %eq3A_358 = arith.cmpi eq, %get3A_354, %eq3A_357 : vector<16xi32>
        %and3A_359 = arith.andi %eq3A_356, %eq3A_358 : vector<16xi1>
        %jit3A_360 = arith.constant 0x7F800000 : f32
        %broadcast_in_dim3A_361 = vector.broadcast %jit3A_360 : f32 to vector<16xf32>
        %select_n3A_362 = arith.select %and3A_359, %broadcast_in_dim3A_361, %get3A_352 : vector<16xi1>, vector<16xf32>
        %swap3A_363 = arith.constant 16 : index
        %swap3A_364 = tpu.vector_load %arg10[%swap3A_363] {strides = array<i32>} : memref<512xf32, #tpu.memory_space<vmem>>, vector<16xf32>,
        tpu.vector_store %arg10[%swap3A_363], %select_n3A_362 {strides = array<i32>} : memref<512xf32, #tpu.memory_space<vmem>>, vector<16xf32>,
        %get3A_365 = arith.constant 32 : index
        %get3A_366 = tpu.vector_load %arg10[%get3A_365] {strides = array<i32>} : memref<512xf32, #tpu.memory_space<vmem>>, vector<16xf32>,
        %get3A_367 = arith.constant 32 : index
        %get3A_368 = tpu.vector_load %arg11[%get3A_367] {strides = array<i32>} : memref<512xi32, #tpu.memory_space<vmem>>, vector<16xi32>,
        %eq3A_369 = vector.broadcast %reduce_min3A_288 : f32 to vector<16xf32>
        %eq3A_370 = arith.cmpf oeq, %get3A_366, %eq3A_369 : vector<16xf32>
        %eq3A_371 = vector.broadcast %reduce_min3A_337 : i32 to vector<16xi32>
        %eq3A_372 = arith.cmpi eq, %get3A_368, %eq3A_371 : vector<16xi32>
        %and3A_373 = arith.andi %eq3A_370, %eq3A_372 : vector<16xi1>
        %jit3A_374 = arith.constant 0x7F800000 : f32
        %broadcast_in_dim3A_375 = vector.broadcast %jit3A_374 : f32 to vector<16xf32>
        %select_n3A_376 = arith.select %and3A_373, %broadcast_in_dim3A_375, %get3A_366 : vector<16xi1>, vector<16xf32>
        %swap3A_377 = arith.constant 32 : index
        %swap3A_378 = tpu.vector_load %arg10[%swap3A_377] {strides = array<i32>} : memref<512xf32, #tpu.memory_space<vmem>>, vector<16xf32>,
        tpu.vector_store %arg10[%swap3A_377], %select_n3A_376 {strides = array<i32>} : memref<512xf32, #tpu.memory_space<vmem>>, vector<16xf32>,
        %get3A_379 = arith.constant 48 : index
        %get3A_380 = tpu.vector_load %arg10[%get3A_379] {strides = array<i32>} : memref<512xf32, #tpu.memory_space<vmem>>, vector<16xf32>,
        %get3A_381 = arith.constant 48 : index
        %get3A_382 = tpu.vector_load %arg11[%get3A_381] {strides = array<i32>} : memref<512xi32, #tpu.memory_space<vmem>>, vector<16xi32>,
        %eq3A_383 = vector.broadcast %reduce_min3A_288 : f32 to vector<16xf32>
        %eq3A_384 = arith.cmpf oeq, %get3A_380, %eq3A_383 : vector<16xf32>
        %eq3A_385 = vector.broadcast %reduce_min3A_337 : i32 to vector<16xi32>
        %eq3A_386 = arith.cmpi eq, %get3A_382, %eq3A_385 : vector<16xi32>
        %and3A_387 = arith.andi %eq3A_384, %eq3A_386 : vector<16xi1>
        %jit3A_388 = arith.constant 0x7F800000 : f32
        %broadcast_in_dim3A_389 = vector.broadcast %jit3A_388 : f32 to vector<16xf32>
        %select_n3A_390 = arith.select %and3A_387, %broadcast_in_dim3A_389, %get3A_380 : vector<16xi1>, vector<16xf32>
        %swap3A_391 = arith.constant 48 : index
        %swap3A_392 = tpu.vector_load %arg10[%swap3A_391] {strides = array<i32>} : memref<512xf32, #tpu.memory_space<vmem>>, vector<16xf32>,
        tpu.vector_store %arg10[%swap3A_391], %select_n3A_390 {strides = array<i32>} : memref<512xf32, #tpu.memory_space<vmem>>, vector<16xf32>,
        %add3A_393 = arith.addi %reduce_min3A_337, %mul3A_126 : i32
        %eq3A_394 = vector.broadcast %scan3A_271 : i32 to vector<16xi32>
        %eq3A_395 = arith.cmpi eq, %iota3A, %eq3A_394 : vector<16xi32>
        %broadcast_in_dim3A_396 = vector.broadcast %add3A_393 : i32 to vector<16xi32>
        %select_n3A_397 = arith.select %eq3A_395, %broadcast_in_dim3A_396, %scan3A_272 : vector<16xi1>, vector<16xi32>
        %sub3A = arith.constant 16 : i32
        %sub3A_398 = arith.subi %scan3A_271, %sub3A : i32
        %eq3A_399 = vector.broadcast %sub3A_398 : i32 to vector<16xi32>
        %eq3A_400 = arith.cmpi eq, %iota3A, %eq3A_399 : vector<16xi32>
        %broadcast_in_dim3A_401 = vector.broadcast %add3A_393 : i32 to vector<16xi32>
        %select_n3A_402 = arith.select %eq3A_400, %broadcast_in_dim3A_401, %scan3A_273 : vector<16xi1>, vector<16xi32>
        scf.yield %select_n3A_397, %select_n3A_402 : vector<16xi32>, vector<16xi32>
      }
      %scan3A_134 = arith.constant 32 : i32
      %mul3A_135 = arith.constant 32 : i32
      %mul3A_136 = arith.muli %add3A_35, %mul3A_135 : i32
      %swap3A_137 = arith.index_cast %mul3A_136 : i32 to index
      %swap3A_138 = tpu.vector_load %arg12[%swap3A_137] {strides = array<i32>} : memref<8192xi32, #tpu.memory_space<vmem>>, vector<16xi32>,
      tpu.vector_store %arg12[%swap3A_137], %scan3A_133#0 {strides = array<i32>} : memref<8192xi32, #tpu.memory_space<vmem>>, vector<16xi32>,
      %mul3A_139 = arith.constant 32 : i32
      %mul3A_140 = arith.muli %add3A_35, %mul3A_139 : i32
      %add3A_141 = arith.constant 16 : i32
      %add3A_142 = arith.addi %mul3A_140, %add3A_141 : i32
      %swap3A_143 = arith.index_cast %add3A_142 : i32 to index
      %swap3A_144 = tpu.vector_load %arg12[%swap3A_143] {strides = array<i32>} : memref<8192xi32, #tpu.memory_space<vmem>>, vector<16xi32>,
      tpu.vector_store %arg12[%swap3A_143], %scan3A_133#1 {strides = array<i32>} : memref<8192xi32, #tpu.memory_space<vmem>>, vector<16xi32>,
      %mul3A_145 = arith.constant 2 : i32
      %mul3A_146 = arith.muli %scan3A_30, %mul3A_145 : i32
      %add3A_147 = arith.constant 1 : i32
      %add3A_148 = arith.addi %mul3A_146, %add3A_147 : i32
      %dma_wait3A_149 = arith.constant 0 : i32
      %dma_wait3A_150 = tpu.memref_slice %arg2[%multiple_of3A, %dma_wait3A_149] : memref<8192x8192xf32, #tpu.memory_space<hbm>> -> memref<1x8192xf32, #tpu.memory_space<hbm>>
      %dma_wait3A_151 = tpu.memref_squeeze %dma_wait3A_150 : memref<1x8192xf32, #tpu.memory_space<hbm>> -> memref<8192xf32, #tpu.memory_space<hbm>>
      %dma_wait3A_152 = arith.constant 0 : i32
      %dma_wait3A_153 = tpu.memref_slice %arg2[%multiple_of3A, %dma_wait3A_152] : memref<8192x8192xf32, #tpu.memory_space<hbm>> -> memref<1x8192xf32, #tpu.memory_space<hbm>>
      %dma_wait3A_154 = tpu.memref_squeeze %dma_wait3A_153 : memref<1x8192xf32, #tpu.memory_space<hbm>> -> memref<8192xf32, #tpu.memory_space<hbm>>
      tpu.wait_dma2 semaphore(%arg16 : memref<!tpu.dma_semaphore, #tpu.memory_space<semaphore_mem>>) src(%dma_wait3A_154 : memref<8192xf32, #tpu.memory_space<hbm>>) dst(%arg9 : memref<8192xf32, #tpu.memory_space<vmem>>)
      %broadcast_in_dim3A_155 = vector.broadcast %add3A_148 : i32 to vector<16xi32>
      %gather3A_156 = tpu.vector_load_idx %arg7[%broadcast_in_dim3A_155] : memref<256xf32, #tpu.memory_space<vmem>>[vector<16xi32>], vector<16xf32>,
      %scan3A_157 = arith.constant 0 : i32
      %scan3A_158 = arith.constant 0 : i32
      %scan3A_159 = arith.constant 64 : i32
      %scan3A_160 = arith.addi %scan3A_158, %scan3A_159 : i32
      %scan3A_161 = arith.constant 1 : i32
      %scan3A_162 = scf.for %scan3A_271 = %scan3A_158 to %scan3A_160 step %scan3A_161 iter_args(%scan3A_272 = %scan3A_157) -> (i32)  : i32 {
        %mul3A_273 = arith.constant 8 : i32
        %mul3A_274 = arith.muli %scan3A_271, %mul3A_273 : i32
        %add3A_275 = arith.constant 0 : i32
        %add3A_276 = arith.addi %mul3A_274, %add3A_275 : i32
        %mul3A_277 = arith.constant 16 : i32
        %mul3A_278 = arith.muli %add3A_276, %mul3A_277 : i32
        %get3A_279 = arith.index_cast %mul3A_278 : i32 to index
        %get3A_280 = tpu.vector_load %arg9[%get3A_279] {strides = array<i32>} : memref<8192xf32, #tpu.memory_space<vmem>>, vector<16xf32>,
        %le3A = arith.cmpf ole, %get3A_280, %gather3A_156 : vector<16xf32>
        %mul3A_281 = arith.constant 16 : i32
        %mul3A_282 = arith.muli %add3A_276, %mul3A_281 : i32
        %add3A_283 = vector.broadcast %mul3A_282 : i32 to vector<16xi32>
        %add3A_284 = arith.addi %iota3A, %add3A_283 : vector<16xi32>
        %swap3A_285 = arith.index_cast %scan3A_272 : i32 to index
        %swap3A_286 = tpu.vector_load %arg11[%swap3A_285] masked %le3A {strides = array<i32>} : memref<512xi32, #tpu.memory_space<vmem>>, vector<16xi32>, vector<16xi1>
        tpu.vector_store %arg11[%swap3A_285], %add3A_284 masked %le3A {strides = array<i32>} : memref<512xi32, #tpu.memory_space<vmem>>, vector<16xi32>, vector<16xi1>
        %all_reduce_population_count3A = tpu.all_reduce %le3A {dim = 0 : i64, kind = #tpu.reduction_kind<sum>} : vector<16xi1> -> vector<16xi32>
        %slice3A = vector.extract_strided_slice %all_reduce_population_count3A {offsets = [0], sizes = [1], strides = [1]} : vector<16xi32> to vector<1xi32>
        %squeeze3A = vector.extract %slice3A[0] : i32 from vector<1xi32>
        %add3A_287 = arith.addi %scan3A_272, %squeeze3A : i32
        %min3A_288 = arith.constant 496 : i32
        %min3A_289 = arith.minsi %add3A_287, %min3A_288 : i32
        %mul3A_290 = arith.constant 8 : i32
        %mul3A_291 = arith.muli %scan3A_271, %mul3A_290 : i32
        %add3A_292 = arith.constant 1 : i32
        %add3A_293 = arith.addi %mul3A_291, %add3A_292 : i32
        %mul3A_294 = arith.constant 16 : i32
        %mul3A_295 = arith.muli %add3A_293, %mul3A_294 : i32
        %get3A_296 = arith.index_cast %mul3A_295 : i32 to index
        %get3A_297 = tpu.vector_load %arg9[%get3A_296] {strides = array<i32>} : memref<8192xf32, #tpu.memory_space<vmem>>, vector<16xf32>,
        %le3A_298 = arith.cmpf ole, %get3A_297, %gather3A_156 : vector<16xf32>
        %mul3A_299 = arith.constant 16 : i32
        %mul3A_300 = arith.muli %add3A_293, %mul3A_299 : i32
        %add3A_301 = vector.broadcast %mul3A_300 : i32 to vector<16xi32>
        %add3A_302 = arith.addi %iota3A, %add3A_301 : vector<16xi32>
        %swap3A_303 = arith.index_cast %min3A_289 : i32 to index
        %swap3A_304 = tpu.vector_load %arg11[%swap3A_303] masked %le3A_298 {strides = array<i32>} : memref<512xi32, #tpu.memory_space<vmem>>, vector<16xi32>, vector<16xi1>
        tpu.vector_store %arg11[%swap3A_303], %add3A_302 masked %le3A_298 {strides = array<i32>} : memref<512xi32, #tpu.memory_space<vmem>>, vector<16xi32>, vector<16xi1>
        %all_reduce_population_count3A_305 = tpu.all_reduce %le3A_298 {dim = 0 : i64, kind = #tpu.reduction_kind<sum>} : vector<16xi1> -> vector<16xi32>
        %slice3A_306 = vector.extract_strided_slice %all_reduce_population_count3A_305 {offsets = [0], sizes = [1], strides = [1]} : vector<16xi32> to vector<1xi32>
        %squeeze3A_307 = vector.extract %slice3A_306[0] : i32 from vector<1xi32>
        %add3A_308 = arith.addi %min3A_289, %squeeze3A_307 : i32
        %min3A_309 = arith.constant 496 : i32
        %min3A_310 = arith.minsi %add3A_308, %min3A_309 : i32
        %mul3A_311 = arith.constant 8 : i32
        %mul3A_312 = arith.muli %scan3A_271, %mul3A_311 : i32
        %add3A_313 = arith.constant 2 : i32
        %add3A_314 = arith.addi %mul3A_312, %add3A_313 : i32
        %mul3A_315 = arith.constant 16 : i32
        %mul3A_316 = arith.muli %add3A_314, %mul3A_315 : i32
        %get3A_317 = arith.index_cast %mul3A_316 : i32 to index
        %get3A_318 = tpu.vector_load %arg9[%get3A_317] {strides = array<i32>} : memref<8192xf32, #tpu.memory_space<vmem>>, vector<16xf32>,
        %le3A_319 = arith.cmpf ole, %get3A_318, %gather3A_156 : vector<16xf32>
        %mul3A_320 = arith.constant 16 : i32
        %mul3A_321 = arith.muli %add3A_314, %mul3A_320 : i32
        %add3A_322 = vector.broadcast %mul3A_321 : i32 to vector<16xi32>
        %add3A_323 = arith.addi %iota3A, %add3A_322 : vector<16xi32>
        %swap3A_324 = arith.index_cast %min3A_310 : i32 to index
        %swap3A_325 = tpu.vector_load %arg11[%swap3A_324] masked %le3A_319 {strides = array<i32>} : memref<512xi32, #tpu.memory_space<vmem>>, vector<16xi32>, vector<16xi1>
        tpu.vector_store %arg11[%swap3A_324], %add3A_323 masked %le3A_319 {strides = array<i32>} : memref<512xi32, #tpu.memory_space<vmem>>, vector<16xi32>, vector<16xi1>
        %all_reduce_population_count3A_326 = tpu.all_reduce %le3A_319 {dim = 0 : i64, kind = #tpu.reduction_kind<sum>} : vector<16xi1> -> vector<16xi32>
        %slice3A_327 = vector.extract_strided_slice %all_reduce_population_count3A_326 {offsets = [0], sizes = [1], strides = [1]} : vector<16xi32> to vector<1xi32>
        %squeeze3A_328 = vector.extract %slice3A_327[0] : i32 from vector<1xi32>
        %add3A_329 = arith.addi %min3A_310, %squeeze3A_328 : i32
        %min3A_330 = arith.constant 496 : i32
        %min3A_331 = arith.minsi %add3A_329, %min3A_330 : i32
        %mul3A_332 = arith.constant 8 : i32
        %mul3A_333 = arith.muli %scan3A_271, %mul3A_332 : i32
        %add3A_334 = arith.constant 3 : i32
        %add3A_335 = arith.addi %mul3A_333, %add3A_334 : i32
        %mul3A_336 = arith.constant 16 : i32
        %mul3A_337 = arith.muli %add3A_335, %mul3A_336 : i32
        %get3A_338 = arith.index_cast %mul3A_337 : i32 to index
        %get3A_339 = tpu.vector_load %arg9[%get3A_338] {strides = array<i32>} : memref<8192xf32, #tpu.memory_space<vmem>>, vector<16xf32>,
        %le3A_340 = arith.cmpf ole, %get3A_339, %gather3A_156 : vector<16xf32>
        %mul3A_341 = arith.constant 16 : i32
        %mul3A_342 = arith.muli %add3A_335, %mul3A_341 : i32
        %add3A_343 = vector.broadcast %mul3A_342 : i32 to vector<16xi32>
        %add3A_344 = arith.addi %iota3A, %add3A_343 : vector<16xi32>
        %swap3A_345 = arith.index_cast %min3A_331 : i32 to index
        %swap3A_346 = tpu.vector_load %arg11[%swap3A_345] masked %le3A_340 {strides = array<i32>} : memref<512xi32, #tpu.memory_space<vmem>>, vector<16xi32>, vector<16xi1>
        tpu.vector_store %arg11[%swap3A_345], %add3A_344 masked %le3A_340 {strides = array<i32>} : memref<512xi32, #tpu.memory_space<vmem>>, vector<16xi32>, vector<16xi1>
        %all_reduce_population_count3A_347 = tpu.all_reduce %le3A_340 {dim = 0 : i64, kind = #tpu.reduction_kind<sum>} : vector<16xi1> -> vector<16xi32>
        %slice3A_348 = vector.extract_strided_slice %all_reduce_population_count3A_347 {offsets = [0], sizes = [1], strides = [1]} : vector<16xi32> to vector<1xi32>
        %squeeze3A_349 = vector.extract %slice3A_348[0] : i32 from vector<1xi32>
        %add3A_350 = arith.addi %min3A_331, %squeeze3A_349 : i32
        %min3A_351 = arith.constant 496 : i32
        %min3A_352 = arith.minsi %add3A_350, %min3A_351 : i32
        %mul3A_353 = arith.constant 8 : i32
        %mul3A_354 = arith.muli %scan3A_271, %mul3A_353 : i32
        %add3A_355 = arith.constant 4 : i32
        %add3A_356 = arith.addi %mul3A_354, %add3A_355 : i32
        %mul3A_357 = arith.constant 16 : i32
        %mul3A_358 = arith.muli %add3A_356, %mul3A_357 : i32
        %get3A_359 = arith.index_cast %mul3A_358 : i32 to index
        %get3A_360 = tpu.vector_load %arg9[%get3A_359] {strides = array<i32>} : memref<8192xf32, #tpu.memory_space<vmem>>, vector<16xf32>,
        %le3A_361 = arith.cmpf ole, %get3A_360, %gather3A_156 : vector<16xf32>
        %mul3A_362 = arith.constant 16 : i32
        %mul3A_363 = arith.muli %add3A_356, %mul3A_362 : i32
        %add3A_364 = vector.broadcast %mul3A_363 : i32 to vector<16xi32>
        %add3A_365 = arith.addi %iota3A, %add3A_364 : vector<16xi32>
        %swap3A_366 = arith.index_cast %min3A_352 : i32 to index
        %swap3A_367 = tpu.vector_load %arg11[%swap3A_366] masked %le3A_361 {strides = array<i32>} : memref<512xi32, #tpu.memory_space<vmem>>, vector<16xi32>, vector<16xi1>
        tpu.vector_store %arg11[%swap3A_366], %add3A_365 masked %le3A_361 {strides = array<i32>} : memref<512xi32, #tpu.memory_space<vmem>>, vector<16xi32>, vector<16xi1>
        %all_reduce_population_count3A_368 = tpu.all_reduce %le3A_361 {dim = 0 : i64, kind = #tpu.reduction_kind<sum>} : vector<16xi1> -> vector<16xi32>
        %slice3A_369 = vector.extract_strided_slice %all_reduce_population_count3A_368 {offsets = [0], sizes = [1], strides = [1]} : vector<16xi32> to vector<1xi32>
        %squeeze3A_370 = vector.extract %slice3A_369[0] : i32 from vector<1xi32>
        %add3A_371 = arith.addi %min3A_352, %squeeze3A_370 : i32
        %min3A_372 = arith.constant 496 : i32
        %min3A_373 = arith.minsi %add3A_371, %min3A_372 : i32
        %mul3A_374 = arith.constant 8 : i32
        %mul3A_375 = arith.muli %scan3A_271, %mul3A_374 : i32
        %add3A_376 = arith.constant 5 : i32
        %add3A_377 = arith.addi %mul3A_375, %add3A_376 : i32
        %mul3A_378 = arith.constant 16 : i32
        %mul3A_379 = arith.muli %add3A_377, %mul3A_378 : i32
        %get3A_380 = arith.index_cast %mul3A_379 : i32 to index
        %get3A_381 = tpu.vector_load %arg9[%get3A_380] {strides = array<i32>} : memref<8192xf32, #tpu.memory_space<vmem>>, vector<16xf32>,
        %le3A_382 = arith.cmpf ole, %get3A_381, %gather3A_156 : vector<16xf32>
        %mul3A_383 = arith.constant 16 : i32
        %mul3A_384 = arith.muli %add3A_377, %mul3A_383 : i32
        %add3A_385 = vector.broadcast %mul3A_384 : i32 to vector<16xi32>
        %add3A_386 = arith.addi %iota3A, %add3A_385 : vector<16xi32>
        %swap3A_387 = arith.index_cast %min3A_373 : i32 to index
        %swap3A_388 = tpu.vector_load %arg11[%swap3A_387] masked %le3A_382 {strides = array<i32>} : memref<512xi32, #tpu.memory_space<vmem>>, vector<16xi32>, vector<16xi1>
        tpu.vector_store %arg11[%swap3A_387], %add3A_386 masked %le3A_382 {strides = array<i32>} : memref<512xi32, #tpu.memory_space<vmem>>, vector<16xi32>, vector<16xi1>
        %all_reduce_population_count3A_389 = tpu.all_reduce %le3A_382 {dim = 0 : i64, kind = #tpu.reduction_kind<sum>} : vector<16xi1> -> vector<16xi32>
        %slice3A_390 = vector.extract_strided_slice %all_reduce_population_count3A_389 {offsets = [0], sizes = [1], strides = [1]} : vector<16xi32> to vector<1xi32>
        %squeeze3A_391 = vector.extract %slice3A_390[0] : i32 from vector<1xi32>
        %add3A_392 = arith.addi %min3A_373, %squeeze3A_391 : i32
        %min3A_393 = arith.constant 496 : i32
        %min3A_394 = arith.minsi %add3A_392, %min3A_393 : i32
        %mul3A_395 = arith.constant 8 : i32
        %mul3A_396 = arith.muli %scan3A_271, %mul3A_395 : i32
        %add3A_397 = arith.constant 6 : i32
        %add3A_398 = arith.addi %mul3A_396, %add3A_397 : i32
        %mul3A_399 = arith.constant 16 : i32
        %mul3A_400 = arith.muli %add3A_398, %mul3A_399 : i32
        %get3A_401 = arith.index_cast %mul3A_400 : i32 to index
        %get3A_402 = tpu.vector_load %arg9[%get3A_401] {strides = array<i32>} : memref<8192xf32, #tpu.memory_space<vmem>>, vector<16xf32>,
        %le3A_403 = arith.cmpf ole, %get3A_402, %gather3A_156 : vector<16xf32>
        %mul3A_404 = arith.constant 16 : i32
        %mul3A_405 = arith.muli %add3A_398, %mul3A_404 : i32
        %add3A_406 = vector.broadcast %mul3A_405 : i32 to vector<16xi32>
        %add3A_407 = arith.addi %iota3A, %add3A_406 : vector<16xi32>
        %swap3A_408 = arith.index_cast %min3A_394 : i32 to index
        %swap3A_409 = tpu.vector_load %arg11[%swap3A_408] masked %le3A_403 {strides = array<i32>} : memref<512xi32, #tpu.memory_space<vmem>>, vector<16xi32>, vector<16xi1>
        tpu.vector_store %arg11[%swap3A_408], %add3A_407 masked %le3A_403 {strides = array<i32>} : memref<512xi32, #tpu.memory_space<vmem>>, vector<16xi32>, vector<16xi1>
        %all_reduce_population_count3A_410 = tpu.all_reduce %le3A_403 {dim = 0 : i64, kind = #tpu.reduction_kind<sum>} : vector<16xi1> -> vector<16xi32>
        %slice3A_411 = vector.extract_strided_slice %all_reduce_population_count3A_410 {offsets = [0], sizes = [1], strides = [1]} : vector<16xi32> to vector<1xi32>
        %squeeze3A_412 = vector.extract %slice3A_411[0] : i32 from vector<1xi32>
        %add3A_413 = arith.addi %min3A_394, %squeeze3A_412 : i32
        %min3A_414 = arith.constant 496 : i32
        %min3A_415 = arith.minsi %add3A_413, %min3A_414 : i32
        %mul3A_416 = arith.constant 8 : i32
        %mul3A_417 = arith.muli %scan3A_271, %mul3A_416 : i32
        %add3A_418 = arith.constant 7 : i32
        %add3A_419 = arith.addi %mul3A_417, %add3A_418 : i32
        %mul3A_420 = arith.constant 16 : i32
        %mul3A_421 = arith.muli %add3A_419, %mul3A_420 : i32
        %get3A_422 = arith.index_cast %mul3A_421 : i32 to index
        %get3A_423 = tpu.vector_load %arg9[%get3A_422] {strides = array<i32>} : memref<8192xf32, #tpu.memory_space<vmem>>, vector<16xf32>,
        %le3A_424 = arith.cmpf ole, %get3A_423, %gather3A_156 : vector<16xf32>
        %mul3A_425 = arith.constant 16 : i32
        %mul3A_426 = arith.muli %add3A_419, %mul3A_425 : i32
        %add3A_427 = vector.broadcast %mul3A_426 : i32 to vector<16xi32>
        %add3A_428 = arith.addi %iota3A, %add3A_427 : vector<16xi32>
        %swap3A_429 = arith.index_cast %min3A_415 : i32 to index
        %swap3A_430 = tpu.vector_load %arg11[%swap3A_429] masked %le3A_424 {strides = array<i32>} : memref<512xi32, #tpu.memory_space<vmem>>, vector<16xi32>, vector<16xi1>
        tpu.vector_store %arg11[%swap3A_429], %add3A_428 masked %le3A_424 {strides = array<i32>} : memref<512xi32, #tpu.memory_space<vmem>>, vector<16xi32>, vector<16xi1>
        %all_reduce_population_count3A_431 = tpu.all_reduce %le3A_424 {dim = 0 : i64, kind = #tpu.reduction_kind<sum>} : vector<16xi1> -> vector<16xi32>
        %slice3A_432 = vector.extract_strided_slice %all_reduce_population_count3A_431 {offsets = [0], sizes = [1], strides = [1]} : vector<16xi32> to vector<1xi32>
        %squeeze3A_433 = vector.extract %slice3A_432[0] : i32 from vector<1xi32>
        %add3A_434 = arith.addi %min3A_415, %squeeze3A_433 : i32
        %min3A_435 = arith.constant 496 : i32
        %min3A_436 = arith.minsi %add3A_434, %min3A_435 : i32
        scf.yield %min3A_436 : i32
      }
      %scan3A_163 = arith.constant 64 : i32
      %get3A_164 = arith.constant 0 : index
      %get3A_165 = tpu.vector_load %arg11[%get3A_164] {strides = array<i32>} : memref<512xi32, #tpu.memory_space<vmem>>, vector<16xi32>,
      %max3A_166 = arith.constant 0 : i32
      %max3A_167 = vector.broadcast %max3A_166 : i32 to vector<16xi32>
      %max3A_168 = arith.maxsi %get3A_165, %max3A_167 : vector<16xi32>
      %min3A_169 = arith.constant 8191 : i32
      %min3A_170 = vector.broadcast %min3A_169 : i32 to vector<16xi32>
      %min3A_171 = arith.minsi %max3A_168, %min3A_170 : vector<16xi32>
      %gather3A_172 = tpu.vector_load_idx %arg9[%min3A_171] : memref<8192xf32, #tpu.memory_space<vmem>>[vector<16xi32>], vector<16xf32>,
      %add3A_173 = arith.constant 0 : i32
      %add3A_174 = vector.broadcast %add3A_173 : i32 to vector<16xi32>
      %add3A_175 = arith.addi %iota3A, %add3A_174 : vector<16xi32>
      %lt3A_176 = vector.broadcast %scan3A_162 : i32 to vector<16xi32>
      %lt3A_177 = arith.cmpi slt, %add3A_175, %lt3A_176 : vector<16xi32>
      %jit3A_178 = arith.constant 0x7F800000 : f32
      %broadcast_in_dim3A_179 = vector.broadcast %jit3A_178 : f32 to vector<16xf32>
      %select_n3A_180 = arith.select %lt3A_177, %gather3A_172, %broadcast_in_dim3A_179 : vector<16xi1>, vector<16xf32>
      %swap3A_181 = arith.constant 0 : index
      %swap3A_182 = tpu.vector_load %arg10[%swap3A_181] {strides = array<i32>} : memref<512xf32, #tpu.memory_space<vmem>>, vector<16xf32>,
      tpu.vector_store %arg10[%swap3A_181], %select_n3A_180 {strides = array<i32>} : memref<512xf32, #tpu.memory_space<vmem>>, vector<16xf32>,
      %get3A_183 = arith.constant 16 : index
      %get3A_184 = tpu.vector_load %arg11[%get3A_183] {strides = array<i32>} : memref<512xi32, #tpu.memory_space<vmem>>, vector<16xi32>,
      %max3A_185 = arith.constant 0 : i32
      %max3A_186 = vector.broadcast %max3A_185 : i32 to vector<16xi32>
      %max3A_187 = arith.maxsi %get3A_184, %max3A_186 : vector<16xi32>
      %min3A_188 = arith.constant 8191 : i32
      %min3A_189 = vector.broadcast %min3A_188 : i32 to vector<16xi32>
      %min3A_190 = arith.minsi %max3A_187, %min3A_189 : vector<16xi32>
      %gather3A_191 = tpu.vector_load_idx %arg9[%min3A_190] : memref<8192xf32, #tpu.memory_space<vmem>>[vector<16xi32>], vector<16xf32>,
      %add3A_192 = arith.constant 16 : i32
      %add3A_193 = vector.broadcast %add3A_192 : i32 to vector<16xi32>
      %add3A_194 = arith.addi %iota3A, %add3A_193 : vector<16xi32>
      %lt3A_195 = vector.broadcast %scan3A_162 : i32 to vector<16xi32>
      %lt3A_196 = arith.cmpi slt, %add3A_194, %lt3A_195 : vector<16xi32>
      %jit3A_197 = arith.constant 0x7F800000 : f32
      %broadcast_in_dim3A_198 = vector.broadcast %jit3A_197 : f32 to vector<16xf32>
      %select_n3A_199 = arith.select %lt3A_196, %gather3A_191, %broadcast_in_dim3A_198 : vector<16xi1>, vector<16xf32>
      %swap3A_200 = arith.constant 16 : index
      %swap3A_201 = tpu.vector_load %arg10[%swap3A_200] {strides = array<i32>} : memref<512xf32, #tpu.memory_space<vmem>>, vector<16xf32>,
      tpu.vector_store %arg10[%swap3A_200], %select_n3A_199 {strides = array<i32>} : memref<512xf32, #tpu.memory_space<vmem>>, vector<16xf32>,
      %get3A_202 = arith.constant 32 : index
      %get3A_203 = tpu.vector_load %arg11[%get3A_202] {strides = array<i32>} : memref<512xi32, #tpu.memory_space<vmem>>, vector<16xi32>,
      %max3A_204 = arith.constant 0 : i32
      %max3A_205 = vector.broadcast %max3A_204 : i32 to vector<16xi32>
      %max3A_206 = arith.maxsi %get3A_203, %max3A_205 : vector<16xi32>
      %min3A_207 = arith.constant 8191 : i32
      %min3A_208 = vector.broadcast %min3A_207 : i32 to vector<16xi32>
      %min3A_209 = arith.minsi %max3A_206, %min3A_208 : vector<16xi32>
      %gather3A_210 = tpu.vector_load_idx %arg9[%min3A_209] : memref<8192xf32, #tpu.memory_space<vmem>>[vector<16xi32>], vector<16xf32>,
      %add3A_211 = arith.constant 32 : i32
      %add3A_212 = vector.broadcast %add3A_211 : i32 to vector<16xi32>
      %add3A_213 = arith.addi %iota3A, %add3A_212 : vector<16xi32>
      %lt3A_214 = vector.broadcast %scan3A_162 : i32 to vector<16xi32>
      %lt3A_215 = arith.cmpi slt, %add3A_213, %lt3A_214 : vector<16xi32>
      %jit3A_216 = arith.constant 0x7F800000 : f32
      %broadcast_in_dim3A_217 = vector.broadcast %jit3A_216 : f32 to vector<16xf32>
      %select_n3A_218 = arith.select %lt3A_215, %gather3A_210, %broadcast_in_dim3A_217 : vector<16xi1>, vector<16xf32>
      %swap3A_219 = arith.constant 32 : index
      %swap3A_220 = tpu.vector_load %arg10[%swap3A_219] {strides = array<i32>} : memref<512xf32, #tpu.memory_space<vmem>>, vector<16xf32>,
      tpu.vector_store %arg10[%swap3A_219], %select_n3A_218 {strides = array<i32>} : memref<512xf32, #tpu.memory_space<vmem>>, vector<16xf32>,
      %get3A_221 = arith.constant 48 : index
      %get3A_222 = tpu.vector_load %arg11[%get3A_221] {strides = array<i32>} : memref<512xi32, #tpu.memory_space<vmem>>, vector<16xi32>,
      %max3A_223 = arith.constant 0 : i32
      %max3A_224 = vector.broadcast %max3A_223 : i32 to vector<16xi32>
      %max3A_225 = arith.maxsi %get3A_222, %max3A_224 : vector<16xi32>
      %min3A_226 = arith.constant 8191 : i32
      %min3A_227 = vector.broadcast %min3A_226 : i32 to vector<16xi32>
      %min3A_228 = arith.minsi %max3A_225, %min3A_227 : vector<16xi32>
      %gather3A_229 = tpu.vector_load_idx %arg9[%min3A_228] : memref<8192xf32, #tpu.memory_space<vmem>>[vector<16xi32>], vector<16xf32>,
      %add3A_230 = arith.constant 48 : i32
      %add3A_231 = vector.broadcast %add3A_230 : i32 to vector<16xi32>
      %add3A_232 = arith.addi %iota3A, %add3A_231 : vector<16xi32>
      %lt3A_233 = vector.broadcast %scan3A_162 : i32 to vector<16xi32>
      %lt3A_234 = arith.cmpi slt, %add3A_232, %lt3A_233 : vector<16xi32>
      %jit3A_235 = arith.constant 0x7F800000 : f32
      %broadcast_in_dim3A_236 = vector.broadcast %jit3A_235 : f32 to vector<16xf32>
      %select_n3A_237 = arith.select %lt3A_234, %gather3A_229, %broadcast_in_dim3A_236 : vector<16xi1>, vector<16xf32>
      %swap3A_238 = arith.constant 48 : index
      %swap3A_239 = tpu.vector_load %arg10[%swap3A_238] {strides = array<i32>} : memref<512xf32, #tpu.memory_space<vmem>>, vector<16xf32>,
      tpu.vector_store %arg10[%swap3A_238], %select_n3A_237 {strides = array<i32>} : memref<512xf32, #tpu.memory_space<vmem>>, vector<16xf32>,
      %add3A_240 = arith.constant 2 : i32
      %add3A_241 = arith.addi %add3A_148, %add3A_240 : i32
      %lt3A_242 = arith.constant 256 : i32
      %lt3A_243 = arith.cmpi slt, %add3A_241, %lt3A_242 : i32
      %convert_element_type3A_244 = arith.extui %lt3A_243 : i1 to i32
      %cond3A_245 = arith.constant 0 : i32
      %cond3A_246 = arith.cmpi ne, %convert_element_type3A_244, %cond3A_245 : i32
      scf.if %cond3A_246 {
        %add3A_271 = arith.addi %multiple_of3A, %add3A_148 : i32
        %add3A_272 = arith.constant 2 : i32
        %add3A_273 = arith.addi %add3A_271, %add3A_272 : i32
        %dma_start3A_274 = arith.constant 0 : i32
        %dma_start3A_275 = tpu.memref_slice %arg2[%add3A_273, %dma_start3A_274] : memref<8192x8192xf32, #tpu.memory_space<hbm>> -> memref<1x8192xf32, #tpu.memory_space<hbm>>
        %dma_start3A_276 = tpu.memref_squeeze %dma_start3A_275 : memref<1x8192xf32, #tpu.memory_space<hbm>> -> memref<8192xf32, #tpu.memory_space<hbm>>
        %dma_start3A_277 = arith.constant 0 : i32
        %dma_start3A_278 = tpu.memref_slice %arg2[%add3A_273, %dma_start3A_277] : memref<8192x8192xf32, #tpu.memory_space<hbm>> -> memref<1x8192xf32, #tpu.memory_space<hbm>>
        %dma_start3A_279 = tpu.memref_squeeze %dma_start3A_278 : memref<1x8192xf32, #tpu.memory_space<hbm>> -> memref<8192xf32, #tpu.memory_space<hbm>>
        tpu.enqueue_dma source(%dma_start3A_279 : memref<8192xf32, #tpu.memory_space<hbm>>) target(%arg9 : memref<8192xf32, #tpu.memory_space<vmem>>) target_semaphore(%arg16 : memref<!tpu.dma_semaphore, #tpu.memory_space<semaphore_mem>>)
      } else {
      }
      %add3A_247 = arith.addi %multiple_of3A, %add3A_148 : i32
      %shift_right_arithmetic3A_248 = arith.constant 10 : i32
      %shift_right_arithmetic3A_249 = arith.shrsi %add3A_247, %shift_right_arithmetic3A_248 : i32
      %mul3A_250 = arith.constant 8192 : i32
      %mul3A_251 = arith.muli %shift_right_arithmetic3A_249, %mul3A_250 : i32
      %broadcast_in_dim3A_252 = arith.constant 0 : i32
      %broadcast_in_dim3A_253 = vector.broadcast %broadcast_in_dim3A_252 : i32 to vector<16xi32>
      %scan3A_254 = arith.constant 0 : i32
      %scan3A_255 = arith.constant 32 : i32
      %scan3A_256 = arith.addi %scan3A_254, %scan3A_255 : i32
      %scan3A_257 = arith.constant 1 : i32
      %scan3A_258:2 = scf.for %scan3A_271 = %scan3A_254 to %scan3A_256 step %scan3A_257 iter_args(%scan3A_272 = %broadcast_in_dim3A_253, %scan3A_273 = %broadcast_in_dim3A_253) -> (vector<16xi32>, vector<16xi32>)  : i32 {
        %get3A_274 = arith.constant 0 : index
        %get3A_275 = tpu.vector_load %arg10[%get3A_274] {strides = array<i32>} : memref<512xf32, #tpu.memory_space<vmem>>, vector<16xf32>,
        %min3A_276 = arith.minimumf %broadcast_in_dim3A_16, %get3A_275 : vector<16xf32>
        %get3A_277 = arith.constant 16 : index
        %get3A_278 = tpu.vector_load %arg10[%get3A_277] {strides = array<i32>} : memref<512xf32, #tpu.memory_space<vmem>>, vector<16xf32>,
        %min3A_279 = arith.minimumf %min3A_276, %get3A_278 : vector<16xf32>
        %get3A_280 = arith.constant 32 : index
        %get3A_281 = tpu.vector_load %arg10[%get3A_280] {strides = array<i32>} : memref<512xf32, #tpu.memory_space<vmem>>, vector<16xf32>,
        %min3A_282 = arith.minimumf %min3A_279, %get3A_281 : vector<16xf32>
        %get3A_283 = arith.constant 48 : index
        %get3A_284 = tpu.vector_load %arg10[%get3A_283] {strides = array<i32>} : memref<512xf32, #tpu.memory_space<vmem>>, vector<16xf32>,
        %min3A_285 = arith.minimumf %min3A_282, %get3A_284 : vector<16xf32>
        %reduce_min3A = arith.constant true
        %reduce_min3A_286 = vector.broadcast %reduce_min3A : i1 to vector<16xi1>
        %reduce_min3A_287 = tpu.scan <min>, %min3A_285 masked %reduce_min3A_286 : vector<16xf32>, vector<16xi1> -> vector<16xf32>
        %reduce_min3A_288 = vector.extract %reduce_min3A_287[15] : f32 from vector<16xf32>
        %broadcast_in_dim3A_289 = arith.constant 8192 : i32
        %broadcast_in_dim3A_290 = vector.broadcast %broadcast_in_dim3A_289 : i32 to vector<16xi32>
        %get3A_291 = arith.constant 0 : index
        %get3A_292 = tpu.vector_load %arg10[%get3A_291] {strides = array<i32>} : memref<512xf32, #tpu.memory_space<vmem>>, vector<16xf32>,
        %get3A_293 = arith.constant 0 : index
        %get3A_294 = tpu.vector_load %arg11[%get3A_293] {strides = array<i32>} : memref<512xi32, #tpu.memory_space<vmem>>, vector<16xi32>,
        %eq3A = vector.broadcast %reduce_min3A_288 : f32 to vector<16xf32>
        %eq3A_295 = arith.cmpf oeq, %get3A_292, %eq3A : vector<16xf32>
        %jit3A_296 = arith.constant 8192 : i32
        %broadcast_in_dim3A_297 = vector.broadcast %jit3A_296 : i32 to vector<16xi32>
        %select_n3A_298 = arith.select %eq3A_295, %get3A_294, %broadcast_in_dim3A_297 : vector<16xi1>, vector<16xi32>
        %min3A_299 = arith.minsi %broadcast_in_dim3A_290, %select_n3A_298 : vector<16xi32>
        %get3A_300 = arith.constant 16 : index
        %get3A_301 = tpu.vector_load %arg10[%get3A_300] {strides = array<i32>} : memref<512xf32, #tpu.memory_space<vmem>>, vector<16xf32>,
        %get3A_302 = arith.constant 16 : index
        %get3A_303 = tpu.vector_load %arg11[%get3A_302] {strides = array<i32>} : memref<512xi32, #tpu.memory_space<vmem>>, vector<16xi32>,
        %eq3A_304 = vector.broadcast %reduce_min3A_288 : f32 to vector<16xf32>
        %eq3A_305 = arith.cmpf oeq, %get3A_301, %eq3A_304 : vector<16xf32>
        %jit3A_306 = arith.constant 8192 : i32
        %broadcast_in_dim3A_307 = vector.broadcast %jit3A_306 : i32 to vector<16xi32>
        %select_n3A_308 = arith.select %eq3A_305, %get3A_303, %broadcast_in_dim3A_307 : vector<16xi1>, vector<16xi32>
        %min3A_309 = arith.minsi %min3A_299, %select_n3A_308 : vector<16xi32>
        %get3A_310 = arith.constant 32 : index
        %get3A_311 = tpu.vector_load %arg10[%get3A_310] {strides = array<i32>} : memref<512xf32, #tpu.memory_space<vmem>>, vector<16xf32>,
        %get3A_312 = arith.constant 32 : index
        %get3A_313 = tpu.vector_load %arg11[%get3A_312] {strides = array<i32>} : memref<512xi32, #tpu.memory_space<vmem>>, vector<16xi32>,
        %eq3A_314 = vector.broadcast %reduce_min3A_288 : f32 to vector<16xf32>
        %eq3A_315 = arith.cmpf oeq, %get3A_311, %eq3A_314 : vector<16xf32>
        %jit3A_316 = arith.constant 8192 : i32
        %broadcast_in_dim3A_317 = vector.broadcast %jit3A_316 : i32 to vector<16xi32>
        %select_n3A_318 = arith.select %eq3A_315, %get3A_313, %broadcast_in_dim3A_317 : vector<16xi1>, vector<16xi32>
        %min3A_319 = arith.minsi %min3A_309, %select_n3A_318 : vector<16xi32>
        %get3A_320 = arith.constant 48 : index
        %get3A_321 = tpu.vector_load %arg10[%get3A_320] {strides = array<i32>} : memref<512xf32, #tpu.memory_space<vmem>>, vector<16xf32>,
        %get3A_322 = arith.constant 48 : index
        %get3A_323 = tpu.vector_load %arg11[%get3A_322] {strides = array<i32>} : memref<512xi32, #tpu.memory_space<vmem>>, vector<16xi32>,
        %eq3A_324 = vector.broadcast %reduce_min3A_288 : f32 to vector<16xf32>
        %eq3A_325 = arith.cmpf oeq, %get3A_321, %eq3A_324 : vector<16xf32>
        %jit3A_326 = arith.constant 8192 : i32
        %broadcast_in_dim3A_327 = vector.broadcast %jit3A_326 : i32 to vector<16xi32>
        %select_n3A_328 = arith.select %eq3A_325, %get3A_323, %broadcast_in_dim3A_327 : vector<16xi1>, vector<16xi32>
        %min3A_329 = arith.minsi %min3A_319, %select_n3A_328 : vector<16xi32>
        %reduce_min3A_330 = arith.constant true
        %reduce_min3A_331 = vector.broadcast %reduce_min3A_330 : i1 to vector<16xi1>
        %reduce_min3A_332 = arith.constant -2147483648 : i32
        %reduce_min3A_333 = vector.broadcast %reduce_min3A_332 : i32 to vector<16xi32>
        %reduce_min3A_334 = arith.xori %min3A_329, %reduce_min3A_333 : vector<16xi32>
        %reduce_min3A_335 = tpu.scan <min>, %reduce_min3A_334 masked %reduce_min3A_331 : vector<16xi32>, vector<16xi1> -> vector<16xi32>
        %reduce_min3A_336 = arith.xori %reduce_min3A_335, %reduce_min3A_333 : vector<16xi32>
        %reduce_min3A_337 = vector.extract %reduce_min3A_336[15] : i32 from vector<16xi32>
        %get3A_338 = arith.constant 0 : index
        %get3A_339 = tpu.vector_load %arg10[%get3A_338] {strides = array<i32>} : memref<512xf32, #tpu.memory_space<vmem>>, vector<16xf32>,
        %get3A_340 = arith.constant 0 : index
        %get3A_341 = tpu.vector_load %arg11[%get3A_340] {strides = array<i32>} : memref<512xi32, #tpu.memory_space<vmem>>, vector<16xi32>,
        %eq3A_342 = vector.broadcast %reduce_min3A_288 : f32 to vector<16xf32>
        %eq3A_343 = arith.cmpf oeq, %get3A_339, %eq3A_342 : vector<16xf32>
        %eq3A_344 = vector.broadcast %reduce_min3A_337 : i32 to vector<16xi32>
        %eq3A_345 = arith.cmpi eq, %get3A_341, %eq3A_344 : vector<16xi32>
        %and3A = arith.andi %eq3A_343, %eq3A_345 : vector<16xi1>
        %jit3A_346 = arith.constant 0x7F800000 : f32
        %broadcast_in_dim3A_347 = vector.broadcast %jit3A_346 : f32 to vector<16xf32>
        %select_n3A_348 = arith.select %and3A, %broadcast_in_dim3A_347, %get3A_339 : vector<16xi1>, vector<16xf32>
        %swap3A_349 = arith.constant 0 : index
        %swap3A_350 = tpu.vector_load %arg10[%swap3A_349] {strides = array<i32>} : memref<512xf32, #tpu.memory_space<vmem>>, vector<16xf32>,
        tpu.vector_store %arg10[%swap3A_349], %select_n3A_348 {strides = array<i32>} : memref<512xf32, #tpu.memory_space<vmem>>, vector<16xf32>,
        %get3A_351 = arith.constant 16 : index
        %get3A_352 = tpu.vector_load %arg10[%get3A_351] {strides = array<i32>} : memref<512xf32, #tpu.memory_space<vmem>>, vector<16xf32>,
        %get3A_353 = arith.constant 16 : index
        %get3A_354 = tpu.vector_load %arg11[%get3A_353] {strides = array<i32>} : memref<512xi32, #tpu.memory_space<vmem>>, vector<16xi32>,
        %eq3A_355 = vector.broadcast %reduce_min3A_288 : f32 to vector<16xf32>
        %eq3A_356 = arith.cmpf oeq, %get3A_352, %eq3A_355 : vector<16xf32>
        %eq3A_357 = vector.broadcast %reduce_min3A_337 : i32 to vector<16xi32>
        %eq3A_358 = arith.cmpi eq, %get3A_354, %eq3A_357 : vector<16xi32>
        %and3A_359 = arith.andi %eq3A_356, %eq3A_358 : vector<16xi1>
        %jit3A_360 = arith.constant 0x7F800000 : f32
        %broadcast_in_dim3A_361 = vector.broadcast %jit3A_360 : f32 to vector<16xf32>
        %select_n3A_362 = arith.select %and3A_359, %broadcast_in_dim3A_361, %get3A_352 : vector<16xi1>, vector<16xf32>
        %swap3A_363 = arith.constant 16 : index
        %swap3A_364 = tpu.vector_load %arg10[%swap3A_363] {strides = array<i32>} : memref<512xf32, #tpu.memory_space<vmem>>, vector<16xf32>,
        tpu.vector_store %arg10[%swap3A_363], %select_n3A_362 {strides = array<i32>} : memref<512xf32, #tpu.memory_space<vmem>>, vector<16xf32>,
        %get3A_365 = arith.constant 32 : index
        %get3A_366 = tpu.vector_load %arg10[%get3A_365] {strides = array<i32>} : memref<512xf32, #tpu.memory_space<vmem>>, vector<16xf32>,
        %get3A_367 = arith.constant 32 : index
        %get3A_368 = tpu.vector_load %arg11[%get3A_367] {strides = array<i32>} : memref<512xi32, #tpu.memory_space<vmem>>, vector<16xi32>,
        %eq3A_369 = vector.broadcast %reduce_min3A_288 : f32 to vector<16xf32>
        %eq3A_370 = arith.cmpf oeq, %get3A_366, %eq3A_369 : vector<16xf32>
        %eq3A_371 = vector.broadcast %reduce_min3A_337 : i32 to vector<16xi32>
        %eq3A_372 = arith.cmpi eq, %get3A_368, %eq3A_371 : vector<16xi32>
        %and3A_373 = arith.andi %eq3A_370, %eq3A_372 : vector<16xi1>
        %jit3A_374 = arith.constant 0x7F800000 : f32
        %broadcast_in_dim3A_375 = vector.broadcast %jit3A_374 : f32 to vector<16xf32>
        %select_n3A_376 = arith.select %and3A_373, %broadcast_in_dim3A_375, %get3A_366 : vector<16xi1>, vector<16xf32>
        %swap3A_377 = arith.constant 32 : index
        %swap3A_378 = tpu.vector_load %arg10[%swap3A_377] {strides = array<i32>} : memref<512xf32, #tpu.memory_space<vmem>>, vector<16xf32>,
        tpu.vector_store %arg10[%swap3A_377], %select_n3A_376 {strides = array<i32>} : memref<512xf32, #tpu.memory_space<vmem>>, vector<16xf32>,
        %get3A_379 = arith.constant 48 : index
        %get3A_380 = tpu.vector_load %arg10[%get3A_379] {strides = array<i32>} : memref<512xf32, #tpu.memory_space<vmem>>, vector<16xf32>,
        %get3A_381 = arith.constant 48 : index
        %get3A_382 = tpu.vector_load %arg11[%get3A_381] {strides = array<i32>} : memref<512xi32, #tpu.memory_space<vmem>>, vector<16xi32>,
        %eq3A_383 = vector.broadcast %reduce_min3A_288 : f32 to vector<16xf32>
        %eq3A_384 = arith.cmpf oeq, %get3A_380, %eq3A_383 : vector<16xf32>
        %eq3A_385 = vector.broadcast %reduce_min3A_337 : i32 to vector<16xi32>
        %eq3A_386 = arith.cmpi eq, %get3A_382, %eq3A_385 : vector<16xi32>
        %and3A_387 = arith.andi %eq3A_384, %eq3A_386 : vector<16xi1>
        %jit3A_388 = arith.constant 0x7F800000 : f32
        %broadcast_in_dim3A_389 = vector.broadcast %jit3A_388 : f32 to vector<16xf32>
        %select_n3A_390 = arith.select %and3A_387, %broadcast_in_dim3A_389, %get3A_380 : vector<16xi1>, vector<16xf32>
        %swap3A_391 = arith.constant 48 : index
        %swap3A_392 = tpu.vector_load %arg10[%swap3A_391] {strides = array<i32>} : memref<512xf32, #tpu.memory_space<vmem>>, vector<16xf32>,
        tpu.vector_store %arg10[%swap3A_391], %select_n3A_390 {strides = array<i32>} : memref<512xf32, #tpu.memory_space<vmem>>, vector<16xf32>,
        %add3A_393 = arith.addi %reduce_min3A_337, %mul3A_251 : i32
        %eq3A_394 = vector.broadcast %scan3A_271 : i32 to vector<16xi32>
        %eq3A_395 = arith.cmpi eq, %iota3A, %eq3A_394 : vector<16xi32>
        %broadcast_in_dim3A_396 = vector.broadcast %add3A_393 : i32 to vector<16xi32>
        %select_n3A_397 = arith.select %eq3A_395, %broadcast_in_dim3A_396, %scan3A_272 : vector<16xi1>, vector<16xi32>
        %sub3A = arith.constant 16 : i32
        %sub3A_398 = arith.subi %scan3A_271, %sub3A : i32
        %eq3A_399 = vector.broadcast %sub3A_398 : i32 to vector<16xi32>
        %eq3A_400 = arith.cmpi eq, %iota3A, %eq3A_399 : vector<16xi32>
        %broadcast_in_dim3A_401 = vector.broadcast %add3A_393 : i32 to vector<16xi32>
        %select_n3A_402 = arith.select %eq3A_400, %broadcast_in_dim3A_401, %scan3A_273 : vector<16xi1>, vector<16xi32>
        scf.yield %select_n3A_397, %select_n3A_402 : vector<16xi32>, vector<16xi32>
      }
      %scan3A_259 = arith.constant 32 : i32
      %mul3A_260 = arith.constant 32 : i32
      %mul3A_261 = arith.muli %add3A_148, %mul3A_260 : i32
      %swap3A_262 = arith.index_cast %mul3A_261 : i32 to index
      %swap3A_263 = tpu.vector_load %arg12[%swap3A_262] {strides = array<i32>} : memref<8192xi32, #tpu.memory_space<vmem>>, vector<16xi32>,
      tpu.vector_store %arg12[%swap3A_262], %scan3A_258#0 {strides = array<i32>} : memref<8192xi32, #tpu.memory_space<vmem>>, vector<16xi32>,
      %mul3A_264 = arith.constant 32 : i32
      %mul3A_265 = arith.muli %add3A_148, %mul3A_264 : i32
      %add3A_266 = arith.constant 16 : i32
      %add3A_267 = arith.addi %mul3A_265, %add3A_266 : i32
      %swap3A_268 = arith.index_cast %add3A_267 : i32 to index
      %swap3A_269 = tpu.vector_load %arg12[%swap3A_268] {strides = array<i32>} : memref<8192xi32, #tpu.memory_space<vmem>>, vector<16xi32>,
      tpu.vector_store %arg12[%swap3A_268], %scan3A_258#1 {strides = array<i32>} : memref<8192xi32, #tpu.memory_space<vmem>>, vector<16xi32>,
      %scan3A_270 = arith.constant 0 : i32
      scf.yield %scan3A_270 : i32
    }
    %scan3A_22 = arith.constant 128 : i32
    %scan3A_23 = arith.constant 0 : i32
    %scan3A_24 = arith.constant 0 : i32
    %scan3A_25 = arith.constant 8 : i32
    %scan3A_26 = arith.addi %scan3A_24, %scan3A_25 : i32
    %scan3A_27 = arith.constant 1 : i32
    %scan3A_28 = scf.for %scan3A_30 = %scan3A_24 to %scan3A_26 step %scan3A_27 iter_args(%scan3A_31 = %scan3A_23) -> (i32)  : i32 {
      %mul3A_32 = arith.constant 1024 : i32
      %mul3A_33 = arith.muli %scan3A_30, %mul3A_32 : i32
      %multiple_of3A_34 = tpu.assume_multiple %mul3A_33, 1024 : i32
      %dma_start3A_35 = tpu.memref_slice %arg12[%multiple_of3A_34] : memref<8192xi32, #tpu.memory_space<vmem>> -> memref<1024xi32, #tpu.memory_space<vmem>>
      %dma_start3A_36 = arith.constant 0 : i32
      %dma_start3A_37 = arith.constant 0 : i32
      %dma_start3A_38 = tpu.memref_slice %arg4[%dma_start3A_36, %dma_start3A_37] : memref<65536x16xf32, #tpu.memory_space<hbm>> -> memref<65536x16xf32, #tpu.memory_space<hbm>>
      tpu.enqueue_indirect_dma source(%dma_start3A_38 : memref<65536x16xf32, #tpu.memory_space<hbm>>) target(%arg13 : memref<1024x16xf32, #tpu.memory_space<vmem>>) offsets(%dma_start3A_35 : memref<1024xi32, #tpu.memory_space<vmem>>) semaphore(%arg17 : memref<!tpu.dma_semaphore, #tpu.memory_space<semaphore_mem>>)
      %dma_wait3A = tpu.memref_slice %arg12[%multiple_of3A_34] : memref<8192xi32, #tpu.memory_space<vmem>> -> memref<1024xi32, #tpu.memory_space<vmem>>
      %dma_wait3A_39 = arith.constant 0 : i32
      %dma_wait3A_40 = arith.constant 0 : i32
      %dma_wait3A_41 = tpu.memref_slice %arg4[%dma_wait3A_39, %dma_wait3A_40] : memref<65536x16xf32, #tpu.memory_space<hbm>> -> memref<65536x16xf32, #tpu.memory_space<hbm>>
      tpu.wait_indirect_dma semaphore(%arg17 : memref<!tpu.dma_semaphore, #tpu.memory_space<semaphore_mem>>) src(%dma_wait3A_41 : memref<65536x16xf32, #tpu.memory_space<hbm>>) dst(%arg13 : memref<1024x16xf32, #tpu.memory_space<vmem>>)
      %scan3A_42 = arith.constant 0 : i32
      %scan3A_43 = arith.constant 0 : i32
      %scan3A_44 = arith.constant 32 : i32
      %scan3A_45 = arith.addi %scan3A_43, %scan3A_44 : i32
      %scan3A_46 = arith.constant 1 : i32
      %scan3A_47 = scf.for %scan3A_56 = %scan3A_43 to %scan3A_45 step %scan3A_46 iter_args(%scan3A_57 = %scan3A_42) -> (i32)  : i32 {
        %mul3A_58 = arith.constant 32 : i32
        %mul3A_59 = arith.muli %scan3A_30, %mul3A_58 : i32
        %add3A_60 = arith.addi %mul3A_59, %scan3A_56 : i32
        %get3A = arith.index_cast %add3A_60 : i32 to index
        %get3A_61 = arith.constant 0 : index
        %get3A_62 = tpu.vector_load %arg14[%get3A, %get3A_61] {strides = array<i32>} : memref<256x16xf32, #tpu.memory_space<vmem>>, vector<16xf32>,
        %mul3A_63 = arith.constant 32 : i32
        %mul3A_64 = arith.muli %scan3A_56, %mul3A_63 : i32
        %add3A_65 = arith.constant 0 : i32
        %add3A_66 = arith.addi %mul3A_64, %add3A_65 : i32
        %get3A_67 = arith.index_cast %add3A_66 : i32 to index
        %get3A_68 = arith.constant 0 : index
        %get3A_69 = tpu.vector_load %arg13[%get3A_67, %get3A_68] {strides = array<i32>} : memref<1024x16xf32, #tpu.memory_space<vmem>>, vector<16xf32>,
        %add3A_70 = arith.addf %get3A_69, %get3A_62 : vector<16xf32>
        %mul3A_71 = arith.constant 32 : i32
        %mul3A_72 = arith.muli %scan3A_56, %mul3A_71 : i32
        %add3A_73 = arith.constant 0 : i32
        %add3A_74 = arith.addi %mul3A_72, %add3A_73 : i32
        %swap3A = arith.index_cast %add3A_74 : i32 to index
        %swap3A_75 = arith.constant 0 : index
        %swap3A_76 = tpu.vector_load %arg13[%swap3A, %swap3A_75] {strides = array<i32>} : memref<1024x16xf32, #tpu.memory_space<vmem>>, vector<16xf32>,
        tpu.vector_store %arg13[%swap3A, %swap3A_75], %add3A_70 {strides = array<i32>} : memref<1024x16xf32, #tpu.memory_space<vmem>>, vector<16xf32>,
        %mul3A_77 = arith.constant 32 : i32
        %mul3A_78 = arith.muli %scan3A_56, %mul3A_77 : i32
        %add3A_79 = arith.constant 1 : i32
        %add3A_80 = arith.addi %mul3A_78, %add3A_79 : i32
        %get3A_81 = arith.index_cast %add3A_80 : i32 to index
        %get3A_82 = arith.constant 0 : index
        %get3A_83 = tpu.vector_load %arg13[%get3A_81, %get3A_82] {strides = array<i32>} : memref<1024x16xf32, #tpu.memory_space<vmem>>, vector<16xf32>,
        %add3A_84 = arith.addf %get3A_83, %get3A_62 : vector<16xf32>
        %mul3A_85 = arith.constant 32 : i32
        %mul3A_86 = arith.muli %scan3A_56, %mul3A_85 : i32
        %add3A_87 = arith.constant 1 : i32
        %add3A_88 = arith.addi %mul3A_86, %add3A_87 : i32
        %swap3A_89 = arith.index_cast %add3A_88 : i32 to index
        %swap3A_90 = arith.constant 0 : index
        %swap3A_91 = tpu.vector_load %arg13[%swap3A_89, %swap3A_90] {strides = array<i32>} : memref<1024x16xf32, #tpu.memory_space<vmem>>, vector<16xf32>,
        tpu.vector_store %arg13[%swap3A_89, %swap3A_90], %add3A_84 {strides = array<i32>} : memref<1024x16xf32, #tpu.memory_space<vmem>>, vector<16xf32>,
        %mul3A_92 = arith.constant 32 : i32
        %mul3A_93 = arith.muli %scan3A_56, %mul3A_92 : i32
        %add3A_94 = arith.constant 2 : i32
        %add3A_95 = arith.addi %mul3A_93, %add3A_94 : i32
        %get3A_96 = arith.index_cast %add3A_95 : i32 to index
        %get3A_97 = arith.constant 0 : index
        %get3A_98 = tpu.vector_load %arg13[%get3A_96, %get3A_97] {strides = array<i32>} : memref<1024x16xf32, #tpu.memory_space<vmem>>, vector<16xf32>,
        %add3A_99 = arith.addf %get3A_98, %get3A_62 : vector<16xf32>
        %mul3A_100 = arith.constant 32 : i32
        %mul3A_101 = arith.muli %scan3A_56, %mul3A_100 : i32
        %add3A_102 = arith.constant 2 : i32
        %add3A_103 = arith.addi %mul3A_101, %add3A_102 : i32
        %swap3A_104 = arith.index_cast %add3A_103 : i32 to index
        %swap3A_105 = arith.constant 0 : index
        %swap3A_106 = tpu.vector_load %arg13[%swap3A_104, %swap3A_105] {strides = array<i32>} : memref<1024x16xf32, #tpu.memory_space<vmem>>, vector<16xf32>,
        tpu.vector_store %arg13[%swap3A_104, %swap3A_105], %add3A_99 {strides = array<i32>} : memref<1024x16xf32, #tpu.memory_space<vmem>>, vector<16xf32>,
        %mul3A_107 = arith.constant 32 : i32
        %mul3A_108 = arith.muli %scan3A_56, %mul3A_107 : i32
        %add3A_109 = arith.constant 3 : i32
        %add3A_110 = arith.addi %mul3A_108, %add3A_109 : i32
        %get3A_111 = arith.index_cast %add3A_110 : i32 to index
        %get3A_112 = arith.constant 0 : index
        %get3A_113 = tpu.vector_load %arg13[%get3A_111, %get3A_112] {strides = array<i32>} : memref<1024x16xf32, #tpu.memory_space<vmem>>, vector<16xf32>,
        %add3A_114 = arith.addf %get3A_113, %get3A_62 : vector<16xf32>
        %mul3A_115 = arith.constant 32 : i32
        %mul3A_116 = arith.muli %scan3A_56, %mul3A_115 : i32
        %add3A_117 = arith.constant 3 : i32
        %add3A_118 = arith.addi %mul3A_116, %add3A_117 : i32
        %swap3A_119 = arith.index_cast %add3A_118 : i32 to index
        %swap3A_120 = arith.constant 0 : index
        %swap3A_121 = tpu.vector_load %arg13[%swap3A_119, %swap3A_120] {strides = array<i32>} : memref<1024x16xf32, #tpu.memory_space<vmem>>, vector<16xf32>,
        tpu.vector_store %arg13[%swap3A_119, %swap3A_120], %add3A_114 {strides = array<i32>} : memref<1024x16xf32, #tpu.memory_space<vmem>>, vector<16xf32>,
        %mul3A_122 = arith.constant 32 : i32
        %mul3A_123 = arith.muli %scan3A_56, %mul3A_122 : i32
        %add3A_124 = arith.constant 4 : i32
        %add3A_125 = arith.addi %mul3A_123, %add3A_124 : i32
        %get3A_126 = arith.index_cast %add3A_125 : i32 to index
        %get3A_127 = arith.constant 0 : index
        %get3A_128 = tpu.vector_load %arg13[%get3A_126, %get3A_127] {strides = array<i32>} : memref<1024x16xf32, #tpu.memory_space<vmem>>, vector<16xf32>,
        %add3A_129 = arith.addf %get3A_128, %get3A_62 : vector<16xf32>
        %mul3A_130 = arith.constant 32 : i32
        %mul3A_131 = arith.muli %scan3A_56, %mul3A_130 : i32
        %add3A_132 = arith.constant 4 : i32
        %add3A_133 = arith.addi %mul3A_131, %add3A_132 : i32
        %swap3A_134 = arith.index_cast %add3A_133 : i32 to index
        %swap3A_135 = arith.constant 0 : index
        %swap3A_136 = tpu.vector_load %arg13[%swap3A_134, %swap3A_135] {strides = array<i32>} : memref<1024x16xf32, #tpu.memory_space<vmem>>, vector<16xf32>,
        tpu.vector_store %arg13[%swap3A_134, %swap3A_135], %add3A_129 {strides = array<i32>} : memref<1024x16xf32, #tpu.memory_space<vmem>>, vector<16xf32>,
        %mul3A_137 = arith.constant 32 : i32
        %mul3A_138 = arith.muli %scan3A_56, %mul3A_137 : i32
        %add3A_139 = arith.constant 5 : i32
        %add3A_140 = arith.addi %mul3A_138, %add3A_139 : i32
        %get3A_141 = arith.index_cast %add3A_140 : i32 to index
        %get3A_142 = arith.constant 0 : index
        %get3A_143 = tpu.vector_load %arg13[%get3A_141, %get3A_142] {strides = array<i32>} : memref<1024x16xf32, #tpu.memory_space<vmem>>, vector<16xf32>,
        %add3A_144 = arith.addf %get3A_143, %get3A_62 : vector<16xf32>
        %mul3A_145 = arith.constant 32 : i32
        %mul3A_146 = arith.muli %scan3A_56, %mul3A_145 : i32
        %add3A_147 = arith.constant 5 : i32
        %add3A_148 = arith.addi %mul3A_146, %add3A_147 : i32
        %swap3A_149 = arith.index_cast %add3A_148 : i32 to index
        %swap3A_150 = arith.constant 0 : index
        %swap3A_151 = tpu.vector_load %arg13[%swap3A_149, %swap3A_150] {strides = array<i32>} : memref<1024x16xf32, #tpu.memory_space<vmem>>, vector<16xf32>,
        tpu.vector_store %arg13[%swap3A_149, %swap3A_150], %add3A_144 {strides = array<i32>} : memref<1024x16xf32, #tpu.memory_space<vmem>>, vector<16xf32>,
        %mul3A_152 = arith.constant 32 : i32
        %mul3A_153 = arith.muli %scan3A_56, %mul3A_152 : i32
        %add3A_154 = arith.constant 6 : i32
        %add3A_155 = arith.addi %mul3A_153, %add3A_154 : i32
        %get3A_156 = arith.index_cast %add3A_155 : i32 to index
        %get3A_157 = arith.constant 0 : index
        %get3A_158 = tpu.vector_load %arg13[%get3A_156, %get3A_157] {strides = array<i32>} : memref<1024x16xf32, #tpu.memory_space<vmem>>, vector<16xf32>,
        %add3A_159 = arith.addf %get3A_158, %get3A_62 : vector<16xf32>
        %mul3A_160 = arith.constant 32 : i32
        %mul3A_161 = arith.muli %scan3A_56, %mul3A_160 : i32
        %add3A_162 = arith.constant 6 : i32
        %add3A_163 = arith.addi %mul3A_161, %add3A_162 : i32
        %swap3A_164 = arith.index_cast %add3A_163 : i32 to index
        %swap3A_165 = arith.constant 0 : index
        %swap3A_166 = tpu.vector_load %arg13[%swap3A_164, %swap3A_165] {strides = array<i32>} : memref<1024x16xf32, #tpu.memory_space<vmem>>, vector<16xf32>,
        tpu.vector_store %arg13[%swap3A_164, %swap3A_165], %add3A_159 {strides = array<i32>} : memref<1024x16xf32, #tpu.memory_space<vmem>>, vector<16xf32>,
        %mul3A_167 = arith.constant 32 : i32
        %mul3A_168 = arith.muli %scan3A_56, %mul3A_167 : i32
        %add3A_169 = arith.constant 7 : i32
        %add3A_170 = arith.addi %mul3A_168, %add3A_169 : i32
        %get3A_171 = arith.index_cast %add3A_170 : i32 to index
        %get3A_172 = arith.constant 0 : index
        %get3A_173 = tpu.vector_load %arg13[%get3A_171, %get3A_172] {strides = array<i32>} : memref<1024x16xf32, #tpu.memory_space<vmem>>, vector<16xf32>,
        %add3A_174 = arith.addf %get3A_173, %get3A_62 : vector<16xf32>
        %mul3A_175 = arith.constant 32 : i32
        %mul3A_176 = arith.muli %scan3A_56, %mul3A_175 : i32
        %add3A_177 = arith.constant 7 : i32
        %add3A_178 = arith.addi %mul3A_176, %add3A_177 : i32
        %swap3A_179 = arith.index_cast %add3A_178 : i32 to index
        %swap3A_180 = arith.constant 0 : index
        %swap3A_181 = tpu.vector_load %arg13[%swap3A_179, %swap3A_180] {strides = array<i32>} : memref<1024x16xf32, #tpu.memory_space<vmem>>, vector<16xf32>,
        tpu.vector_store %arg13[%swap3A_179, %swap3A_180], %add3A_174 {strides = array<i32>} : memref<1024x16xf32, #tpu.memory_space<vmem>>, vector<16xf32>,
        %mul3A_182 = arith.constant 32 : i32
        %mul3A_183 = arith.muli %scan3A_56, %mul3A_182 : i32
        %add3A_184 = arith.constant 8 : i32
        %add3A_185 = arith.addi %mul3A_183, %add3A_184 : i32
        %get3A_186 = arith.index_cast %add3A_185 : i32 to index
        %get3A_187 = arith.constant 0 : index
        %get3A_188 = tpu.vector_load %arg13[%get3A_186, %get3A_187] {strides = array<i32>} : memref<1024x16xf32, #tpu.memory_space<vmem>>, vector<16xf32>,
        %add3A_189 = arith.addf %get3A_188, %get3A_62 : vector<16xf32>
        %mul3A_190 = arith.constant 32 : i32
        %mul3A_191 = arith.muli %scan3A_56, %mul3A_190 : i32
        %add3A_192 = arith.constant 8 : i32
        %add3A_193 = arith.addi %mul3A_191, %add3A_192 : i32
        %swap3A_194 = arith.index_cast %add3A_193 : i32 to index
        %swap3A_195 = arith.constant 0 : index
        %swap3A_196 = tpu.vector_load %arg13[%swap3A_194, %swap3A_195] {strides = array<i32>} : memref<1024x16xf32, #tpu.memory_space<vmem>>, vector<16xf32>,
        tpu.vector_store %arg13[%swap3A_194, %swap3A_195], %add3A_189 {strides = array<i32>} : memref<1024x16xf32, #tpu.memory_space<vmem>>, vector<16xf32>,
        %mul3A_197 = arith.constant 32 : i32
        %mul3A_198 = arith.muli %scan3A_56, %mul3A_197 : i32
        %add3A_199 = arith.constant 9 : i32
        %add3A_200 = arith.addi %mul3A_198, %add3A_199 : i32
        %get3A_201 = arith.index_cast %add3A_200 : i32 to index
        %get3A_202 = arith.constant 0 : index
        %get3A_203 = tpu.vector_load %arg13[%get3A_201, %get3A_202] {strides = array<i32>} : memref<1024x16xf32, #tpu.memory_space<vmem>>, vector<16xf32>,
        %add3A_204 = arith.addf %get3A_203, %get3A_62 : vector<16xf32>
        %mul3A_205 = arith.constant 32 : i32
        %mul3A_206 = arith.muli %scan3A_56, %mul3A_205 : i32
        %add3A_207 = arith.constant 9 : i32
        %add3A_208 = arith.addi %mul3A_206, %add3A_207 : i32
        %swap3A_209 = arith.index_cast %add3A_208 : i32 to index
        %swap3A_210 = arith.constant 0 : index
        %swap3A_211 = tpu.vector_load %arg13[%swap3A_209, %swap3A_210] {strides = array<i32>} : memref<1024x16xf32, #tpu.memory_space<vmem>>, vector<16xf32>,
        tpu.vector_store %arg13[%swap3A_209, %swap3A_210], %add3A_204 {strides = array<i32>} : memref<1024x16xf32, #tpu.memory_space<vmem>>, vector<16xf32>,
        %mul3A_212 = arith.constant 32 : i32
        %mul3A_213 = arith.muli %scan3A_56, %mul3A_212 : i32
        %add3A_214 = arith.constant 10 : i32
        %add3A_215 = arith.addi %mul3A_213, %add3A_214 : i32
        %get3A_216 = arith.index_cast %add3A_215 : i32 to index
        %get3A_217 = arith.constant 0 : index
        %get3A_218 = tpu.vector_load %arg13[%get3A_216, %get3A_217] {strides = array<i32>} : memref<1024x16xf32, #tpu.memory_space<vmem>>, vector<16xf32>,
        %add3A_219 = arith.addf %get3A_218, %get3A_62 : vector<16xf32>
        %mul3A_220 = arith.constant 32 : i32
        %mul3A_221 = arith.muli %scan3A_56, %mul3A_220 : i32
        %add3A_222 = arith.constant 10 : i32
        %add3A_223 = arith.addi %mul3A_221, %add3A_222 : i32
        %swap3A_224 = arith.index_cast %add3A_223 : i32 to index
        %swap3A_225 = arith.constant 0 : index
        %swap3A_226 = tpu.vector_load %arg13[%swap3A_224, %swap3A_225] {strides = array<i32>} : memref<1024x16xf32, #tpu.memory_space<vmem>>, vector<16xf32>,
        tpu.vector_store %arg13[%swap3A_224, %swap3A_225], %add3A_219 {strides = array<i32>} : memref<1024x16xf32, #tpu.memory_space<vmem>>, vector<16xf32>,
        %mul3A_227 = arith.constant 32 : i32
        %mul3A_228 = arith.muli %scan3A_56, %mul3A_227 : i32
        %add3A_229 = arith.constant 11 : i32
        %add3A_230 = arith.addi %mul3A_228, %add3A_229 : i32
        %get3A_231 = arith.index_cast %add3A_230 : i32 to index
        %get3A_232 = arith.constant 0 : index
        %get3A_233 = tpu.vector_load %arg13[%get3A_231, %get3A_232] {strides = array<i32>} : memref<1024x16xf32, #tpu.memory_space<vmem>>, vector<16xf32>,
        %add3A_234 = arith.addf %get3A_233, %get3A_62 : vector<16xf32>
        %mul3A_235 = arith.constant 32 : i32
        %mul3A_236 = arith.muli %scan3A_56, %mul3A_235 : i32
        %add3A_237 = arith.constant 11 : i32
        %add3A_238 = arith.addi %mul3A_236, %add3A_237 : i32
        %swap3A_239 = arith.index_cast %add3A_238 : i32 to index
        %swap3A_240 = arith.constant 0 : index
        %swap3A_241 = tpu.vector_load %arg13[%swap3A_239, %swap3A_240] {strides = array<i32>} : memref<1024x16xf32, #tpu.memory_space<vmem>>, vector<16xf32>,
        tpu.vector_store %arg13[%swap3A_239, %swap3A_240], %add3A_234 {strides = array<i32>} : memref<1024x16xf32, #tpu.memory_space<vmem>>, vector<16xf32>,
        %mul3A_242 = arith.constant 32 : i32
        %mul3A_243 = arith.muli %scan3A_56, %mul3A_242 : i32
        %add3A_244 = arith.constant 12 : i32
        %add3A_245 = arith.addi %mul3A_243, %add3A_244 : i32
        %get3A_246 = arith.index_cast %add3A_245 : i32 to index
        %get3A_247 = arith.constant 0 : index
        %get3A_248 = tpu.vector_load %arg13[%get3A_246, %get3A_247] {strides = array<i32>} : memref<1024x16xf32, #tpu.memory_space<vmem>>, vector<16xf32>,
        %add3A_249 = arith.addf %get3A_248, %get3A_62 : vector<16xf32>
        %mul3A_250 = arith.constant 32 : i32
        %mul3A_251 = arith.muli %scan3A_56, %mul3A_250 : i32
        %add3A_252 = arith.constant 12 : i32
        %add3A_253 = arith.addi %mul3A_251, %add3A_252 : i32
        %swap3A_254 = arith.index_cast %add3A_253 : i32 to index
        %swap3A_255 = arith.constant 0 : index
        %swap3A_256 = tpu.vector_load %arg13[%swap3A_254, %swap3A_255] {strides = array<i32>} : memref<1024x16xf32, #tpu.memory_space<vmem>>, vector<16xf32>,
        tpu.vector_store %arg13[%swap3A_254, %swap3A_255], %add3A_249 {strides = array<i32>} : memref<1024x16xf32, #tpu.memory_space<vmem>>, vector<16xf32>,
        %mul3A_257 = arith.constant 32 : i32
        %mul3A_258 = arith.muli %scan3A_56, %mul3A_257 : i32
        %add3A_259 = arith.constant 13 : i32
        %add3A_260 = arith.addi %mul3A_258, %add3A_259 : i32
        %get3A_261 = arith.index_cast %add3A_260 : i32 to index
        %get3A_262 = arith.constant 0 : index
        %get3A_263 = tpu.vector_load %arg13[%get3A_261, %get3A_262] {strides = array<i32>} : memref<1024x16xf32, #tpu.memory_space<vmem>>, vector<16xf32>,
        %add3A_264 = arith.addf %get3A_263, %get3A_62 : vector<16xf32>
        %mul3A_265 = arith.constant 32 : i32
        %mul3A_266 = arith.muli %scan3A_56, %mul3A_265 : i32
        %add3A_267 = arith.constant 13 : i32
        %add3A_268 = arith.addi %mul3A_266, %add3A_267 : i32
        %swap3A_269 = arith.index_cast %add3A_268 : i32 to index
        %swap3A_270 = arith.constant 0 : index
        %swap3A_271 = tpu.vector_load %arg13[%swap3A_269, %swap3A_270] {strides = array<i32>} : memref<1024x16xf32, #tpu.memory_space<vmem>>, vector<16xf32>,
        tpu.vector_store %arg13[%swap3A_269, %swap3A_270], %add3A_264 {strides = array<i32>} : memref<1024x16xf32, #tpu.memory_space<vmem>>, vector<16xf32>,
        %mul3A_272 = arith.constant 32 : i32
        %mul3A_273 = arith.muli %scan3A_56, %mul3A_272 : i32
        %add3A_274 = arith.constant 14 : i32
        %add3A_275 = arith.addi %mul3A_273, %add3A_274 : i32
        %get3A_276 = arith.index_cast %add3A_275 : i32 to index
        %get3A_277 = arith.constant 0 : index
        %get3A_278 = tpu.vector_load %arg13[%get3A_276, %get3A_277] {strides = array<i32>} : memref<1024x16xf32, #tpu.memory_space<vmem>>, vector<16xf32>,
        %add3A_279 = arith.addf %get3A_278, %get3A_62 : vector<16xf32>
        %mul3A_280 = arith.constant 32 : i32
        %mul3A_281 = arith.muli %scan3A_56, %mul3A_280 : i32
        %add3A_282 = arith.constant 14 : i32
        %add3A_283 = arith.addi %mul3A_281, %add3A_282 : i32
        %swap3A_284 = arith.index_cast %add3A_283 : i32 to index
        %swap3A_285 = arith.constant 0 : index
        %swap3A_286 = tpu.vector_load %arg13[%swap3A_284, %swap3A_285] {strides = array<i32>} : memref<1024x16xf32, #tpu.memory_space<vmem>>, vector<16xf32>,
        tpu.vector_store %arg13[%swap3A_284, %swap3A_285], %add3A_279 {strides = array<i32>} : memref<1024x16xf32, #tpu.memory_space<vmem>>, vector<16xf32>,
        %mul3A_287 = arith.constant 32 : i32
        %mul3A_288 = arith.muli %scan3A_56, %mul3A_287 : i32
        %add3A_289 = arith.constant 15 : i32
        %add3A_290 = arith.addi %mul3A_288, %add3A_289 : i32
        %get3A_291 = arith.index_cast %add3A_290 : i32 to index
        %get3A_292 = arith.constant 0 : index
        %get3A_293 = tpu.vector_load %arg13[%get3A_291, %get3A_292] {strides = array<i32>} : memref<1024x16xf32, #tpu.memory_space<vmem>>, vector<16xf32>,
        %add3A_294 = arith.addf %get3A_293, %get3A_62 : vector<16xf32>
        %mul3A_295 = arith.constant 32 : i32
        %mul3A_296 = arith.muli %scan3A_56, %mul3A_295 : i32
        %add3A_297 = arith.constant 15 : i32
        %add3A_298 = arith.addi %mul3A_296, %add3A_297 : i32
        %swap3A_299 = arith.index_cast %add3A_298 : i32 to index
        %swap3A_300 = arith.constant 0 : index
        %swap3A_301 = tpu.vector_load %arg13[%swap3A_299, %swap3A_300] {strides = array<i32>} : memref<1024x16xf32, #tpu.memory_space<vmem>>, vector<16xf32>,
        tpu.vector_store %arg13[%swap3A_299, %swap3A_300], %add3A_294 {strides = array<i32>} : memref<1024x16xf32, #tpu.memory_space<vmem>>, vector<16xf32>,
        %mul3A_302 = arith.constant 32 : i32
        %mul3A_303 = arith.muli %scan3A_56, %mul3A_302 : i32
        %add3A_304 = arith.constant 16 : i32
        %add3A_305 = arith.addi %mul3A_303, %add3A_304 : i32
        %get3A_306 = arith.index_cast %add3A_305 : i32 to index
        %get3A_307 = arith.constant 0 : index
        %get3A_308 = tpu.vector_load %arg13[%get3A_306, %get3A_307] {strides = array<i32>} : memref<1024x16xf32, #tpu.memory_space<vmem>>, vector<16xf32>,
        %add3A_309 = arith.addf %get3A_308, %get3A_62 : vector<16xf32>
        %mul3A_310 = arith.constant 32 : i32
        %mul3A_311 = arith.muli %scan3A_56, %mul3A_310 : i32
        %add3A_312 = arith.constant 16 : i32
        %add3A_313 = arith.addi %mul3A_311, %add3A_312 : i32
        %swap3A_314 = arith.index_cast %add3A_313 : i32 to index
        %swap3A_315 = arith.constant 0 : index
        %swap3A_316 = tpu.vector_load %arg13[%swap3A_314, %swap3A_315] {strides = array<i32>} : memref<1024x16xf32, #tpu.memory_space<vmem>>, vector<16xf32>,
        tpu.vector_store %arg13[%swap3A_314, %swap3A_315], %add3A_309 {strides = array<i32>} : memref<1024x16xf32, #tpu.memory_space<vmem>>, vector<16xf32>,
        %mul3A_317 = arith.constant 32 : i32
        %mul3A_318 = arith.muli %scan3A_56, %mul3A_317 : i32
        %add3A_319 = arith.constant 17 : i32
        %add3A_320 = arith.addi %mul3A_318, %add3A_319 : i32
        %get3A_321 = arith.index_cast %add3A_320 : i32 to index
        %get3A_322 = arith.constant 0 : index
        %get3A_323 = tpu.vector_load %arg13[%get3A_321, %get3A_322] {strides = array<i32>} : memref<1024x16xf32, #tpu.memory_space<vmem>>, vector<16xf32>,
        %add3A_324 = arith.addf %get3A_323, %get3A_62 : vector<16xf32>
        %mul3A_325 = arith.constant 32 : i32
        %mul3A_326 = arith.muli %scan3A_56, %mul3A_325 : i32
        %add3A_327 = arith.constant 17 : i32
        %add3A_328 = arith.addi %mul3A_326, %add3A_327 : i32
        %swap3A_329 = arith.index_cast %add3A_328 : i32 to index
        %swap3A_330 = arith.constant 0 : index
        %swap3A_331 = tpu.vector_load %arg13[%swap3A_329, %swap3A_330] {strides = array<i32>} : memref<1024x16xf32, #tpu.memory_space<vmem>>, vector<16xf32>,
        tpu.vector_store %arg13[%swap3A_329, %swap3A_330], %add3A_324 {strides = array<i32>} : memref<1024x16xf32, #tpu.memory_space<vmem>>, vector<16xf32>,
        %mul3A_332 = arith.constant 32 : i32
        %mul3A_333 = arith.muli %scan3A_56, %mul3A_332 : i32
        %add3A_334 = arith.constant 18 : i32
        %add3A_335 = arith.addi %mul3A_333, %add3A_334 : i32
        %get3A_336 = arith.index_cast %add3A_335 : i32 to index
        %get3A_337 = arith.constant 0 : index
        %get3A_338 = tpu.vector_load %arg13[%get3A_336, %get3A_337] {strides = array<i32>} : memref<1024x16xf32, #tpu.memory_space<vmem>>, vector<16xf32>,
        %add3A_339 = arith.addf %get3A_338, %get3A_62 : vector<16xf32>
        %mul3A_340 = arith.constant 32 : i32
        %mul3A_341 = arith.muli %scan3A_56, %mul3A_340 : i32
        %add3A_342 = arith.constant 18 : i32
        %add3A_343 = arith.addi %mul3A_341, %add3A_342 : i32
        %swap3A_344 = arith.index_cast %add3A_343 : i32 to index
        %swap3A_345 = arith.constant 0 : index
        %swap3A_346 = tpu.vector_load %arg13[%swap3A_344, %swap3A_345] {strides = array<i32>} : memref<1024x16xf32, #tpu.memory_space<vmem>>, vector<16xf32>,
        tpu.vector_store %arg13[%swap3A_344, %swap3A_345], %add3A_339 {strides = array<i32>} : memref<1024x16xf32, #tpu.memory_space<vmem>>, vector<16xf32>,
        %mul3A_347 = arith.constant 32 : i32
        %mul3A_348 = arith.muli %scan3A_56, %mul3A_347 : i32
        %add3A_349 = arith.constant 19 : i32
        %add3A_350 = arith.addi %mul3A_348, %add3A_349 : i32
        %get3A_351 = arith.index_cast %add3A_350 : i32 to index
        %get3A_352 = arith.constant 0 : index
        %get3A_353 = tpu.vector_load %arg13[%get3A_351, %get3A_352] {strides = array<i32>} : memref<1024x16xf32, #tpu.memory_space<vmem>>, vector<16xf32>,
        %add3A_354 = arith.addf %get3A_353, %get3A_62 : vector<16xf32>
        %mul3A_355 = arith.constant 32 : i32
        %mul3A_356 = arith.muli %scan3A_56, %mul3A_355 : i32
        %add3A_357 = arith.constant 19 : i32
        %add3A_358 = arith.addi %mul3A_356, %add3A_357 : i32
        %swap3A_359 = arith.index_cast %add3A_358 : i32 to index
        %swap3A_360 = arith.constant 0 : index
        %swap3A_361 = tpu.vector_load %arg13[%swap3A_359, %swap3A_360] {strides = array<i32>} : memref<1024x16xf32, #tpu.memory_space<vmem>>, vector<16xf32>,
        tpu.vector_store %arg13[%swap3A_359, %swap3A_360], %add3A_354 {strides = array<i32>} : memref<1024x16xf32, #tpu.memory_space<vmem>>, vector<16xf32>,
        %mul3A_362 = arith.constant 32 : i32
        %mul3A_363 = arith.muli %scan3A_56, %mul3A_362 : i32
        %add3A_364 = arith.constant 20 : i32
        %add3A_365 = arith.addi %mul3A_363, %add3A_364 : i32
        %get3A_366 = arith.index_cast %add3A_365 : i32 to index
        %get3A_367 = arith.constant 0 : index
        %get3A_368 = tpu.vector_load %arg13[%get3A_366, %get3A_367] {strides = array<i32>} : memref<1024x16xf32, #tpu.memory_space<vmem>>, vector<16xf32>,
        %add3A_369 = arith.addf %get3A_368, %get3A_62 : vector<16xf32>
        %mul3A_370 = arith.constant 32 : i32
        %mul3A_371 = arith.muli %scan3A_56, %mul3A_370 : i32
        %add3A_372 = arith.constant 20 : i32
        %add3A_373 = arith.addi %mul3A_371, %add3A_372 : i32
        %swap3A_374 = arith.index_cast %add3A_373 : i32 to index
        %swap3A_375 = arith.constant 0 : index
        %swap3A_376 = tpu.vector_load %arg13[%swap3A_374, %swap3A_375] {strides = array<i32>} : memref<1024x16xf32, #tpu.memory_space<vmem>>, vector<16xf32>,
        tpu.vector_store %arg13[%swap3A_374, %swap3A_375], %add3A_369 {strides = array<i32>} : memref<1024x16xf32, #tpu.memory_space<vmem>>, vector<16xf32>,
        %mul3A_377 = arith.constant 32 : i32
        %mul3A_378 = arith.muli %scan3A_56, %mul3A_377 : i32
        %add3A_379 = arith.constant 21 : i32
        %add3A_380 = arith.addi %mul3A_378, %add3A_379 : i32
        %get3A_381 = arith.index_cast %add3A_380 : i32 to index
        %get3A_382 = arith.constant 0 : index
        %get3A_383 = tpu.vector_load %arg13[%get3A_381, %get3A_382] {strides = array<i32>} : memref<1024x16xf32, #tpu.memory_space<vmem>>, vector<16xf32>,
        %add3A_384 = arith.addf %get3A_383, %get3A_62 : vector<16xf32>
        %mul3A_385 = arith.constant 32 : i32
        %mul3A_386 = arith.muli %scan3A_56, %mul3A_385 : i32
        %add3A_387 = arith.constant 21 : i32
        %add3A_388 = arith.addi %mul3A_386, %add3A_387 : i32
        %swap3A_389 = arith.index_cast %add3A_388 : i32 to index
        %swap3A_390 = arith.constant 0 : index
        %swap3A_391 = tpu.vector_load %arg13[%swap3A_389, %swap3A_390] {strides = array<i32>} : memref<1024x16xf32, #tpu.memory_space<vmem>>, vector<16xf32>,
        tpu.vector_store %arg13[%swap3A_389, %swap3A_390], %add3A_384 {strides = array<i32>} : memref<1024x16xf32, #tpu.memory_space<vmem>>, vector<16xf32>,
        %mul3A_392 = arith.constant 32 : i32
        %mul3A_393 = arith.muli %scan3A_56, %mul3A_392 : i32
        %add3A_394 = arith.constant 22 : i32
        %add3A_395 = arith.addi %mul3A_393, %add3A_394 : i32
        %get3A_396 = arith.index_cast %add3A_395 : i32 to index
        %get3A_397 = arith.constant 0 : index
        %get3A_398 = tpu.vector_load %arg13[%get3A_396, %get3A_397] {strides = array<i32>} : memref<1024x16xf32, #tpu.memory_space<vmem>>, vector<16xf32>,
        %add3A_399 = arith.addf %get3A_398, %get3A_62 : vector<16xf32>
        %mul3A_400 = arith.constant 32 : i32
        %mul3A_401 = arith.muli %scan3A_56, %mul3A_400 : i32
        %add3A_402 = arith.constant 22 : i32
        %add3A_403 = arith.addi %mul3A_401, %add3A_402 : i32
        %swap3A_404 = arith.index_cast %add3A_403 : i32 to index
        %swap3A_405 = arith.constant 0 : index
        %swap3A_406 = tpu.vector_load %arg13[%swap3A_404, %swap3A_405] {strides = array<i32>} : memref<1024x16xf32, #tpu.memory_space<vmem>>, vector<16xf32>,
        tpu.vector_store %arg13[%swap3A_404, %swap3A_405], %add3A_399 {strides = array<i32>} : memref<1024x16xf32, #tpu.memory_space<vmem>>, vector<16xf32>,
        %mul3A_407 = arith.constant 32 : i32
        %mul3A_408 = arith.muli %scan3A_56, %mul3A_407 : i32
        %add3A_409 = arith.constant 23 : i32
        %add3A_410 = arith.addi %mul3A_408, %add3A_409 : i32
        %get3A_411 = arith.index_cast %add3A_410 : i32 to index
        %get3A_412 = arith.constant 0 : index
        %get3A_413 = tpu.vector_load %arg13[%get3A_411, %get3A_412] {strides = array<i32>} : memref<1024x16xf32, #tpu.memory_space<vmem>>, vector<16xf32>,
        %add3A_414 = arith.addf %get3A_413, %get3A_62 : vector<16xf32>
        %mul3A_415 = arith.constant 32 : i32
        %mul3A_416 = arith.muli %scan3A_56, %mul3A_415 : i32
        %add3A_417 = arith.constant 23 : i32
        %add3A_418 = arith.addi %mul3A_416, %add3A_417 : i32
        %swap3A_419 = arith.index_cast %add3A_418 : i32 to index
        %swap3A_420 = arith.constant 0 : index
        %swap3A_421 = tpu.vector_load %arg13[%swap3A_419, %swap3A_420] {strides = array<i32>} : memref<1024x16xf32, #tpu.memory_space<vmem>>, vector<16xf32>,
        tpu.vector_store %arg13[%swap3A_419, %swap3A_420], %add3A_414 {strides = array<i32>} : memref<1024x16xf32, #tpu.memory_space<vmem>>, vector<16xf32>,
        %mul3A_422 = arith.constant 32 : i32
        %mul3A_423 = arith.muli %scan3A_56, %mul3A_422 : i32
        %add3A_424 = arith.constant 24 : i32
        %add3A_425 = arith.addi %mul3A_423, %add3A_424 : i32
        %get3A_426 = arith.index_cast %add3A_425 : i32 to index
        %get3A_427 = arith.constant 0 : index
        %get3A_428 = tpu.vector_load %arg13[%get3A_426, %get3A_427] {strides = array<i32>} : memref<1024x16xf32, #tpu.memory_space<vmem>>, vector<16xf32>,
        %add3A_429 = arith.addf %get3A_428, %get3A_62 : vector<16xf32>
        %mul3A_430 = arith.constant 32 : i32
        %mul3A_431 = arith.muli %scan3A_56, %mul3A_430 : i32
        %add3A_432 = arith.constant 24 : i32
        %add3A_433 = arith.addi %mul3A_431, %add3A_432 : i32
        %swap3A_434 = arith.index_cast %add3A_433 : i32 to index
        %swap3A_435 = arith.constant 0 : index
        %swap3A_436 = tpu.vector_load %arg13[%swap3A_434, %swap3A_435] {strides = array<i32>} : memref<1024x16xf32, #tpu.memory_space<vmem>>, vector<16xf32>,
        tpu.vector_store %arg13[%swap3A_434, %swap3A_435], %add3A_429 {strides = array<i32>} : memref<1024x16xf32, #tpu.memory_space<vmem>>, vector<16xf32>,
        %mul3A_437 = arith.constant 32 : i32
        %mul3A_438 = arith.muli %scan3A_56, %mul3A_437 : i32
        %add3A_439 = arith.constant 25 : i32
        %add3A_440 = arith.addi %mul3A_438, %add3A_439 : i32
        %get3A_441 = arith.index_cast %add3A_440 : i32 to index
        %get3A_442 = arith.constant 0 : index
        %get3A_443 = tpu.vector_load %arg13[%get3A_441, %get3A_442] {strides = array<i32>} : memref<1024x16xf32, #tpu.memory_space<vmem>>, vector<16xf32>,
        %add3A_444 = arith.addf %get3A_443, %get3A_62 : vector<16xf32>
        %mul3A_445 = arith.constant 32 : i32
        %mul3A_446 = arith.muli %scan3A_56, %mul3A_445 : i32
        %add3A_447 = arith.constant 25 : i32
        %add3A_448 = arith.addi %mul3A_446, %add3A_447 : i32
        %swap3A_449 = arith.index_cast %add3A_448 : i32 to index
        %swap3A_450 = arith.constant 0 : index
        %swap3A_451 = tpu.vector_load %arg13[%swap3A_449, %swap3A_450] {strides = array<i32>} : memref<1024x16xf32, #tpu.memory_space<vmem>>, vector<16xf32>,
        tpu.vector_store %arg13[%swap3A_449, %swap3A_450], %add3A_444 {strides = array<i32>} : memref<1024x16xf32, #tpu.memory_space<vmem>>, vector<16xf32>,
        %mul3A_452 = arith.constant 32 : i32
        %mul3A_453 = arith.muli %scan3A_56, %mul3A_452 : i32
        %add3A_454 = arith.constant 26 : i32
        %add3A_455 = arith.addi %mul3A_453, %add3A_454 : i32
        %get3A_456 = arith.index_cast %add3A_455 : i32 to index
        %get3A_457 = arith.constant 0 : index
        %get3A_458 = tpu.vector_load %arg13[%get3A_456, %get3A_457] {strides = array<i32>} : memref<1024x16xf32, #tpu.memory_space<vmem>>, vector<16xf32>,
        %add3A_459 = arith.addf %get3A_458, %get3A_62 : vector<16xf32>
        %mul3A_460 = arith.constant 32 : i32
        %mul3A_461 = arith.muli %scan3A_56, %mul3A_460 : i32
        %add3A_462 = arith.constant 26 : i32
        %add3A_463 = arith.addi %mul3A_461, %add3A_462 : i32
        %swap3A_464 = arith.index_cast %add3A_463 : i32 to index
        %swap3A_465 = arith.constant 0 : index
        %swap3A_466 = tpu.vector_load %arg13[%swap3A_464, %swap3A_465] {strides = array<i32>} : memref<1024x16xf32, #tpu.memory_space<vmem>>, vector<16xf32>,
        tpu.vector_store %arg13[%swap3A_464, %swap3A_465], %add3A_459 {strides = array<i32>} : memref<1024x16xf32, #tpu.memory_space<vmem>>, vector<16xf32>,
        %mul3A_467 = arith.constant 32 : i32
        %mul3A_468 = arith.muli %scan3A_56, %mul3A_467 : i32
        %add3A_469 = arith.constant 27 : i32
        %add3A_470 = arith.addi %mul3A_468, %add3A_469 : i32
        %get3A_471 = arith.index_cast %add3A_470 : i32 to index
        %get3A_472 = arith.constant 0 : index
        %get3A_473 = tpu.vector_load %arg13[%get3A_471, %get3A_472] {strides = array<i32>} : memref<1024x16xf32, #tpu.memory_space<vmem>>, vector<16xf32>,
        %add3A_474 = arith.addf %get3A_473, %get3A_62 : vector<16xf32>
        %mul3A_475 = arith.constant 32 : i32
        %mul3A_476 = arith.muli %scan3A_56, %mul3A_475 : i32
        %add3A_477 = arith.constant 27 : i32
        %add3A_478 = arith.addi %mul3A_476, %add3A_477 : i32
        %swap3A_479 = arith.index_cast %add3A_478 : i32 to index
        %swap3A_480 = arith.constant 0 : index
        %swap3A_481 = tpu.vector_load %arg13[%swap3A_479, %swap3A_480] {strides = array<i32>} : memref<1024x16xf32, #tpu.memory_space<vmem>>, vector<16xf32>,
        tpu.vector_store %arg13[%swap3A_479, %swap3A_480], %add3A_474 {strides = array<i32>} : memref<1024x16xf32, #tpu.memory_space<vmem>>, vector<16xf32>,
        %mul3A_482 = arith.constant 32 : i32
        %mul3A_483 = arith.muli %scan3A_56, %mul3A_482 : i32
        %add3A_484 = arith.constant 28 : i32
        %add3A_485 = arith.addi %mul3A_483, %add3A_484 : i32
        %get3A_486 = arith.index_cast %add3A_485 : i32 to index
        %get3A_487 = arith.constant 0 : index
        %get3A_488 = tpu.vector_load %arg13[%get3A_486, %get3A_487] {strides = array<i32>} : memref<1024x16xf32, #tpu.memory_space<vmem>>, vector<16xf32>,
        %add3A_489 = arith.addf %get3A_488, %get3A_62 : vector<16xf32>
        %mul3A_490 = arith.constant 32 : i32
        %mul3A_491 = arith.muli %scan3A_56, %mul3A_490 : i32
        %add3A_492 = arith.constant 28 : i32
        %add3A_493 = arith.addi %mul3A_491, %add3A_492 : i32
        %swap3A_494 = arith.index_cast %add3A_493 : i32 to index
        %swap3A_495 = arith.constant 0 : index
        %swap3A_496 = tpu.vector_load %arg13[%swap3A_494, %swap3A_495] {strides = array<i32>} : memref<1024x16xf32, #tpu.memory_space<vmem>>, vector<16xf32>,
        tpu.vector_store %arg13[%swap3A_494, %swap3A_495], %add3A_489 {strides = array<i32>} : memref<1024x16xf32, #tpu.memory_space<vmem>>, vector<16xf32>,
        %mul3A_497 = arith.constant 32 : i32
        %mul3A_498 = arith.muli %scan3A_56, %mul3A_497 : i32
        %add3A_499 = arith.constant 29 : i32
        %add3A_500 = arith.addi %mul3A_498, %add3A_499 : i32
        %get3A_501 = arith.index_cast %add3A_500 : i32 to index
        %get3A_502 = arith.constant 0 : index
        %get3A_503 = tpu.vector_load %arg13[%get3A_501, %get3A_502] {strides = array<i32>} : memref<1024x16xf32, #tpu.memory_space<vmem>>, vector<16xf32>,
        %add3A_504 = arith.addf %get3A_503, %get3A_62 : vector<16xf32>
        %mul3A_505 = arith.constant 32 : i32
        %mul3A_506 = arith.muli %scan3A_56, %mul3A_505 : i32
        %add3A_507 = arith.constant 29 : i32
        %add3A_508 = arith.addi %mul3A_506, %add3A_507 : i32
        %swap3A_509 = arith.index_cast %add3A_508 : i32 to index
        %swap3A_510 = arith.constant 0 : index
        %swap3A_511 = tpu.vector_load %arg13[%swap3A_509, %swap3A_510] {strides = array<i32>} : memref<1024x16xf32, #tpu.memory_space<vmem>>, vector<16xf32>,
        tpu.vector_store %arg13[%swap3A_509, %swap3A_510], %add3A_504 {strides = array<i32>} : memref<1024x16xf32, #tpu.memory_space<vmem>>, vector<16xf32>,
        %mul3A_512 = arith.constant 32 : i32
        %mul3A_513 = arith.muli %scan3A_56, %mul3A_512 : i32
        %add3A_514 = arith.constant 30 : i32
        %add3A_515 = arith.addi %mul3A_513, %add3A_514 : i32
        %get3A_516 = arith.index_cast %add3A_515 : i32 to index
        %get3A_517 = arith.constant 0 : index
        %get3A_518 = tpu.vector_load %arg13[%get3A_516, %get3A_517] {strides = array<i32>} : memref<1024x16xf32, #tpu.memory_space<vmem>>, vector<16xf32>,
        %add3A_519 = arith.addf %get3A_518, %get3A_62 : vector<16xf32>
        %mul3A_520 = arith.constant 32 : i32
        %mul3A_521 = arith.muli %scan3A_56, %mul3A_520 : i32
        %add3A_522 = arith.constant 30 : i32
        %add3A_523 = arith.addi %mul3A_521, %add3A_522 : i32
        %swap3A_524 = arith.index_cast %add3A_523 : i32 to index
        %swap3A_525 = arith.constant 0 : index
        %swap3A_526 = tpu.vector_load %arg13[%swap3A_524, %swap3A_525] {strides = array<i32>} : memref<1024x16xf32, #tpu.memory_space<vmem>>, vector<16xf32>,
        tpu.vector_store %arg13[%swap3A_524, %swap3A_525], %add3A_519 {strides = array<i32>} : memref<1024x16xf32, #tpu.memory_space<vmem>>, vector<16xf32>,
        %mul3A_527 = arith.constant 32 : i32
        %mul3A_528 = arith.muli %scan3A_56, %mul3A_527 : i32
        %add3A_529 = arith.constant 31 : i32
        %add3A_530 = arith.addi %mul3A_528, %add3A_529 : i32
        %get3A_531 = arith.index_cast %add3A_530 : i32 to index
        %get3A_532 = arith.constant 0 : index
        %get3A_533 = tpu.vector_load %arg13[%get3A_531, %get3A_532] {strides = array<i32>} : memref<1024x16xf32, #tpu.memory_space<vmem>>, vector<16xf32>,
        %add3A_534 = arith.addf %get3A_533, %get3A_62 : vector<16xf32>
        %mul3A_535 = arith.constant 32 : i32
        %mul3A_536 = arith.muli %scan3A_56, %mul3A_535 : i32
        %add3A_537 = arith.constant 31 : i32
        %add3A_538 = arith.addi %mul3A_536, %add3A_537 : i32
        %swap3A_539 = arith.index_cast %add3A_538 : i32 to index
        %swap3A_540 = arith.constant 0 : index
        %swap3A_541 = tpu.vector_load %arg13[%swap3A_539, %swap3A_540] {strides = array<i32>} : memref<1024x16xf32, #tpu.memory_space<vmem>>, vector<16xf32>,
        tpu.vector_store %arg13[%swap3A_539, %swap3A_540], %add3A_534 {strides = array<i32>} : memref<1024x16xf32, #tpu.memory_space<vmem>>, vector<16xf32>,
        %scan3A_542 = arith.constant 0 : i32
        scf.yield %scan3A_542 : i32
      }
      %scan3A_48 = arith.constant 32 : i32
      %mul3A_49 = arith.constant 8192 : i32
      %mul3A_50 = arith.muli %add3A, %mul3A_49 : i32
      %mul3A_51 = arith.constant 1024 : i32
      %mul3A_52 = arith.muli %scan3A_30, %mul3A_51 : i32
      %add3A_53 = arith.addi %mul3A_50, %mul3A_52 : i32
      %multiple_of3A_54 = tpu.assume_multiple %add3A_53, 1024 : i32
      "tpu.region"() ({
        %run_scoped3A = tpu.sem_alloc : memref<!tpu.dma_semaphore, #tpu.memory_space<semaphore_mem>>
        %dma_start3A_56 = arith.constant 0 : i32
        %dma_start3A_57 = tpu.memref_slice %arg6[%multiple_of3A_54, %dma_start3A_56] : memref<262144x16xf32, #tpu.memory_space<hbm>> -> memref<1024x16xf32, #tpu.memory_space<hbm>>
        %dma_start3A_58 = arith.constant 0 : i32
        %dma_start3A_59 = tpu.memref_slice %arg6[%multiple_of3A_54, %dma_start3A_58] : memref<262144x16xf32, #tpu.memory_space<hbm>> -> memref<1024x16xf32, #tpu.memory_space<hbm>>
        tpu.enqueue_dma source(%arg13 : memref<1024x16xf32, #tpu.memory_space<vmem>>) target(%dma_start3A_59 : memref<1024x16xf32, #tpu.memory_space<hbm>>) target_semaphore(%run_scoped3A : memref<!tpu.dma_semaphore, #tpu.memory_space<semaphore_mem>>)
        %dma_wait3A_60 = arith.constant 0 : i32
        %dma_wait3A_61 = tpu.memref_slice %arg6[%multiple_of3A_54, %dma_wait3A_60] : memref<262144x16xf32, #tpu.memory_space<hbm>> -> memref<1024x16xf32, #tpu.memory_space<hbm>>
        %dma_wait3A_62 = arith.constant 0 : i32
        %dma_wait3A_63 = tpu.memref_slice %arg6[%multiple_of3A_54, %dma_wait3A_62] : memref<262144x16xf32, #tpu.memory_space<hbm>> -> memref<1024x16xf32, #tpu.memory_space<hbm>>
        tpu.wait_dma2 semaphore(%run_scoped3A : memref<!tpu.dma_semaphore, #tpu.memory_space<semaphore_mem>>) src(%arg13 : memref<1024x16xf32, #tpu.memory_space<vmem>>) dst(%dma_wait3A_63 : memref<1024x16xf32, #tpu.memory_space<hbm>>)
        tpu.yield
      }) : () -> ()
      %scan3A_55 = arith.constant 0 : i32
      scf.yield %scan3A_55 : i32
    }
    %scan3A_29 = arith.constant 8 : i32
    return
  }
}

module attributes {stable_mosaic.version = 14 : i64} {
  func.func @_fps_body(%arg0: memref<8x8192xf32, #tpu.memory_space<vmem>>, %arg1: memref<8x8192xf32, #tpu.memory_space<vmem>>, %arg2: memref<8x8192xf32, #tpu.memory_space<vmem>>, %arg3: memref<8x1024xi32, #tpu.memory_space<vmem>>, %arg4: memref<8x1024xf32, #tpu.memory_space<vmem>>, %arg5: memref<8x1024xf32, #tpu.memory_space<vmem>>, %arg6: memref<8x1024xf32, #tpu.memory_space<vmem>>) attributes {dimension_semantics = [], scalar_prefetch = 0 : i64, scratch_operands = 0 : i64, tpu.core_type = #tpu.core_type<tc>} {
    %get3A = arith.constant 0 : index
    %get3A_0 = arith.constant 0 : index
    %get3A_1 = vector.load %arg0[%get3A, %get3A_0] : memref<8x8192xf32, #tpu.memory_space<vmem>>, vector<8x8192xf32>
    %get3A_2 = arith.constant 0 : index
    %get3A_3 = arith.constant 0 : index
    %get3A_4 = vector.load %arg1[%get3A_2, %get3A_3] : memref<8x8192xf32, #tpu.memory_space<vmem>>, vector<8x8192xf32>
    %get3A_5 = arith.constant 0 : index
    %get3A_6 = arith.constant 0 : index
    %get3A_7 = vector.load %arg2[%get3A_5, %get3A_6] : memref<8x8192xf32, #tpu.memory_space<vmem>>, vector<8x8192xf32>
    %iota3A = tpu.iota {dimensions = array<i32: 1>} : vector<8x8192xi32>
    %iota3A_8 = tpu.iota {dimensions = array<i32: 1>} : vector<8x1024xi32>
    %slice3A = vector.extract_strided_slice %get3A_1 {offsets = [0, 0], sizes = [8, 1], strides = [1, 1]} : vector<8x8192xf32> to vector<8x1xf32>
    %slice3A_9 = vector.extract_strided_slice %get3A_4 {offsets = [0, 0], sizes = [8, 1], strides = [1, 1]} : vector<8x8192xf32> to vector<8x1xf32>
    %slice3A_10 = vector.extract_strided_slice %get3A_7 {offsets = [0, 0], sizes = [8, 1], strides = [1, 1]} : vector<8x8192xf32> to vector<8x1xf32>
    %broadcast_in_dim3A = arith.constant 0x7F800000 : f32
    %broadcast_in_dim3A_11 = vector.broadcast %broadcast_in_dim3A : f32 to vector<8x8192xf32>
    %broadcast_in_dim3A_12 = arith.constant 0.000000e+00 : f32
    %broadcast_in_dim3A_13 = vector.broadcast %broadcast_in_dim3A_12 : f32 to vector<8x1024xf32>
    %eq3A = arith.constant 0 : i32
    %eq3A_14 = vector.broadcast %eq3A : i32 to vector<8x1024xi32>
    %eq3A_15 = arith.cmpi eq, %iota3A_8, %eq3A_14 : vector<8x1024xi32>
    %broadcast_in_dim3A_16 = arith.constant 0 : i32
    %broadcast_in_dim3A_17 = vector.broadcast %broadcast_in_dim3A_16 : i32 to vector<8x1024xi32>
    %broadcast_in_dim3A_18 = vector.shape_cast %slice3A : vector<8x1xf32> to vector<8x1xf32>
    %broadcast_in_dim3A_19 = vector.broadcast %broadcast_in_dim3A_18 : vector<8x1xf32> to vector<8x1024xf32>
    %select_n3A = arith.select %eq3A_15, %broadcast_in_dim3A_19, %broadcast_in_dim3A_13 : vector<8x1024xi1>, vector<8x1024xf32>
    %broadcast_in_dim3A_20 = vector.shape_cast %slice3A_9 : vector<8x1xf32> to vector<8x1xf32>
    %broadcast_in_dim3A_21 = vector.broadcast %broadcast_in_dim3A_20 : vector<8x1xf32> to vector<8x1024xf32>
    %select_n3A_22 = arith.select %eq3A_15, %broadcast_in_dim3A_21, %broadcast_in_dim3A_13 : vector<8x1024xi1>, vector<8x1024xf32>
    %broadcast_in_dim3A_23 = vector.shape_cast %slice3A_10 : vector<8x1xf32> to vector<8x1xf32>
    %broadcast_in_dim3A_24 = vector.broadcast %broadcast_in_dim3A_23 : vector<8x1xf32> to vector<8x1024xf32>
    %select_n3A_25 = arith.select %eq3A_15, %broadcast_in_dim3A_24, %broadcast_in_dim3A_13 : vector<8x1024xi1>, vector<8x1024xf32>
    %scan3A = arith.constant 1 : i32
    %scan3A_26 = arith.constant 1023 : i32
    %scan3A_27 = arith.addi %scan3A, %scan3A_26 : i32
    %scan3A_28 = arith.constant 1 : i32
    %scan3A_29:8 = scf.for %scan3A_42 = %scan3A to %scan3A_27 step %scan3A_28 iter_args(%scan3A_43 = %broadcast_in_dim3A_11, %scan3A_44 = %slice3A, %scan3A_45 = %slice3A_9, %scan3A_46 = %slice3A_10, %scan3A_47 = %broadcast_in_dim3A_17, %scan3A_48 = %select_n3A, %scan3A_49 = %select_n3A_22, %scan3A_50 = %select_n3A_25) -> (vector<8x8192xf32>, vector<8x1xf32>, vector<8x1xf32>, vector<8x1xf32>, vector<8x1024xi32>, vector<8x1024xf32>, vector<8x1024xf32>, vector<8x1024xf32>)  : i32 {
      %sub3A = vector.broadcast %scan3A_44 : vector<8x1xf32> to vector<8x8192xf32>
      %sub3A_51 = arith.subf %get3A_1, %sub3A : vector<8x8192xf32>
      %sub3A_52 = vector.broadcast %scan3A_45 : vector<8x1xf32> to vector<8x8192xf32>
      %sub3A_53 = arith.subf %get3A_4, %sub3A_52 : vector<8x8192xf32>
      %sub3A_54 = vector.broadcast %scan3A_46 : vector<8x1xf32> to vector<8x8192xf32>
      %sub3A_55 = arith.subf %get3A_7, %sub3A_54 : vector<8x8192xf32>
      %mul3A = arith.mulf %sub3A_51, %sub3A_51 : vector<8x8192xf32>
      %mul3A_56 = arith.mulf %sub3A_53, %sub3A_53 : vector<8x8192xf32>
      %add3A = arith.addf %mul3A, %mul3A_56 : vector<8x8192xf32>
      %mul3A_57 = arith.mulf %sub3A_55, %sub3A_55 : vector<8x8192xf32>
      %add3A_58 = arith.addf %add3A, %mul3A_57 : vector<8x8192xf32>
      %min3A = arith.minimumf %scan3A_43, %add3A_58 : vector<8x8192xf32>
      %reduce_max3A = arith.constant dense<0xFF800000> : vector<8xf32>
      %reduce_max3A_59 = vector.multi_reduction <maximumf>, %min3A, %reduce_max3A [1] : vector<8x8192xf32> to vector<8xf32>
      %broadcast_in_dim3A_60 = vector.shape_cast %reduce_max3A_59 : vector<8xf32> to vector<8x1xf32>
      %eq3A_61 = vector.broadcast %broadcast_in_dim3A_60 : vector<8x1xf32> to vector<8x8192xf32>
      %eq3A_62 = arith.cmpf oeq, %min3A, %eq3A_61 : vector<8x8192xf32>
      %jit3A = arith.constant 8192 : i32
      %broadcast_in_dim3A_63 = vector.broadcast %jit3A : i32 to vector<8x8192xi32>
      %select_n3A_64 = arith.select %eq3A_62, %iota3A, %broadcast_in_dim3A_63 : vector<8x8192xi1>, vector<8x8192xi32>
      %reduce_min3A = arith.constant dense<2147483647> : vector<8xi32>
      %reduce_min3A_65 = vector.multi_reduction <minsi>, %select_n3A_64, %reduce_min3A [1] : vector<8x8192xi32> to vector<8xi32>
      %broadcast_in_dim3A_66 = vector.shape_cast %reduce_min3A_65 : vector<8xi32> to vector<8x1xi32>
      %eq3A_67 = vector.broadcast %broadcast_in_dim3A_66 : vector<8x1xi32> to vector<8x8192xi32>
      %eq3A_68 = arith.cmpi eq, %iota3A, %eq3A_67 : vector<8x8192xi32>
      %jit3A_69 = arith.constant 0.000000e+00 : f32
      %broadcast_in_dim3A_70 = vector.broadcast %jit3A_69 : f32 to vector<8x8192xf32>
      %select_n3A_71 = arith.select %eq3A_68, %get3A_1, %broadcast_in_dim3A_70 : vector<8x8192xi1>, vector<8x8192xf32>
      %reduce_sum3A = arith.constant dense<0.000000e+00> : vector<8xf32>
      %reduce_sum3A_72 = vector.multi_reduction <add>, %select_n3A_71, %reduce_sum3A [1] : vector<8x8192xf32> to vector<8xf32>
      %broadcast_in_dim3A_73 = vector.shape_cast %reduce_sum3A_72 : vector<8xf32> to vector<8x1xf32>
      %jit3A_74 = arith.constant 0.000000e+00 : f32
      %broadcast_in_dim3A_75 = vector.broadcast %jit3A_74 : f32 to vector<8x8192xf32>
      %select_n3A_76 = arith.select %eq3A_68, %get3A_4, %broadcast_in_dim3A_75 : vector<8x8192xi1>, vector<8x8192xf32>
      %reduce_sum3A_77 = arith.constant dense<0.000000e+00> : vector<8xf32>
      %reduce_sum3A_78 = vector.multi_reduction <add>, %select_n3A_76, %reduce_sum3A_77 [1] : vector<8x8192xf32> to vector<8xf32>
      %broadcast_in_dim3A_79 = vector.shape_cast %reduce_sum3A_78 : vector<8xf32> to vector<8x1xf32>
      %jit3A_80 = arith.constant 0.000000e+00 : f32
      %broadcast_in_dim3A_81 = vector.broadcast %jit3A_80 : f32 to vector<8x8192xf32>
      %select_n3A_82 = arith.select %eq3A_68, %get3A_7, %broadcast_in_dim3A_81 : vector<8x8192xi1>, vector<8x8192xf32>
      %reduce_sum3A_83 = arith.constant dense<0.000000e+00> : vector<8xf32>
      %reduce_sum3A_84 = vector.multi_reduction <add>, %select_n3A_82, %reduce_sum3A_83 [1] : vector<8x8192xf32> to vector<8xf32>
      %broadcast_in_dim3A_85 = vector.shape_cast %reduce_sum3A_84 : vector<8xf32> to vector<8x1xf32>
      %eq3A_86 = vector.broadcast %scan3A_42 : i32 to vector<8x1024xi32>
      %eq3A_87 = arith.cmpi eq, %iota3A_8, %eq3A_86 : vector<8x1024xi32>
      %broadcast_in_dim3A_88 = vector.shape_cast %broadcast_in_dim3A_66 : vector<8x1xi32> to vector<8x1xi32>
      %broadcast_in_dim3A_89 = vector.broadcast %broadcast_in_dim3A_88 : vector<8x1xi32> to vector<8x1024xi32>
      %select_n3A_90 = arith.select %eq3A_87, %broadcast_in_dim3A_89, %scan3A_47 : vector<8x1024xi1>, vector<8x1024xi32>
      %broadcast_in_dim3A_91 = vector.shape_cast %broadcast_in_dim3A_73 : vector<8x1xf32> to vector<8x1xf32>
      %broadcast_in_dim3A_92 = vector.broadcast %broadcast_in_dim3A_91 : vector<8x1xf32> to vector<8x1024xf32>
      %select_n3A_93 = arith.select %eq3A_87, %broadcast_in_dim3A_92, %scan3A_48 : vector<8x1024xi1>, vector<8x1024xf32>
      %broadcast_in_dim3A_94 = vector.shape_cast %broadcast_in_dim3A_79 : vector<8x1xf32> to vector<8x1xf32>
      %broadcast_in_dim3A_95 = vector.broadcast %broadcast_in_dim3A_94 : vector<8x1xf32> to vector<8x1024xf32>
      %select_n3A_96 = arith.select %eq3A_87, %broadcast_in_dim3A_95, %scan3A_49 : vector<8x1024xi1>, vector<8x1024xf32>
      %broadcast_in_dim3A_97 = vector.shape_cast %broadcast_in_dim3A_85 : vector<8x1xf32> to vector<8x1xf32>
      %broadcast_in_dim3A_98 = vector.broadcast %broadcast_in_dim3A_97 : vector<8x1xf32> to vector<8x1024xf32>
      %select_n3A_99 = arith.select %eq3A_87, %broadcast_in_dim3A_98, %scan3A_50 : vector<8x1024xi1>, vector<8x1024xf32>
      scf.yield %min3A, %broadcast_in_dim3A_73, %broadcast_in_dim3A_79, %broadcast_in_dim3A_85, %select_n3A_90, %select_n3A_93, %select_n3A_96, %select_n3A_99 : vector<8x8192xf32>, vector<8x1xf32>, vector<8x1xf32>, vector<8x1xf32>, vector<8x1024xi32>, vector<8x1024xf32>, vector<8x1024xf32>, vector<8x1024xf32>
    }
    %scan3A_30 = arith.constant 1023 : i32
    %swap3A = arith.constant 0 : index
    %swap3A_31 = arith.constant 0 : index
    %swap3A_32 = vector.load %arg3[%swap3A, %swap3A_31] : memref<8x1024xi32, #tpu.memory_space<vmem>>, vector<8x1024xi32>
    tpu.vector_store %arg3[%swap3A, %swap3A_31], %scan3A_29#4 {strides = array<i32>} : memref<8x1024xi32, #tpu.memory_space<vmem>>, vector<8x1024xi32>,
    %swap3A_33 = arith.constant 0 : index
    %swap3A_34 = arith.constant 0 : index
    %swap3A_35 = vector.load %arg4[%swap3A_33, %swap3A_34] : memref<8x1024xf32, #tpu.memory_space<vmem>>, vector<8x1024xf32>
    tpu.vector_store %arg4[%swap3A_33, %swap3A_34], %scan3A_29#5 {strides = array<i32>} : memref<8x1024xf32, #tpu.memory_space<vmem>>, vector<8x1024xf32>,
    %swap3A_36 = arith.constant 0 : index
    %swap3A_37 = arith.constant 0 : index
    %swap3A_38 = vector.load %arg5[%swap3A_36, %swap3A_37] : memref<8x1024xf32, #tpu.memory_space<vmem>>, vector<8x1024xf32>
    tpu.vector_store %arg5[%swap3A_36, %swap3A_37], %scan3A_29#6 {strides = array<i32>} : memref<8x1024xf32, #tpu.memory_space<vmem>>, vector<8x1024xf32>,
    %swap3A_39 = arith.constant 0 : index
    %swap3A_40 = arith.constant 0 : index
    %swap3A_41 = vector.load %arg6[%swap3A_39, %swap3A_40] : memref<8x1024xf32, #tpu.memory_space<vmem>>, vector<8x1024xf32>
    tpu.vector_store %arg6[%swap3A_39, %swap3A_40], %scan3A_29#7 {strides = array<i32>} : memref<8x1024xf32, #tpu.memory_space<vmem>>, vector<8x1024xf32>,
    return
  }
}

module attributes {stable_mosaic.version = 14 : i64} {
  func.func @_knn_body(%arg0: i32, %arg1: i32, %arg2: memref<1x1x8192xf32, #tpu.memory_space<vmem>>, %arg3: memref<1x1x8192xf32, #tpu.memory_space<vmem>>, %arg4: memref<1x1x8192xf32, #tpu.memory_space<vmem>>, %arg5: memref<1x128x1xf32, #tpu.memory_space<vmem>>, %arg6: memref<1x128x1xf32, #tpu.memory_space<vmem>>, %arg7: memref<1x128x1xf32, #tpu.memory_space<vmem>>, %arg8: memref<128x8192xf32, #tpu.memory_space<vmem>>, %arg9: memref<1x128x1xf32, #tpu.memory_space<vmem>>) attributes {dimension_semantics = [#tpu.dimension_semantics<arbitrary>, #tpu.dimension_semantics<arbitrary>], iteration_bounds = array<i64: 8, 8>, scalar_prefetch = 0 : i64, scratch_operands = 0 : i64, tpu.core_type = #tpu.core_type<tc>, window_params = [{transform_indices = @transform_0, window_bounds = array<i64: 1, 1, 8192>}, {transform_indices = @transform_1, window_bounds = array<i64: 1, 1, 8192>}, {transform_indices = @transform_2, window_bounds = array<i64: 1, 1, 8192>}, {transform_indices = @transform_3, window_bounds = array<i64: 1, 128, 1>}, {transform_indices = @transform_4, window_bounds = array<i64: 1, 128, 1>}, {transform_indices = @transform_5, window_bounds = array<i64: 1, 128, 1>}, {transform_indices = @transform_6, window_bounds = array<i64: 128, 8192>}, {transform_indices = @transform_7, window_bounds = array<i64: 1, 128, 1>}]} {
    %get3A = arith.constant 0 : index
    %get3A_0 = arith.constant 0 : index
    %get3A_1 = arith.constant 0 : index
    %get3A_2 = vector.load %arg2[%get3A, %get3A_0, %get3A_1] : memref<1x1x8192xf32, #tpu.memory_space<vmem>>, vector<1x1x8192xf32>
    %get3A_3 = vector.shape_cast %get3A_2 : vector<1x1x8192xf32> to vector<1x8192xf32>
    %get3A_4 = arith.constant 0 : index
    %get3A_5 = arith.constant 0 : index
    %get3A_6 = arith.constant 0 : index
    %get3A_7 = vector.load %arg3[%get3A_4, %get3A_5, %get3A_6] : memref<1x1x8192xf32, #tpu.memory_space<vmem>>, vector<1x1x8192xf32>
    %get3A_8 = vector.shape_cast %get3A_7 : vector<1x1x8192xf32> to vector<1x8192xf32>
    %get3A_9 = arith.constant 0 : index
    %get3A_10 = arith.constant 0 : index
    %get3A_11 = arith.constant 0 : index
    %get3A_12 = vector.load %arg4[%get3A_9, %get3A_10, %get3A_11] : memref<1x1x8192xf32, #tpu.memory_space<vmem>>, vector<1x1x8192xf32>
    %get3A_13 = vector.shape_cast %get3A_12 : vector<1x1x8192xf32> to vector<1x8192xf32>
    %get3A_14 = arith.constant 0 : index
    %get3A_15 = arith.constant 0 : index
    %get3A_16 = arith.constant 0 : index
    %get3A_17 = vector.load %arg5[%get3A_14, %get3A_15, %get3A_16] : memref<1x128x1xf32, #tpu.memory_space<vmem>>, vector<1x128x1xf32>
    %get3A_18 = vector.shape_cast %get3A_17 : vector<1x128x1xf32> to vector<128x1xf32>
    %get3A_19 = arith.constant 0 : index
    %get3A_20 = arith.constant 0 : index
    %get3A_21 = arith.constant 0 : index
    %get3A_22 = vector.load %arg6[%get3A_19, %get3A_20, %get3A_21] : memref<1x128x1xf32, #tpu.memory_space<vmem>>, vector<1x128x1xf32>
    %get3A_23 = vector.shape_cast %get3A_22 : vector<1x128x1xf32> to vector<128x1xf32>
    %get3A_24 = arith.constant 0 : index
    %get3A_25 = arith.constant 0 : index
    %get3A_26 = arith.constant 0 : index
    %get3A_27 = vector.load %arg7[%get3A_24, %get3A_25, %get3A_26] : memref<1x128x1xf32, #tpu.memory_space<vmem>>, vector<1x128x1xf32>
    %get3A_28 = vector.shape_cast %get3A_27 : vector<1x128x1xf32> to vector<128x1xf32>
    %mul3A = arith.mulf %get3A_3, %get3A_3 : vector<1x8192xf32>
    %mul3A_29 = arith.mulf %get3A_8, %get3A_8 : vector<1x8192xf32>
    %add3A = arith.addf %mul3A, %mul3A_29 : vector<1x8192xf32>
    %mul3A_30 = arith.mulf %get3A_13, %get3A_13 : vector<1x8192xf32>
    %add3A_31 = arith.addf %add3A, %mul3A_30 : vector<1x8192xf32>
    %mul3A_32 = arith.mulf %get3A_18, %get3A_18 : vector<128x1xf32>
    %mul3A_33 = arith.mulf %get3A_23, %get3A_23 : vector<128x1xf32>
    %add3A_34 = arith.addf %mul3A_32, %mul3A_33 : vector<128x1xf32>
    %mul3A_35 = arith.mulf %get3A_28, %get3A_28 : vector<128x1xf32>
    %add3A_36 = arith.addf %add3A_34, %mul3A_35 : vector<128x1xf32>
    %convert_element_type3A = arith.truncf %get3A_3 : vector<1x8192xf32> to vector<1x8192xbf16>
    %convert_element_type3A_37 = arith.extf %convert_element_type3A : vector<1x8192xbf16> to vector<1x8192xf32>
    %convert_element_type3A_38 = arith.truncf %get3A_8 : vector<1x8192xf32> to vector<1x8192xbf16>
    %convert_element_type3A_39 = arith.extf %convert_element_type3A_38 : vector<1x8192xbf16> to vector<1x8192xf32>
    %convert_element_type3A_40 = arith.truncf %get3A_13 : vector<1x8192xf32> to vector<1x8192xbf16>
    %convert_element_type3A_41 = arith.extf %convert_element_type3A_40 : vector<1x8192xbf16> to vector<1x8192xf32>
    %convert_element_type3A_42 = arith.truncf %get3A_18 : vector<128x1xf32> to vector<128x1xbf16>
    %convert_element_type3A_43 = arith.extf %convert_element_type3A_42 : vector<128x1xbf16> to vector<128x1xf32>
    %convert_element_type3A_44 = arith.truncf %get3A_23 : vector<128x1xf32> to vector<128x1xbf16>
    %convert_element_type3A_45 = arith.extf %convert_element_type3A_44 : vector<128x1xbf16> to vector<128x1xf32>
    %convert_element_type3A_46 = arith.truncf %get3A_28 : vector<128x1xf32> to vector<128x1xbf16>
    %convert_element_type3A_47 = arith.extf %convert_element_type3A_46 : vector<128x1xbf16> to vector<128x1xf32>
    %mul3A_48 = vector.broadcast %convert_element_type3A_43 : vector<128x1xf32> to vector<128x8192xf32>
    %mul3A_49 = vector.broadcast %convert_element_type3A_37 : vector<1x8192xf32> to vector<128x8192xf32>
    %mul3A_50 = arith.mulf %mul3A_48, %mul3A_49 : vector<128x8192xf32>
    %mul3A_51 = vector.broadcast %convert_element_type3A_45 : vector<128x1xf32> to vector<128x8192xf32>
    %mul3A_52 = vector.broadcast %convert_element_type3A_39 : vector<1x8192xf32> to vector<128x8192xf32>
    %mul3A_53 = arith.mulf %mul3A_51, %mul3A_52 : vector<128x8192xf32>
    %add3A_54 = arith.addf %mul3A_50, %mul3A_53 : vector<128x8192xf32>
    %mul3A_55 = vector.broadcast %convert_element_type3A_47 : vector<128x1xf32> to vector<128x8192xf32>
    %mul3A_56 = vector.broadcast %convert_element_type3A_41 : vector<1x8192xf32> to vector<128x8192xf32>
    %mul3A_57 = arith.mulf %mul3A_55, %mul3A_56 : vector<128x8192xf32>
    %add3A_58 = arith.addf %add3A_54, %mul3A_57 : vector<128x8192xf32>
    %add3A_59 = vector.broadcast %add3A_36 : vector<128x1xf32> to vector<128x8192xf32>
    %add3A_60 = vector.broadcast %add3A_31 : vector<1x8192xf32> to vector<128x8192xf32>
    %add3A_61 = arith.addf %add3A_59, %add3A_60 : vector<128x8192xf32>
    %mul3A_62 = arith.constant 2.000000e+00 : f32
    %mul3A_63 = vector.broadcast %mul3A_62 : f32 to vector<128x8192xf32>
    %mul3A_64 = arith.mulf %mul3A_63, %add3A_58 : vector<128x8192xf32>
    %sub3A = arith.subf %add3A_61, %mul3A_64 : vector<128x8192xf32>
    %slice3A = vector.extract_strided_slice %sub3A {offsets = [0, 0], sizes = [128, 128], strides = [1, 1]} : vector<128x8192xf32> to vector<128x128xf32>
    %slice3A_65 = vector.extract_strided_slice %sub3A {offsets = [0, 128], sizes = [128, 128], strides = [1, 1]} : vector<128x8192xf32> to vector<128x128xf32>
    %min3A = arith.minimumf %slice3A, %slice3A_65 : vector<128x128xf32>
    %slice3A_66 = vector.extract_strided_slice %sub3A {offsets = [0, 256], sizes = [128, 128], strides = [1, 1]} : vector<128x8192xf32> to vector<128x128xf32>
    %min3A_67 = arith.minimumf %min3A, %slice3A_66 : vector<128x128xf32>
    %slice3A_68 = vector.extract_strided_slice %sub3A {offsets = [0, 384], sizes = [128, 128], strides = [1, 1]} : vector<128x8192xf32> to vector<128x128xf32>
    %min3A_69 = arith.minimumf %min3A_67, %slice3A_68 : vector<128x128xf32>
    %slice3A_70 = vector.extract_strided_slice %sub3A {offsets = [0, 512], sizes = [128, 128], strides = [1, 1]} : vector<128x8192xf32> to vector<128x128xf32>
    %min3A_71 = arith.minimumf %min3A_69, %slice3A_70 : vector<128x128xf32>
    %slice3A_72 = vector.extract_strided_slice %sub3A {offsets = [0, 640], sizes = [128, 128], strides = [1, 1]} : vector<128x8192xf32> to vector<128x128xf32>
    %min3A_73 = arith.minimumf %min3A_71, %slice3A_72 : vector<128x128xf32>
    %slice3A_74 = vector.extract_strided_slice %sub3A {offsets = [0, 768], sizes = [128, 128], strides = [1, 1]} : vector<128x8192xf32> to vector<128x128xf32>
    %min3A_75 = arith.minimumf %min3A_73, %slice3A_74 : vector<128x128xf32>
    %slice3A_76 = vector.extract_strided_slice %sub3A {offsets = [0, 896], sizes = [128, 128], strides = [1, 1]} : vector<128x8192xf32> to vector<128x128xf32>
    %min3A_77 = arith.minimumf %min3A_75, %slice3A_76 : vector<128x128xf32>
    %slice3A_78 = vector.extract_strided_slice %sub3A {offsets = [0, 1024], sizes = [128, 128], strides = [1, 1]} : vector<128x8192xf32> to vector<128x128xf32>
    %min3A_79 = arith.minimumf %min3A_77, %slice3A_78 : vector<128x128xf32>
    %slice3A_80 = vector.extract_strided_slice %sub3A {offsets = [0, 1152], sizes = [128, 128], strides = [1, 1]} : vector<128x8192xf32> to vector<128x128xf32>
    %min3A_81 = arith.minimumf %min3A_79, %slice3A_80 : vector<128x128xf32>
    %slice3A_82 = vector.extract_strided_slice %sub3A {offsets = [0, 1280], sizes = [128, 128], strides = [1, 1]} : vector<128x8192xf32> to vector<128x128xf32>
    %min3A_83 = arith.minimumf %min3A_81, %slice3A_82 : vector<128x128xf32>
    %slice3A_84 = vector.extract_strided_slice %sub3A {offsets = [0, 1408], sizes = [128, 128], strides = [1, 1]} : vector<128x8192xf32> to vector<128x128xf32>
    %min3A_85 = arith.minimumf %min3A_83, %slice3A_84 : vector<128x128xf32>
    %slice3A_86 = vector.extract_strided_slice %sub3A {offsets = [0, 1536], sizes = [128, 128], strides = [1, 1]} : vector<128x8192xf32> to vector<128x128xf32>
    %min3A_87 = arith.minimumf %min3A_85, %slice3A_86 : vector<128x128xf32>
    %slice3A_88 = vector.extract_strided_slice %sub3A {offsets = [0, 1664], sizes = [128, 128], strides = [1, 1]} : vector<128x8192xf32> to vector<128x128xf32>
    %min3A_89 = arith.minimumf %min3A_87, %slice3A_88 : vector<128x128xf32>
    %slice3A_90 = vector.extract_strided_slice %sub3A {offsets = [0, 1792], sizes = [128, 128], strides = [1, 1]} : vector<128x8192xf32> to vector<128x128xf32>
    %min3A_91 = arith.minimumf %min3A_89, %slice3A_90 : vector<128x128xf32>
    %slice3A_92 = vector.extract_strided_slice %sub3A {offsets = [0, 1920], sizes = [128, 128], strides = [1, 1]} : vector<128x8192xf32> to vector<128x128xf32>
    %min3A_93 = arith.minimumf %min3A_91, %slice3A_92 : vector<128x128xf32>
    %slice3A_94 = vector.extract_strided_slice %sub3A {offsets = [0, 2048], sizes = [128, 128], strides = [1, 1]} : vector<128x8192xf32> to vector<128x128xf32>
    %min3A_95 = arith.minimumf %min3A_93, %slice3A_94 : vector<128x128xf32>
    %slice3A_96 = vector.extract_strided_slice %sub3A {offsets = [0, 2176], sizes = [128, 128], strides = [1, 1]} : vector<128x8192xf32> to vector<128x128xf32>
    %min3A_97 = arith.minimumf %min3A_95, %slice3A_96 : vector<128x128xf32>
    %slice3A_98 = vector.extract_strided_slice %sub3A {offsets = [0, 2304], sizes = [128, 128], strides = [1, 1]} : vector<128x8192xf32> to vector<128x128xf32>
    %min3A_99 = arith.minimumf %min3A_97, %slice3A_98 : vector<128x128xf32>
    %slice3A_100 = vector.extract_strided_slice %sub3A {offsets = [0, 2432], sizes = [128, 128], strides = [1, 1]} : vector<128x8192xf32> to vector<128x128xf32>
    %min3A_101 = arith.minimumf %min3A_99, %slice3A_100 : vector<128x128xf32>
    %slice3A_102 = vector.extract_strided_slice %sub3A {offsets = [0, 2560], sizes = [128, 128], strides = [1, 1]} : vector<128x8192xf32> to vector<128x128xf32>
    %min3A_103 = arith.minimumf %min3A_101, %slice3A_102 : vector<128x128xf32>
    %slice3A_104 = vector.extract_strided_slice %sub3A {offsets = [0, 2688], sizes = [128, 128], strides = [1, 1]} : vector<128x8192xf32> to vector<128x128xf32>
    %min3A_105 = arith.minimumf %min3A_103, %slice3A_104 : vector<128x128xf32>
    %slice3A_106 = vector.extract_strided_slice %sub3A {offsets = [0, 2816], sizes = [128, 128], strides = [1, 1]} : vector<128x8192xf32> to vector<128x128xf32>
    %min3A_107 = arith.minimumf %min3A_105, %slice3A_106 : vector<128x128xf32>
    %slice3A_108 = vector.extract_strided_slice %sub3A {offsets = [0, 2944], sizes = [128, 128], strides = [1, 1]} : vector<128x8192xf32> to vector<128x128xf32>
    %min3A_109 = arith.minimumf %min3A_107, %slice3A_108 : vector<128x128xf32>
    %slice3A_110 = vector.extract_strided_slice %sub3A {offsets = [0, 3072], sizes = [128, 128], strides = [1, 1]} : vector<128x8192xf32> to vector<128x128xf32>
    %min3A_111 = arith.minimumf %min3A_109, %slice3A_110 : vector<128x128xf32>
    %slice3A_112 = vector.extract_strided_slice %sub3A {offsets = [0, 3200], sizes = [128, 128], strides = [1, 1]} : vector<128x8192xf32> to vector<128x128xf32>
    %min3A_113 = arith.minimumf %min3A_111, %slice3A_112 : vector<128x128xf32>
    %slice3A_114 = vector.extract_strided_slice %sub3A {offsets = [0, 3328], sizes = [128, 128], strides = [1, 1]} : vector<128x8192xf32> to vector<128x128xf32>
    %min3A_115 = arith.minimumf %min3A_113, %slice3A_114 : vector<128x128xf32>
    %slice3A_116 = vector.extract_strided_slice %sub3A {offsets = [0, 3456], sizes = [128, 128], strides = [1, 1]} : vector<128x8192xf32> to vector<128x128xf32>
    %min3A_117 = arith.minimumf %min3A_115, %slice3A_116 : vector<128x128xf32>
    %slice3A_118 = vector.extract_strided_slice %sub3A {offsets = [0, 3584], sizes = [128, 128], strides = [1, 1]} : vector<128x8192xf32> to vector<128x128xf32>
    %min3A_119 = arith.minimumf %min3A_117, %slice3A_118 : vector<128x128xf32>
    %slice3A_120 = vector.extract_strided_slice %sub3A {offsets = [0, 3712], sizes = [128, 128], strides = [1, 1]} : vector<128x8192xf32> to vector<128x128xf32>
    %min3A_121 = arith.minimumf %min3A_119, %slice3A_120 : vector<128x128xf32>
    %slice3A_122 = vector.extract_strided_slice %sub3A {offsets = [0, 3840], sizes = [128, 128], strides = [1, 1]} : vector<128x8192xf32> to vector<128x128xf32>
    %min3A_123 = arith.minimumf %min3A_121, %slice3A_122 : vector<128x128xf32>
    %slice3A_124 = vector.extract_strided_slice %sub3A {offsets = [0, 3968], sizes = [128, 128], strides = [1, 1]} : vector<128x8192xf32> to vector<128x128xf32>
    %min3A_125 = arith.minimumf %min3A_123, %slice3A_124 : vector<128x128xf32>
    %slice3A_126 = vector.extract_strided_slice %sub3A {offsets = [0, 4096], sizes = [128, 128], strides = [1, 1]} : vector<128x8192xf32> to vector<128x128xf32>
    %min3A_127 = arith.minimumf %min3A_125, %slice3A_126 : vector<128x128xf32>
    %slice3A_128 = vector.extract_strided_slice %sub3A {offsets = [0, 4224], sizes = [128, 128], strides = [1, 1]} : vector<128x8192xf32> to vector<128x128xf32>
    %min3A_129 = arith.minimumf %min3A_127, %slice3A_128 : vector<128x128xf32>
    %slice3A_130 = vector.extract_strided_slice %sub3A {offsets = [0, 4352], sizes = [128, 128], strides = [1, 1]} : vector<128x8192xf32> to vector<128x128xf32>
    %min3A_131 = arith.minimumf %min3A_129, %slice3A_130 : vector<128x128xf32>
    %slice3A_132 = vector.extract_strided_slice %sub3A {offsets = [0, 4480], sizes = [128, 128], strides = [1, 1]} : vector<128x8192xf32> to vector<128x128xf32>
    %min3A_133 = arith.minimumf %min3A_131, %slice3A_132 : vector<128x128xf32>
    %slice3A_134 = vector.extract_strided_slice %sub3A {offsets = [0, 4608], sizes = [128, 128], strides = [1, 1]} : vector<128x8192xf32> to vector<128x128xf32>
    %min3A_135 = arith.minimumf %min3A_133, %slice3A_134 : vector<128x128xf32>
    %slice3A_136 = vector.extract_strided_slice %sub3A {offsets = [0, 4736], sizes = [128, 128], strides = [1, 1]} : vector<128x8192xf32> to vector<128x128xf32>
    %min3A_137 = arith.minimumf %min3A_135, %slice3A_136 : vector<128x128xf32>
    %slice3A_138 = vector.extract_strided_slice %sub3A {offsets = [0, 4864], sizes = [128, 128], strides = [1, 1]} : vector<128x8192xf32> to vector<128x128xf32>
    %min3A_139 = arith.minimumf %min3A_137, %slice3A_138 : vector<128x128xf32>
    %slice3A_140 = vector.extract_strided_slice %sub3A {offsets = [0, 4992], sizes = [128, 128], strides = [1, 1]} : vector<128x8192xf32> to vector<128x128xf32>
    %min3A_141 = arith.minimumf %min3A_139, %slice3A_140 : vector<128x128xf32>
    %slice3A_142 = vector.extract_strided_slice %sub3A {offsets = [0, 5120], sizes = [128, 128], strides = [1, 1]} : vector<128x8192xf32> to vector<128x128xf32>
    %min3A_143 = arith.minimumf %min3A_141, %slice3A_142 : vector<128x128xf32>
    %slice3A_144 = vector.extract_strided_slice %sub3A {offsets = [0, 5248], sizes = [128, 128], strides = [1, 1]} : vector<128x8192xf32> to vector<128x128xf32>
    %min3A_145 = arith.minimumf %min3A_143, %slice3A_144 : vector<128x128xf32>
    %slice3A_146 = vector.extract_strided_slice %sub3A {offsets = [0, 5376], sizes = [128, 128], strides = [1, 1]} : vector<128x8192xf32> to vector<128x128xf32>
    %min3A_147 = arith.minimumf %min3A_145, %slice3A_146 : vector<128x128xf32>
    %slice3A_148 = vector.extract_strided_slice %sub3A {offsets = [0, 5504], sizes = [128, 128], strides = [1, 1]} : vector<128x8192xf32> to vector<128x128xf32>
    %min3A_149 = arith.minimumf %min3A_147, %slice3A_148 : vector<128x128xf32>
    %slice3A_150 = vector.extract_strided_slice %sub3A {offsets = [0, 5632], sizes = [128, 128], strides = [1, 1]} : vector<128x8192xf32> to vector<128x128xf32>
    %min3A_151 = arith.minimumf %min3A_149, %slice3A_150 : vector<128x128xf32>
    %slice3A_152 = vector.extract_strided_slice %sub3A {offsets = [0, 5760], sizes = [128, 128], strides = [1, 1]} : vector<128x8192xf32> to vector<128x128xf32>
    %min3A_153 = arith.minimumf %min3A_151, %slice3A_152 : vector<128x128xf32>
    %slice3A_154 = vector.extract_strided_slice %sub3A {offsets = [0, 5888], sizes = [128, 128], strides = [1, 1]} : vector<128x8192xf32> to vector<128x128xf32>
    %min3A_155 = arith.minimumf %min3A_153, %slice3A_154 : vector<128x128xf32>
    %slice3A_156 = vector.extract_strided_slice %sub3A {offsets = [0, 6016], sizes = [128, 128], strides = [1, 1]} : vector<128x8192xf32> to vector<128x128xf32>
    %min3A_157 = arith.minimumf %min3A_155, %slice3A_156 : vector<128x128xf32>
    %slice3A_158 = vector.extract_strided_slice %sub3A {offsets = [0, 6144], sizes = [128, 128], strides = [1, 1]} : vector<128x8192xf32> to vector<128x128xf32>
    %min3A_159 = arith.minimumf %min3A_157, %slice3A_158 : vector<128x128xf32>
    %slice3A_160 = vector.extract_strided_slice %sub3A {offsets = [0, 6272], sizes = [128, 128], strides = [1, 1]} : vector<128x8192xf32> to vector<128x128xf32>
    %min3A_161 = arith.minimumf %min3A_159, %slice3A_160 : vector<128x128xf32>
    %slice3A_162 = vector.extract_strided_slice %sub3A {offsets = [0, 6400], sizes = [128, 128], strides = [1, 1]} : vector<128x8192xf32> to vector<128x128xf32>
    %min3A_163 = arith.minimumf %min3A_161, %slice3A_162 : vector<128x128xf32>
    %slice3A_164 = vector.extract_strided_slice %sub3A {offsets = [0, 6528], sizes = [128, 128], strides = [1, 1]} : vector<128x8192xf32> to vector<128x128xf32>
    %min3A_165 = arith.minimumf %min3A_163, %slice3A_164 : vector<128x128xf32>
    %slice3A_166 = vector.extract_strided_slice %sub3A {offsets = [0, 6656], sizes = [128, 128], strides = [1, 1]} : vector<128x8192xf32> to vector<128x128xf32>
    %min3A_167 = arith.minimumf %min3A_165, %slice3A_166 : vector<128x128xf32>
    %slice3A_168 = vector.extract_strided_slice %sub3A {offsets = [0, 6784], sizes = [128, 128], strides = [1, 1]} : vector<128x8192xf32> to vector<128x128xf32>
    %min3A_169 = arith.minimumf %min3A_167, %slice3A_168 : vector<128x128xf32>
    %slice3A_170 = vector.extract_strided_slice %sub3A {offsets = [0, 6912], sizes = [128, 128], strides = [1, 1]} : vector<128x8192xf32> to vector<128x128xf32>
    %min3A_171 = arith.minimumf %min3A_169, %slice3A_170 : vector<128x128xf32>
    %slice3A_172 = vector.extract_strided_slice %sub3A {offsets = [0, 7040], sizes = [128, 128], strides = [1, 1]} : vector<128x8192xf32> to vector<128x128xf32>
    %min3A_173 = arith.minimumf %min3A_171, %slice3A_172 : vector<128x128xf32>
    %slice3A_174 = vector.extract_strided_slice %sub3A {offsets = [0, 7168], sizes = [128, 128], strides = [1, 1]} : vector<128x8192xf32> to vector<128x128xf32>
    %min3A_175 = arith.minimumf %min3A_173, %slice3A_174 : vector<128x128xf32>
    %slice3A_176 = vector.extract_strided_slice %sub3A {offsets = [0, 7296], sizes = [128, 128], strides = [1, 1]} : vector<128x8192xf32> to vector<128x128xf32>
    %min3A_177 = arith.minimumf %min3A_175, %slice3A_176 : vector<128x128xf32>
    %slice3A_178 = vector.extract_strided_slice %sub3A {offsets = [0, 7424], sizes = [128, 128], strides = [1, 1]} : vector<128x8192xf32> to vector<128x128xf32>
    %min3A_179 = arith.minimumf %min3A_177, %slice3A_178 : vector<128x128xf32>
    %slice3A_180 = vector.extract_strided_slice %sub3A {offsets = [0, 7552], sizes = [128, 128], strides = [1, 1]} : vector<128x8192xf32> to vector<128x128xf32>
    %min3A_181 = arith.minimumf %min3A_179, %slice3A_180 : vector<128x128xf32>
    %slice3A_182 = vector.extract_strided_slice %sub3A {offsets = [0, 7680], sizes = [128, 128], strides = [1, 1]} : vector<128x8192xf32> to vector<128x128xf32>
    %min3A_183 = arith.minimumf %min3A_181, %slice3A_182 : vector<128x128xf32>
    %slice3A_184 = vector.extract_strided_slice %sub3A {offsets = [0, 7808], sizes = [128, 128], strides = [1, 1]} : vector<128x8192xf32> to vector<128x128xf32>
    %min3A_185 = arith.minimumf %min3A_183, %slice3A_184 : vector<128x128xf32>
    %slice3A_186 = vector.extract_strided_slice %sub3A {offsets = [0, 7936], sizes = [128, 128], strides = [1, 1]} : vector<128x8192xf32> to vector<128x128xf32>
    %min3A_187 = arith.minimumf %min3A_185, %slice3A_186 : vector<128x128xf32>
    %slice3A_188 = vector.extract_strided_slice %sub3A {offsets = [0, 8064], sizes = [128, 128], strides = [1, 1]} : vector<128x8192xf32> to vector<128x128xf32>
    %min3A_189 = arith.minimumf %min3A_187, %slice3A_188 : vector<128x128xf32>
    %broadcast_in_dim3A = arith.constant 0.000000e+00 : f32
    %broadcast_in_dim3A_190 = vector.broadcast %broadcast_in_dim3A : f32 to vector<128x1xf32>
    %scan3A = arith.constant 0 : i32
    %scan3A_191 = arith.constant 32 : i32
    %scan3A_192 = arith.addi %scan3A, %scan3A_191 : i32
    %scan3A_193 = arith.constant 1 : i32
    %scan3A_194:2 = scf.for %scan3A_203 = %scan3A to %scan3A_192 step %scan3A_193 iter_args(%scan3A_204 = %min3A_189, %scan3A_205 = %broadcast_in_dim3A_190) -> (vector<128x128xf32>, vector<128x1xf32>)  : i32 {
      %reduce_min3A = arith.constant dense<0x7F800000> : vector<128xf32>
      %reduce_min3A_206 = vector.multi_reduction <minimumf>, %scan3A_204, %reduce_min3A [1] : vector<128x128xf32> to vector<128xf32>
      %broadcast_in_dim3A_207 = vector.shape_cast %reduce_min3A_206 : vector<128xf32> to vector<128x1xf32>
      %eq3A = vector.broadcast %broadcast_in_dim3A_207 : vector<128x1xf32> to vector<128x128xf32>
      %eq3A_208 = arith.cmpf oeq, %scan3A_204, %eq3A : vector<128x128xf32>
      %jit3A = arith.constant 0x7F800000 : f32
      %broadcast_in_dim3A_209 = vector.broadcast %jit3A : f32 to vector<128x128xf32>
      %select_n3A = arith.select %eq3A_208, %broadcast_in_dim3A_209, %scan3A_204 : vector<128x128xi1>, vector<128x128xf32>
      scf.yield %select_n3A, %broadcast_in_dim3A_207 : vector<128x128xf32>, vector<128x1xf32>
    }
    %swap3A = arith.constant 0 : index
    %swap3A_195 = arith.constant 0 : index
    %swap3A_196 = vector.load %arg8[%swap3A, %swap3A_195] : memref<128x8192xf32, #tpu.memory_space<vmem>>, vector<128x8192xf32>
    tpu.vector_store %arg8[%swap3A, %swap3A_195], %sub3A {strides = array<i32>} : memref<128x8192xf32, #tpu.memory_space<vmem>>, vector<128x8192xf32>,
    %swap3A_197 = arith.constant 0 : index
    %swap3A_198 = arith.constant 0 : index
    %swap3A_199 = arith.constant 0 : index
    %swap3A_200 = vector.load %arg9[%swap3A_197, %swap3A_198, %swap3A_199] : memref<1x128x1xf32, #tpu.memory_space<vmem>>, vector<1x128x1xf32>
    %swap3A_201 = vector.shape_cast %swap3A_200 : vector<1x128x1xf32> to vector<128x1xf32>
    %swap3A_202 = vector.shape_cast %scan3A_194#1 : vector<128x1xf32> to vector<1x128x1xf32>
    tpu.vector_store %arg9[%swap3A_197, %swap3A_198, %swap3A_199], %swap3A_202 {strides = array<i32>} : memref<1x128x1xf32, #tpu.memory_space<vmem>>, vector<1x128x1xf32>,
    return
  }
  func.func @transform_0(%arg0: i32, %arg1: i32) -> (i32, i32, i32) {
    %c0_i32 = arith.constant 0 : i32
    %c0_i32_0 = arith.constant 0 : i32
    %c0_i32_1 = arith.constant 0 : i32
    return %arg0, %c0_i32, %c0_i32_0 : i32, i32, i32
  }
  func.func @transform_1(%arg0: i32, %arg1: i32) -> (i32, i32, i32) {
    %c0_i32 = arith.constant 0 : i32
    %c0_i32_0 = arith.constant 0 : i32
    %c0_i32_1 = arith.constant 0 : i32
    return %arg0, %c0_i32, %c0_i32_0 : i32, i32, i32
  }
  func.func @transform_2(%arg0: i32, %arg1: i32) -> (i32, i32, i32) {
    %c0_i32 = arith.constant 0 : i32
    %c0_i32_0 = arith.constant 0 : i32
    %c0_i32_1 = arith.constant 0 : i32
    return %arg0, %c0_i32, %c0_i32_0 : i32, i32, i32
  }
  func.func @transform_3(%arg0: i32, %arg1: i32) -> (i32, i32, i32) {
    %mul3A = arith.constant 8 : i32
    %mul3A_0 = arith.muli %arg0, %mul3A : i32
    %add3A = arith.addi %mul3A_0, %arg1 : i32
    %c0_i32 = arith.constant 0 : i32
    %c0_i32_1 = arith.constant 0 : i32
    %c0_i32_2 = arith.constant 0 : i32
    return %add3A, %c0_i32, %c0_i32_1 : i32, i32, i32
  }
  func.func @transform_4(%arg0: i32, %arg1: i32) -> (i32, i32, i32) {
    %mul3A = arith.constant 8 : i32
    %mul3A_0 = arith.muli %arg0, %mul3A : i32
    %add3A = arith.addi %mul3A_0, %arg1 : i32
    %c0_i32 = arith.constant 0 : i32
    %c0_i32_1 = arith.constant 0 : i32
    %c0_i32_2 = arith.constant 0 : i32
    return %add3A, %c0_i32, %c0_i32_1 : i32, i32, i32
  }
  func.func @transform_5(%arg0: i32, %arg1: i32) -> (i32, i32, i32) {
    %mul3A = arith.constant 8 : i32
    %mul3A_0 = arith.muli %arg0, %mul3A : i32
    %add3A = arith.addi %mul3A_0, %arg1 : i32
    %c0_i32 = arith.constant 0 : i32
    %c0_i32_1 = arith.constant 0 : i32
    %c0_i32_2 = arith.constant 0 : i32
    return %add3A, %c0_i32, %c0_i32_1 : i32, i32, i32
  }
  func.func @transform_6(%arg0: i32, %arg1: i32) -> (i32, i32) {
    %mul3A = arith.constant 8 : i32
    %mul3A_0 = arith.muli %arg0, %mul3A : i32
    %add3A = arith.addi %mul3A_0, %arg1 : i32
    %c0_i32 = arith.constant 0 : i32
    %c0_i32_1 = arith.constant 0 : i32
    return %add3A, %c0_i32 : i32, i32
  }
  func.func @transform_7(%arg0: i32, %arg1: i32) -> (i32, i32, i32) {
    %mul3A = arith.constant 8 : i32
    %mul3A_0 = arith.muli %arg0, %mul3A : i32
    %add3A = arith.addi %mul3A_0, %arg1 : i32
    %c0_i32 = arith.constant 0 : i32
    %c0_i32_1 = arith.constant 0 : i32
    %c0_i32_2 = arith.constant 0 : i32
    return %add3A, %c0_i32, %c0_i32_1 : i32, i32, i32
  }
}

</mosaic_0001>

<sc_bundles>
// kernel: kernel.5.cloned.1.call-start
scs
__scs_entry_jumppad:
0x0: {  	(pc) =	sbr.rel $0x88, $3  }
0x1: {  	(tag) =	ssettag $0x0;
	lr =	simm.s32 $0x1  }
0x2: {  	[smem:$0x3FA0] =	sst lr;
	_ =	strace $0xD0000000  }
0x3: {  	_ = 	snop  }
0x4: {  	_ = 	snop  }
0x5: {  	_ = 	snop  }
0x6: {  	_ = 	snop  }
0x7: {  	_ = 	snop  }
__scs_overlays_trampoline_lowered:
0x8: {  	[smem:$0x3FAF] =	sst s0  }
0x9: {  	[smem:$0x3FB0] =	sst s1  }
0xa: {  	[smem:$0x3FB1] =	sst s2  }
0xb: {  	[smem:$0x3FB2] =	sst s3  }
0xc: {  	[smem:$0x3FB3] =	sst s4  }
0xd: {  	[smem:$0x3FB4] =	sst s5  }
0xe: {  	[smem:$0x3FB5] =	sst s6  }
0xf: {  	[smem:$0x3FB6] =	sst s7  }
0x10: {  	[smem:$0x3FB7] =	sst s8  }
0x11: {  	[smem:$0x3FB8] =	sst s9;
	s0 =	simm.s32 @!p0 $0x0  }
0x12: {  	s1 =	sld [smem:$0x3F9E];
	s0 =	simm.s32 @p0 $0x1  }
0x13: {  	[smem:$0x3FB9] =	sst s0;
	s0 =	simm.s32 @!p1 $0x0  }
0x14: {  	s2 =	sld [smem:$0x3F9D];
	s0 =	simm.s32 @p1 $0x1  }
0x15: {  	[smem:$0x3FBA] =	sst s0;
	s0 =	simm.s32 @!p2 $0x0  }
0x16: {  	s3 =	sld [smem:$0x3FDB];
	s0 =	simm.s32 @p2 $0x1  }
0x17: {  	s4 =	simm.s32 $0x1BF5;
	[smem:$0x3FBC] =	sst s0  }
0x18: {  	s0 =	sld [smem:$0x3F9F];
	_ =	swait.ge [sflag:s4], $0x0  }
0x19: {  	s7 =	sld [smem:$0x3FA0]  }
0x1a: {  	s8 =	sadd.s32 $0xFFFFE003, lr  }
0x1b: {  	s9 =	sadd.s32 $0xFFFFFEF7, lr;
	s5 =	simm.s32 $0xFFFFFFFF;
	p2 =	slt.u32 s8, $0xFFFFF086  }
0x1c: {  	p1 =	slt.u32 s9, $0xF7A;
	s5 =	simm.s32 @!p2 $0x0  }
0x1d: {  	s5 =	simm.s32 @p1 $0x1;
	p0 =	seq.s32 s7, s2  }
0x1e: {  	s7 =	smul.u32 @!p0 $0xF7A, s2;
	p2 =	seq.s32 @!p0 s5, $0x0  }
0x1f: {  	s9 =	smul.u32 $0xF7A, s1;
	s8 =	simm.s32 @!p0 $0x1BF5;
	p2 =	por !p2, p0  }
0x20: {  	[sflag:s8] =	ssyncset.s32 @!p0 $0xFFFFF086;
	s6 =	sadd.s32 @!p0 s3, s7;
	s7 =	simm.s32 @!p0 $0x108  }
0x21: {  	s3 =	sadd.s32 s3, s9;
	s6 =	sadd.s32 @!p0 $0x88, s6;
	s7 =	simm.s32 @p2 $0x1082  }
0x22: {  	[simem:s7], [sflag:s8] =	dma.local @!p0 [hbm:s6], $0xF7A  }
0x23: {  	s9 =	sor.u32 $0xD0000000, s2;
	s6 =	simm.s32 $0x108;
	_ =	swait.ge @!p0 [sflag:s8], $0x0  }
0x24: {  	s3 =	sadd.s32 $0x88, s3;
	s6 =	simm.s32 @!p1 $0x1082;
	[sflag:s4] =	ssyncset.s32 $0xFFFFF086  }
0x25: {  	[simem:s6], [sflag:s4] =	dma.local [hbm:s3], $0xF7A  }
0x26: {  	[smem:$0x3FA0] =	sst s1;
	(tag) =	ssettag s2;
	_ =	strace s9  }
0x27: {  	s1 =	sld [smem:$0x3FB0]  }
0x28: {  	s2 =	sld [smem:$0x3FB1]  }
0x29: {  	s4 =	sld [smem:$0x3FB3]  }
0x2a: {  	p0 =	seq.s32 s5, $0x0;
	s5 =	sld [smem:$0x3FB4]  }
0x2b: {  	s6 =	sld [smem:$0x3FB5]  }
0x2c: {  	s7 =	sld [smem:$0x3FB6]  }
0x2d: {  	s3 =	simm.s32 $0x108;
	s8 =	sld [smem:$0x3FB7]  }
0x2e: {  	s3 =	simm.s32 @!p0 $0x1082;
	s9 =	sld [smem:$0x3FB8]  }
0x2f: {  	lr =	sadd.s32 s0, s3;
	s0 =	sld [smem:$0x3FAF]  }
0x30: {  	s3 =	sld [smem:$0x3FB2]  }
0x31: {  	[smem:$0x3FBB] =	sst s10  }
0x32: {  	s10 =	sld [smem:$0x3FB9];
	_ =	sdelay $0x3  }
0x33: {  	p0 =	seq.s32 s10, $0x1;
	s10 =	sld [smem:$0x3FBB];
	_ =	sdelay $0x3  }
0x34: {  	[smem:$0x3FBB] =	sst s10  }
0x35: {  	s10 =	sld [smem:$0x3FBA];
	_ =	sdelay $0x3  }
0x36: {  	p1 =	seq.s32 s10, $0x1;
	s10 =	sld [smem:$0x3FBB];
	_ =	sdelay $0x3  }
0x37: {  	[smem:$0x3FBB] =	sst s10  }
0x38: {  	s10 =	sld [smem:$0x3FBC]  }
0x39: {  	_ = 	snop;
	(pc) =	sbr.ind lr, $3  }
0x3a: {  	_ = 	snop  }
0x3b: {  	_ = 	snop  }
0x3c: {  	p2 =	seq.s32 s10, $0x1;
	s10 =	sld [smem:$0x3FBB]  }
0x3d: {  	_ =	shalt  }
0x3e: {  	_ =	shalt  }
0x3f: {  	_ =	shalt  }
0x40: {  	_ =	shalt  }
0x41: {  	_ =	shalt  }
0x42: {  	_ =	shalt  }
0x43: {  	_ =	shalt  }
0x44: {  	_ =	shalt  }
0x45: {  	_ =	shalt  }
0x46: {  	_ =	shalt  }
0x47: {  	_ =	shalt  }
0x48: {  	_ =	shalt  }
0x49: {  	_ =	shalt  }
0x4a: {  	_ =	shalt  }
0x4b: {  	_ =	shalt  }
0x4c: {  	_ =	shalt  }
0x4d: {  	_ =	shalt  }
0x4e: {  	_ =	shalt  }
0x4f: {  	_ =	shalt  }
0x50: {  	_ =	shalt  }
0x51: {  	_ =	shalt  }
0x52: {  	_ =	shalt  }
0x53: {  	_ =	shalt  }
0x54: {  	_ =	shalt  }
0x55: {  	_ =	shalt  }
0x56: {  	_ =	shalt  }
0x57: {  	_ =	shalt  }
0x58: {  	_ =	shalt  }
0x59: {  	_ =	shalt  }
0x5a: {  	_ =	shalt  }
0x5b: {  	_ =	shalt  }
0x5c: {  	_ =	shalt  }
0x5d: {  	_ =	shalt  }
0x5e: {  	_ =	shalt  }
0x5f: {  	_ =	shalt  }
0x60: {  	_ =	shalt  }
0x61: {  	_ =	shalt  }
0x62: {  	_ =	shalt  }
0x63: {  	_ =	shalt  }
0x64: {  	_ =	shalt  }
0x65: {  	_ =	shalt  }
0x66: {  	_ =	shalt  }
0x67: {  	_ =	shalt  }
0x68: {  	_ =	shalt  }
0x69: {  	_ =	shalt  }
0x6a: {  	_ =	shalt  }
0x6b: {  	_ =	shalt  }
0x6c: {  	_ =	shalt  }
0x6d: {  	_ =	shalt  }
0x6e: {  	_ =	shalt  }
0x6f: {  	_ =	shalt  }
0x70: {  	_ =	shalt  }
0x71: {  	_ =	shalt  }
0x72: {  	_ =	shalt  }
0x73: {  	_ =	shalt  }
0x74: {  	_ =	shalt  }
0x75: {  	_ =	shalt  }
0x76: {  	_ =	shalt  }
0x77: {  	_ =	shalt  }
0x78: {  	_ =	shalt  }
0x79: {  	_ =	shalt  }
0x7a: {  	_ =	shalt  }
0x7b: {  	_ =	shalt  }
0x7c: {  	_ =	shalt  }
0x7d: {  	_ =	shalt  }
0x7e: {  	_ =	shalt  }
0x7f: {  	_ =	shalt  }
0x80: {  	_ =	shalt  }
0x81: {  	_ =	shalt  }
0x82: {  	_ =	shalt  }
0x83: {  	_ =	shalt  }
0x84: {  	_ =	shalt  }
0x85: {  	_ =	shalt  }
0x86: {  	_ =	shalt  }
0x87: {  	_ =	shalt  }
.Lfunc_end0:
.L_simem_size_0:
called_computation.1_lowered:
.L_overlay_start_0:
0x88: {  	s2 =	sld [smem:$0x3FD9]  }
0x89: {  	s3 =	sld [smem:$0x3FFE];
	_ =	sdelay $0x1  }
0x8a: {  	s1 =	srdreg.scid  }
0x8b: {  	s0 =	sand.u32 $0x1, s1  }
0x8c: {  	s14 =	sshll.u32 s0, $0xA;
	s2 =	sadd.s32 s3, s2  }
0x8d: {  	s2 =	sadd.s32 s2, s14  }
0x8e: {  	[smem:$0x3FC7] =	sst s2  }
0x8f: {  	_ = 	snop  }
0x90: {  	s2 =	sld [smem:$0x3FD0];
	_ =	sdelay $0x2  }
0x91: {  	s15 =	simm.s32 $0xA;
	s4 =	simm.s32 $0x10  }
0x92: {  	[smem:s4], [sflag:s15] =	dma.local [hbm:s2], $0x1  }
0x93: {  	_ =	swait.eq [sflag:s15], $0x1  }
0x94: {  	[sflag:s15] =	ssyncset.done $0x0  }
0x95: {  	[sflag:s15] =	ssyncadd.s32 $0xFFFFFFFF  }
0x96: {  	s16 =	sld [smem:$0x10];
	(tm) =	ssettm $0x1  }
0x97: {  	s17 =	sld [smem:$0x3FFB];
	_ =	sdelay $0x3  }
0x98: {  	_ =	strace s17  }
0x99: {  	s3 =	sld [smem:$0x3FFC];
	_ =	sdelay $0x3  }
0x9a: {  	_ =	strace s3  }
0x9b: {  	s3 =	sld [smem:$0x3FFD];
	_ =	sdelay $0x3  }
0x9c: {  	_ =	strace s3  }
0x9d: {  	_ =	strace $0x8FFFFFFF  }
0x9e: {  	s18 =	sld [smem:$0x3FDB];
	_ =	sdelay $0x1  }
0x9f: {  	s19 =	simm.s32 $_scs_section_size  }
0xa0: {  	s5 =	simm.s32 $_size__tile_overlayer_lowered;
	s6 =	simm.s32 $_tile_overlayer_lowered  }
0xa1: {  	s22 =	simm.s32 $0x1BFF;
	s21 =	sshll.u32 s6, $0x1;
	s3 =	sadd.s32 s19, s18  }
0xa2: {  	s7 =	simm.s32 $0x0;
	s20 =	sshll.u32 s5, $0x1;
	s5 =	sadd.s32 s21, s3  }
0xa3: {  	[timem:s7], [sflag:s22] =	dma.local [hbm:s5], s20  }
0xa4: {  	_ =	swait.ge [sflag:s22], s20  }
0xa5: {  	s4 =	ssub.s32 $0x0, s20;
	[sflag:s22] =	ssyncset.done $0x0  }
0xa6: {  	[sflag:s22] =	ssyncadd.s32 s4;
	_ =	sdelay $0x1  }
0xa7: {  	s23 =	simm.s32 $0x1B8B  }
0xa8: {  	_ =	swait.ge [sflag:s23], $0x1  }
0xa9: {  	[sflag:s23] =	ssyncset.done $0x0  }
0xaa: {  	s25 =	simm.s32 $0x1B8E;
	s24 =	sld [smem:$0x3FFE];
	[sflag:s23] =	ssyncadd.s32 $0xFFFFFFFF  }
0xab: {  	s26 =	simm.s32 $execute0_lowered;
	[smem:$0x3FD2] =	sst s25  }
0xac: {  	s5 =	sshll.u32 s26, $0x1;
	_ =	strace $0x80000049;
	[dreg:$0x1] =	wrdreg $0xFFFFFFFF  }
0xad: {  	s28 =	simm.s32 $_size_execute0_lowered;
	s3 =	sadd.s32 s3, s5;
	[dreg:$0x0] =	wrdreg $0x0  }
0xae: {  	s5 =	sshll.u32 s28, $0x1;
	[dreg:$0x2] =	wrdreg s3  }
0xaf: {  	[dreg:$0x3] =	wrdreg s5  }
0xb0: {  	[dreg:$0x4] =	wrdreg $0xC0  }
0xb1: {  	_ =	task [dreg:s7], $0x5FFFF  }
0xb2: {  	[dreg:$0x1] =	wrdreg $0xFFFFFFFF  }
0xb3: {  	[dreg:$0x0] =	wrdreg $0x60  }
0xb4: {  	[dreg:$0x2] =	wrdreg s24  }
0xb5: {  	[dreg:$0x3] =	wrdreg s16  }
0xb6: {  	[dreg:$0x4] =	wrdreg $0x9  }
0xb7: {  	_ =	task.clear_ibuf [dreg:s7], $0x5FFFF;
	_ =	strace $0x90000049  }
0xb8: {  	s29 =	simm.s32 $0x9;
	_ =	strace $0x8000004B  }
0xb9: {  	_ =	swait.ge [sflag:s29], $0x1  }
0xba: {  	[sflag:s29] =	ssyncadd.s32 $0xFFFFFFFF  }
0xbb: {  	_ =	strace $0x9000004B  }
0xbc: {  	_ =	sfence  }
0xbd: {  	s30 =	sld [smem:$0x0];
	_ =	sdelay $0x2  }
0xbe: {  	s31 =	sshll.u32 s1, $0xD;
	s1 =	sshrl.u32 s1, $0x2  }
0xbf: {  	s3 =	sand.u32 $0x4000, s31;
	s1 =	sadd.s32 s1, s30  }
0xc0: {  	s0 =	sor.u32 s3, s0;
	s1 =	sshll.u32 s1, $0x11  }
0xc1: {  	s0 =	sor.u32 s1, s0  }
0xc2: {  	s0 =	sadd.s32 $0x8F2B, s0  }
0xc3: {  	[sflag:s0] =	ssyncadd.remote.s32 $0x1  }
0xc4: {  	_ =	sfence.sel $0xFFFF  }
0xc5: {  	[dreg:$0x0] =	wrdreg $0xFFFFFFFF;
	(pc) =	sbr.abs _section_cstart, $3  }
0xc6: {  	[dreg:$0x1] =	wrdreg $0xFFFFFFFF  }
0xc7: {  	_ =	task.clear_ibuf [dreg:s7], $0x2FFFF;
	_ =	strace $0x9FFFFFFF  }
0xc8: {  	(tm) =	ssettm $0x7FFFFFFF  }
0xc9: {  	_ =	shalt  }
tec
execute0_lowered:
.L_overlay_start_1:
0x0: {  	(tag) =	ssettag $0x1  }
0x1: {  	s9 =	rddreg [dreg:$0x0]  }
0x2: {  	s8 =	rddreg [dreg:$0x1]  }
0x3: {  	s0 =	rddreg [dreg:$0x2]  }
0x4: {  	s3 =	srdreg.scid;
	s1 =	stileid.u32;
	s2 =	simm.s32 $0x0  }
0x5: {  	s14 =	simm.s32 $0xA500;
	s15 =	simm.s32 $0x100;
	s16 =	simm.s32 $0x2100  }
0x6: {  	s17 =	simm.s32 $0x1;
	s18 =	simm.s32 $0x2;
	s19 =	simm.s32 $0x400  }
0x7: {  	s20 =	simm.s32 $0x6500;
	s21 =	simm.s32 $0x3;
	s22 =	simm.s32 $0x0  }
0x8: {  	s4 =	sand.u32 $0x1, s3;
	s29 =	sshll.u32 s1, $0x1;
	[smem:$0x7FF] =	sst s2  }
0x9: {  	s31 =	sshll.u32 s1, $0xC;
	s7 =	sor.u32 s4, s29;
	_ =	strace $0x8000004A  }
0xa: {  	s4 =	ssub.s32 $0x2, s4;
	s3 =	sshll.u32 s7, $0x12;
	s5 =	sshll.u32 s7, $0x9  }
0xb: {  	s6 =	sshll.u32 s7, $0xE;
	s11 =	sshrl.u32 s4, $0x1;
	s30 =	sshll.u32 s7, $0x5  }
0xc: {  	s10 =	sadd.s32 s3, s9;
	s3 =	sadd.s32 $0x1002E00, s9;
	s5 =	sadd.s32 s5, s9  }
0xd: {  	s12 =	sadd.s32 s6, s9;
	s13 =	ssub.s32 s4, s11;
	s9 =	sadd.s32 $0x803600, s9  }
0xe: {  	s4 =	sshll.u32 s7, $0x8;
	s5 =	sadd.s32 $0x1102E00, s5;
	s6 =	sadd.s32 $0x802E00, s10  }
0xf: {  	v0 =	vlaneseq.u32;
	s8 =	sadd.s32 s8, s30;
	s7 =	sadd.s32 $0x803200, s10;
	s10 =	sand.u32 $0xE000, s31  }
0x10: {  	v1 =	vor.u32 $0x10, v0;
	v2 =	vor.u32 $0x20, v0;
	v3 =	vor.u32 $0x30, v0;
	s11 =	sadd.s32 $0x1022E00, s12;
	s12 =	smax.u32 s13, $0x1;
	s13 =	simm.s32 $0x4  }
.LBB2_1:
0x11: {  	[tilespmem:s2], [sflag:$0x4] =	stream.linear.gather [hbm4b:s8+s2], $0x100, $0x38;
	[tilespmem:$0xB500] =	vst v63  }
0x12: {  	_ =	swait.ge [sflag:s13], $0x100  }
0x13: {  	[sflag:s13] =	ssyncset.done $0x0  }
0x14: {  	[sflag:s13] =	ssyncadd.s32 $0xFFFFFF00  }
0x15: {  	[tilespmem:s14], [sflag:$0x4] =	stream.linear.gather [hbm4b:s5+s2], $0x1000, $0x38;
	[tilespmem:$0xB500] =	vst v63  }
0x16: {  	_ =	swait.ge [sflag:s13], $0x1000  }
0x17: {  	[sflag:s13] =	ssyncset.done $0x0  }
0x18: {  	[sflag:s13] =	ssyncadd.s32 $0xFFFFF000  }
0x19: {  	[tilespmem:s15], [sflag:$0x1] =	stream.linear.gather [hbm4b:s6+s2], $0x2000, $0x38;
	[tilespmem:$0xB500] =	vst v63  }
0x1a: {  	s23 =	simm.s32 $0x0  }
0x1b: {  	[tilespmem:s16], [sflag:$0x2] =	stream.linear.gather [hbm4b:s7+s2], $0x2000, $0x38;
	[tilespmem:$0xB500] =	vst v63  }
.LBB2_2:
0x1c: {  	s24 =	sshll.u32 s23, $0x1  }
0x1d: {  	v4 =	vmov s24  }
0x1e: {  	v4 =	vbroadcast v4, $0x0;
	_ =	sdelay $0x1  }
0x1f: {  	_ =	swait.ge [sflag:s17], $0x2000  }
0x20: {  	[sflag:s17] =	ssyncset.done $0x0  }
0x21: {  	s25 =	simm.s32 $0x140;
	[sflag:s17] =	ssyncadd.s32 $0xFFFFE000  }
0x22: {  	s26 =	simm.s32 $0x0;
	v5 =	vld [tilespmem:s25+$0xFFFFFFC0]  }
0x23: {  	v4 =	vld.idx.msk [tilespmem:v4+s26+$0x0], $0xffff;
	_ =	sdelay $0x3  }
0x24: {  	s28 =	simm.s32 $0x0  }
0x25: {  	vm0 =	vle.f32 v5, v4;
	v5 =	vor.u32 s28, v0  }
0x26: {  	[tilespmem:s26+$0x4300] =	vst.msk vm0, v5;
	v5 =	vmpcnt.ones.xlane vm0  }
0x27: {  	v6 =	vld [tilespmem:s25+$0xFFFFFFD0]  }
0x28: {  	(v2sf) =	vpush v5, $0x0;
	_ =	sdelay $0x3  }
0x29: {  	vm9 =	vle.f32 v6, v4  }
0x2a: {  	v5 =	vmpcnt.ones.xlane vm9;
	_ =	sdelay $0x1  }
0x2b: {  	(v2sf) =	vpush v5, $0x0;
	_ =	sdelay $0x7  }
0x2c: {  	s31 =	spop (v2sf)  }
0x2d: {  	s26 =	sadd.s32 $0x0, s31  }
0x2e: {  	s28 =	simm.s32 $0x10;
	p0 =	slt.s32 s26, $0x1F0  }
0x2f: {  	v5 =	vor.u32 s28, v0;
	s26 =	simm.s32 @!p0 $0x1F0  }
0x30: {  	[tilespmem:s26+$0x4300] =	vst.msk vm9, v5  }
0x31: {  	v5 =	vld [tilespmem:s25+$0xFFFFFFE0];
	_ =	sdelay $0x1  }
0x32: {  	s28 =	spop (v2sf)  }
0x33: {  	s26 =	sadd.s32 s26, s28  }
0x34: {  	s28 =	simm.s32 $0x20;
	p0 =	slt.s32 s26, $0x1F0  }
0x35: {  	s26 =	simm.s32 @!p0 $0x1F0;
	vm10 =	vle.f32 v5, v4;
	v5 =	vor.u32 s28, v0  }
0x36: {  	[tilespmem:s26+$0x4300] =	vst.msk vm10, v5;
	v5 =	vmpcnt.ones.xlane vm10  }
0x37: {  	v6 =	vld [tilespmem:s25+$0xFFFFFFF0]  }
0x38: {  	(v2sf) =	vpush v5, $0x0;
	_ =	sdelay $0x3  }
0x39: {  	vm11 =	vle.f32 v6, v4  }
0x3a: {  	v5 =	vmpcnt.ones.xlane vm11;
	_ =	sdelay $0x1  }
0x3b: {  	(v2sf) =	vpush v5, $0x0;
	_ =	sdelay $0x7  }
0x3c: {  	s28 =	spop (v2sf)  }
0x3d: {  	s26 =	sadd.s32 s26, s28  }
0x3e: {  	s28 =	simm.s32 $0x30;
	p0 =	slt.s32 s26, $0x1F0  }
0x3f: {  	v5 =	vor.u32 s28, v0;
	s26 =	simm.s32 @!p0 $0x1F0  }
0x40: {  	[tilespmem:s26+$0x4300] =	vst.msk vm11, v5  }
0x41: {  	v5 =	vld [tilespmem:s25+$0x0];
	_ =	sdelay $0x1  }
0x42: {  	s28 =	spop (v2sf)  }
0x43: {  	s26 =	sadd.s32 s26, s28  }
0x44: {  	s28 =	simm.s32 $0x40;
	p0 =	slt.s32 s26, $0x1F0  }
0x45: {  	s26 =	simm.s32 @!p0 $0x1F0;
	vm12 =	vle.f32 v5, v4;
	v5 =	vor.u32 s28, v0  }
0x46: {  	[tilespmem:s26+$0x4300] =	vst.msk vm12, v5;
	v5 =	vmpcnt.ones.xlane vm12  }
0x47: {  	v6 =	vld [tilespmem:s25+$0x10]  }
0x48: {  	(v2sf) =	vpush v5, $0x0;
	_ =	sdelay $0x3  }
0x49: {  	vm13 =	vle.f32 v6, v4  }
0x4a: {  	v5 =	vmpcnt.ones.xlane vm13;
	_ =	sdelay $0x1  }
0x4b: {  	(v2sf) =	vpush v5, $0x0;
	_ =	sdelay $0x7  }
0x4c: {  	s28 =	spop (v2sf)  }
0x4d: {  	s26 =	sadd.s32 s26, s28  }
0x4e: {  	s28 =	simm.s32 $0x50;
	p0 =	slt.s32 s26, $0x1F0  }
0x4f: {  	v5 =	vor.u32 s28, v0;
	s26 =	simm.s32 @!p0 $0x1F0  }
0x50: {  	[tilespmem:s26+$0x4300] =	vst.msk vm13, v5  }
0x51: {  	v5 =	vld [tilespmem:s25+$0x20];
	_ =	sdelay $0x1  }
0x52: {  	s28 =	spop (v2sf)  }
0x53: {  	s26 =	sadd.s32 s26, s28  }
0x54: {  	s28 =	simm.s32 $0x60;
	p0 =	slt.s32 s26, $0x1F0  }
0x55: {  	s26 =	simm.s32 @!p0 $0x1F0;
	vm14 =	vle.f32 v5, v4;
	v5 =	vor.u32 s28, v0  }
0x56: {  	[tilespmem:s26+$0x4300] =	vst.msk vm14, v5  }
0x57: {  	v6 =	vmpcnt.ones.xlane vm14;
	v5 =	vld [tilespmem:s25+$0x30];
	_ =	sdelay $0x1  }
0x58: {  	(v2sf) =	vpush v6, $0x0;
	_ =	sdelay $0x2  }
0x59: {  	vm15 =	vle.f32 v5, v4  }
0x5a: {  	v5 =	vmpcnt.ones.xlane vm15;
	_ =	sdelay $0x1  }
0x5b: {  	(v2sf) =	vpush v5, $0x0;
	_ =	sdelay $0x8  }
0x5c: {  	s31 =	spop (v2sf)  }
0x5d: {  	s28 =	sadd.s32 s26, s31  }
0x5e: {  	s31 =	simm.s32 $0x70;
	p0 =	slt.s32 s28, $0x1F0  }
0x5f: {  	v5 =	vor.u32 s31, v0;
	s28 =	simm.s32 @!p0 $0x1F0  }
0x60: {  	s26 =	simm.s32 $0x1C0;
	[tilespmem:s28+$0x4300] =	vst.msk vm15, v5  }
0x61: {  	v5 =	vld [tilespmem:s26+$0xFFFFFFC0]  }
0x62: {  	s29 =	spop (v2sf)  }
0x63: {  	s25 =	simm.s32 $0xF0;
	s30 =	sadd.s32 s28, s29  }
0x64: {  	s28 =	simm.s32 $0x170;
	s29 =	simm.s32 $0x80;
	p1 =	slt.s32 s30, $0x1F0  }
.LBB2_3:
0x65: {  	p0 =	sne.s32 s28, $0x1FF0  }
0x66: {  	vm0 =	vle.f32 v5, v4;
	v5 =	vor.u32 s29, v0;
	s30 =	simm.s32 @!p1 $0x1F0;
	s29 =	smov.u32 s28;
	s28 =	sadd.s32 $0x80, s28  }
0x67: {  	[tilespmem:s30+$0x4300] =	vst.msk vm0, v5;
	v5 =	vmpcnt.ones.xlane vm0  }
0x68: {  	v6 =	vld [tilespmem:s26+$0xFFFFFFD0]  }
0x69: {  	(v2sf) =	vpush v5, $0x0;
	_ =	sdelay $0x3  }
0x6a: {  	vm0 =	vle.f32 v6, v4  }
0x6b: {  	v5 =	vmpcnt.ones.xlane vm0;
	_ =	sdelay $0x1  }
0x6c: {  	(v2sf) =	vpush v5, $0x0;
	_ =	sdelay $0x7  }
0x6d: {  	s31 =	spop (v2sf)  }
0x6e: {  	s30 =	sadd.s32 s30, s31  }
0x6f: {  	s31 =	sadd.s32 $0xFFFFFFA0, s25;
	p1 =	slt.s32 s30, $0x1F0  }
0x70: {  	v5 =	vor.u32 s31, v0;
	s30 =	simm.s32 @!p1 $0x1F0  }
0x71: {  	[tilespmem:s30+$0x4300] =	vst.msk vm0, v5  }
0x72: {  	v5 =	vld [tilespmem:s26+$0xFFFFFFE0];
	_ =	sdelay $0x1  }
0x73: {  	s31 =	spop (v2sf)  }
0x74: {  	s30 =	sadd.s32 s30, s31  }
0x75: {  	s31 =	sadd.s32 $0xFFFFFFB0, s25;
	p1 =	slt.s32 s30, $0x1F0  }
0x76: {  	s30 =	simm.s32 @!p1 $0x1F0;
	vm0 =	vle.f32 v5, v4;
	v5 =	vor.u32 s31, v0  }
0x77: {  	[tilespmem:s30+$0x4300] =	vst.msk vm0, v5;
	v5 =	vmpcnt.ones.xlane vm0  }
0x78: {  	v6 =	vld [tilespmem:s26+$0xFFFFFFF0]  }
0x79: {  	(v2sf) =	vpush v5, $0x0;
	_ =	sdelay $0x3  }
0x7a: {  	vm0 =	vle.f32 v6, v4  }
0x7b: {  	v5 =	vmpcnt.ones.xlane vm0;
	_ =	sdelay $0x1  }
0x7c: {  	(v2sf) =	vpush v5, $0x0;
	_ =	sdelay $0x7  }
0x7d: {  	s31 =	spop (v2sf)  }
0x7e: {  	s30 =	sadd.s32 s30, s31  }
0x7f: {  	s31 =	sadd.s32 $0xFFFFFFC0, s25;
	p1 =	slt.s32 s30, $0x1F0  }
0x80: {  	v5 =	vor.u32 s31, v0;
	s30 =	simm.s32 @!p1 $0x1F0  }
0x81: {  	[tilespmem:s30+$0x4300] =	vst.msk vm0, v5  }
0x82: {  	v5 =	vld [tilespmem:s26+$0x0];
	_ =	sdelay $0x1  }
0x83: {  	s31 =	spop (v2sf)  }
0x84: {  	s30 =	sadd.s32 s30, s31  }
0x85: {  	s31 =	sadd.s32 $0xFFFFFFD0, s25;
	p1 =	slt.s32 s30, $0x1F0  }
0x86: {  	s30 =	simm.s32 @!p1 $0x1F0;
	vm0 =	vle.f32 v5, v4;
	v5 =	vor.u32 s31, v0  }
0x87: {  	[tilespmem:s30+$0x4300] =	vst.msk vm0, v5;
	v5 =	vmpcnt.ones.xlane vm0  }
0x88: {  	v6 =	vld [tilespmem:s26+$0x10]  }
0x89: {  	(v2sf) =	vpush v5, $0x0;
	_ =	sdelay $0x3  }
0x8a: {  	vm0 =	vle.f32 v6, v4  }
0x8b: {  	v5 =	vmpcnt.ones.xlane vm0;
	_ =	sdelay $0x1  }
0x8c: {  	(v2sf) =	vpush v5, $0x0;
	_ =	sdelay $0x7  }
0x8d: {  	s31 =	spop (v2sf)  }
0x8e: {  	s30 =	sadd.s32 s30, s31  }
0x8f: {  	s31 =	sadd.s32 $0xFFFFFFE0, s25;
	p1 =	slt.s32 s30, $0x1F0  }
0x90: {  	v5 =	vor.u32 s31, v0;
	s30 =	simm.s32 @!p1 $0x1F0  }
0x91: {  	[tilespmem:s30+$0x4300] =	vst.msk vm0, v5  }
0x92: {  	v5 =	vld [tilespmem:s26+$0x20];
	_ =	sdelay $0x1  }
0x93: {  	s31 =	spop (v2sf)  }
0x94: {  	s30 =	sadd.s32 s30, s31  }
0x95: {  	s31 =	sadd.s32 $0xFFFFFFF0, s25;
	p1 =	slt.s32 s30, $0x1F0  }
0x96: {  	s30 =	simm.s32 @!p1 $0x1F0;
	vm0 =	vle.f32 v5, v4;
	v5 =	vor.u32 s31, v0  }
0x97: {  	[tilespmem:s30+$0x4300] =	vst.msk vm0, v5;
	v5 =	vmpcnt.ones.xlane vm0  }
0x98: {  	v6 =	vld [tilespmem:s26+$0x30]  }
0x99: {  	(v2sf) =	vpush v5, $0x0;
	_ =	sdelay $0x3  }
0x9a: {  	vm0 =	vle.f32 v6, v4  }
0x9b: {  	v5 =	vmpcnt.ones.xlane vm0;
	_ =	sdelay $0x1  }
0x9c: {  	(v2sf) =	vpush v5, $0x0;
	_ =	sdelay $0x7  }
0x9d: {  	s31 =	spop (v2sf)  }
0x9e: {  	s30 =	sadd.s32 s30, s31  }
0x9f: {  	p1 =	slt.s32 s30, $0x1F0  }
0xa0: {  	v5 =	vor.u32 s25, v0;
	s25 =	smov.u32 s29;
	s30 =	simm.s32 @!p1 $0x1F0  }
0xa1: {  	s26 =	sadd.s32 $0x80, s26;
	[tilespmem:s30+$0x4300] =	vst.msk vm0, v5  }
.Ltmp0:
0xa2: {  	v5 =	vld [tilespmem:s26+$0xFFFFFFC0];
	(pc) =	sbr.rel @p0 .LBB2_3-.Ltmp0, $4  }
0xa3: {  	_ = 	snop  }
0xa4: {  	s29 =	spop (v2sf)  }
0xa5: {  	s30 =	sadd.s32 s30, s29  }
0xa6: {  	s29 =	sadd.s32 $0xFFFFFF90, s25;
	p1 =	slt.s32 s30, $0x1F0  }
0xa7: {  	vm0 =	vle.f32 v5, v4  }
0xa8: {  	v5 =	vmpcnt.ones.xlane vm0;
	_ =	sdelay $0x1  }
0xa9: {  	(v2sf) =	vpush v5, $0x0;
	_ =	sdelay $0x5  }
0xaa: {  	s30 =	simm.s32 @!p1 $0x1F0;
	v5 =	vor.u32 s29, v0  }
0xab: {  	[tilespmem:s30+$0x4300] =	vst.msk vm0, v5  }
0xac: {  	v5 =	vld [tilespmem:s26+$0xFFFFFFD0];
	_ =	sdelay $0x4  }
0xad: {  	vm0 =	vle.f32 v5, v4  }
0xae: {  	v5 =	vmpcnt.ones.xlane vm0  }
0xaf: {  	s28 =	spop (v2sf)  }
0xb0: {  	(v2sf) =	vpush v5, $0x0;
	s28 =	sadd.s32 s30, s28  }
0xb1: {  	s31 =	sadd.s32 $0xFFFFFFA0, s25;
	p0 =	slt.s32 s28, $0x1F0  }
0xb2: {  	v5 =	vor.u32 s31, v0;
	s28 =	simm.s32 @!p0 $0x1F0  }
0xb3: {  	[tilespmem:s28+$0x4300] =	vst.msk vm0, v5  }
0xb4: {  	v5 =	vld [tilespmem:s26+$0xFFFFFFE0];
	_ =	sdelay $0x4  }
0xb5: {  	vm0 =	vle.f32 v5, v4  }
0xb6: {  	v5 =	vmpcnt.ones.xlane vm0;
	_ =	sdelay $0x1  }
0xb7: {  	(v2sf) =	vpush v5, $0x0;
	_ =	sdelay $0x2  }
0xb8: {  	s30 =	spop (v2sf)  }
0xb9: {  	s28 =	sadd.s32 s28, s30  }
0xba: {  	s31 =	sadd.s32 $0xFFFFFFB0, s25;
	p0 =	slt.s32 s28, $0x1F0  }
0xbb: {  	v5 =	vor.u32 s31, v0;
	s28 =	simm.s32 @!p0 $0x1F0  }
0xbc: {  	[tilespmem:s28+$0x4300] =	vst.msk vm0, v5  }
0xbd: {  	v5 =	vld [tilespmem:s26+$0xFFFFFFF0];
	_ =	sdelay $0x4  }
0xbe: {  	vm0 =	vle.f32 v5, v4  }
0xbf: {  	v5 =	vmpcnt.ones.xlane vm0  }
0xc0: {  	s30 =	spop (v2sf)  }
0xc1: {  	(v2sf) =	vpush v5, $0x0;
	s28 =	sadd.s32 s28, s30  }
0xc2: {  	s31 =	sadd.s32 $0xFFFFFFC0, s25;
	p0 =	slt.s32 s28, $0x1F0  }
0xc3: {  	v5 =	vor.u32 s31, v0;
	s28 =	simm.s32 @!p0 $0x1F0  }
0xc4: {  	[tilespmem:s28+$0x4300] =	vst.msk vm0, v5  }
0xc5: {  	v5 =	vld [tilespmem:s26+$0x0];
	_ =	sdelay $0x4  }
0xc6: {  	vm0 =	vle.f32 v5, v4  }
0xc7: {  	v5 =	vmpcnt.ones.xlane vm0;
	_ =	sdelay $0x1  }
0xc8: {  	(v2sf) =	vpush v5, $0x0;
	_ =	sdelay $0x2  }
0xc9: {  	s30 =	spop (v2sf)  }
0xca: {  	s28 =	sadd.s32 s28, s30  }
0xcb: {  	s31 =	sadd.s32 $0xFFFFFFD0, s25;
	p0 =	slt.s32 s28, $0x1F0  }
0xcc: {  	v5 =	vor.u32 s31, v0;
	s28 =	simm.s32 @!p0 $0x1F0  }
0xcd: {  	[tilespmem:s28+$0x4300] =	vst.msk vm0, v5  }
0xce: {  	v5 =	vld [tilespmem:s26+$0x10];
	_ =	sdelay $0x4  }
0xcf: {  	vm0 =	vle.f32 v5, v4  }
0xd0: {  	v5 =	vmpcnt.ones.xlane vm0  }
0xd1: {  	s30 =	spop (v2sf)  }
0xd2: {  	(v2sf) =	vpush v5, $0x0;
	s28 =	sadd.s32 s28, s30  }
0xd3: {  	s31 =	sadd.s32 $0xFFFFFFE0, s25;
	p0 =	slt.s32 s28, $0x1F0  }
0xd4: {  	v5 =	vor.u32 s31, v0;
	s28 =	simm.s32 @!p0 $0x1F0  }
0xd5: {  	[tilespmem:s28+$0x4300] =	vst.msk vm0, v5  }
0xd6: {  	v5 =	vld [tilespmem:s26+$0x20];
	_ =	sdelay $0x4  }
0xd7: {  	vm0 =	vle.f32 v5, v4  }
0xd8: {  	v5 =	vmpcnt.ones.xlane vm0;
	_ =	sdelay $0x1  }
0xd9: {  	(v2sf) =	vpush v5, $0x0;
	_ =	sdelay $0x2  }
0xda: {  	s30 =	spop (v2sf)  }
0xdb: {  	s28 =	sadd.s32 s28, s30  }
0xdc: {  	s31 =	sadd.s32 $0xFFFFFFF0, s25;
	p0 =	slt.s32 s28, $0x1F0  }
0xdd: {  	v5 =	vor.u32 s31, v0;
	s28 =	simm.s32 @!p0 $0x1F0  }
0xde: {  	[tilespmem:s28+$0x4300] =	vst.msk vm0, v5  }
0xdf: {  	v5 =	vld [tilespmem:s26+$0x30];
	_ =	sdelay $0x4  }
0xe0: {  	vm0 =	vle.f32 v5, v4  }
0xe1: {  	v4 =	vmpcnt.ones.xlane vm0  }
0xe2: {  	s30 =	spop (v2sf)  }
0xe3: {  	(v2sf) =	vpush v4, $0x0;
	s26 =	sadd.s32 s28, s30  }
0xe4: {  	p0 =	slt.s32 s26, $0x1F0  }
0xe5: {  	v4 =	vor.u32 s25, v0;
	s26 =	simm.s32 @!p0 $0x1F0  }
0xe6: {  	[tilespmem:s26+$0x4300] =	vst.msk vm0, v4  }
0xe7: {  	v4 =	vld [tilespmem:$0x4300];
	_ =	sdelay $0x4  }
0xe8: {  	vm0 =	vgt.s32 v4, $0x0  }
0xe9: {  	v4 =	vnsel vm0, $0x0, v4  }
0xea: {  	v5 =	vld [tilespmem:$0x4310];
	v4 =	vmin.u32 v4, $0x1FFF;
	_ =	sdelay $0x3  }
0xeb: {  	s31 =	spop (v2sf)  }
0xec: {  	vm0 =	vgt.s32 v5, $0x0;
	s25 =	sadd.s32 s26, s31;
	v4 =	vld.idx.msk [tilespmem:v4+s15+$0x0], $0xffff  }
0xed: {  	v5 =	vnsel vm0, $0x0, v5;
	p0 =	slt.s32 s25, $0x1F0  }
0xee: {  	v6 =	vld [tilespmem:$0x4320];
	v5 =	vmin.u32 v5, $0x1FFF;
	s25 =	simm.s32 @!p0 $0x1F0  }
0xef: {  	v7 =	vmov s25  }
0xf0: {  	vm0 =	vgt.s32 v7, v0  }
0xf1: {  	v4 =	vnsel vm0, $0x7F800000, v4  }
0xf2: {  	[tilespmem:$0x4100] =	vst v4  }
0xf3: {  	vm0 =	vgt.s32 v6, $0x0;
	v4 =	vld.idx.msk [tilespmem:v5+s15+$0x0], $0xffff  }
0xf4: {  	v5 =	vnsel vm0, $0x0, v6  }
0xf5: {  	v6 =	vld [tilespmem:$0x4330];
	v5 =	vmin.u32 v5, $0x1FFF;
	_ =	sdelay $0x1  }
0xf6: {  	vm0 =	vgt.s32 v7, v1  }
0xf7: {  	v4 =	vnsel vm0, $0x7F800000, v4  }
0xf8: {  	[tilespmem:$0x4110] =	vst v4  }
0xf9: {  	vm0 =	vgt.s32 v6, $0x0;
	v4 =	vld.idx.msk [tilespmem:v5+s15+$0x0], $0xffff  }
0xfa: {  	v5 =	vnsel vm0, $0x0, v6  }
0xfb: {  	v5 =	vmin.u32 v5, $0x1FFF;
	_ =	sdelay $0x1  }
0xfc: {  	vm0 =	vgt.s32 v7, v2  }
0xfd: {  	v4 =	vnsel vm0, $0x7F800000, v4  }
0xfe: {  	[tilespmem:$0x4120] =	vst v4  }
0xff: {  	v4 =	vld.idx.msk [tilespmem:v5+s15+$0x0], $0xffff;
	_ =	sdelay $0x2  }
0x100: {  	p0 =	seq.s32 s23, $0x7F  }
0x101: {  	s25 =	sadd.s32 @!p0 s4, s24;
	vm0 =	vgt.s32 v7, v3  }
0x102: {  	s25 =	sshll.u32 @!p0 s25, $0xA;
	v4 =	vnsel vm0, $0x7F800000, v4  }
0x103: {  	s26 =	simm.s32 @!p0 $0x0;
	s28 =	simm.s32 @!p0 $0x100;
	s25 =	sadd.s32 @!p0 s25, s9;
	[tilespmem:$0x4130] =	vst v4  }
0x104: {  	[tilespmem:s28], [sflag:$0x1] =	stream.linear.gather @!p0 [hbm4b:s25+s26], $0x2000, $0x38;
	[tilespmem:$0xB500] =	vst v63  }
0x105: {  	v6 =	vld [tilespmem:$0x4110]  }
0x106: {  	v7 =	vld [tilespmem:$0x4100]  }
0x107: {  	v5 =	vld [tilespmem:$0x4120]  }
0x108: {  	v4 =	vld [tilespmem:$0x4130];
	_ =	sdelay $0x2  }
0x109: {  	v8 =	vmin.f32 v7, v6  }
0x10a: {  	v8 =	vmin.f32 v8, v5  }
0x10b: {  	v8 =	vmin.f32 v8, v4  }
0x10c: {  	(xrf0) =	vmin.scan.msk.f32 $0xffff, v8;
	_ =	sdelay $0x2  }
0x10d: {  	v9 =	vld [tilespmem:$0x4300];
	_ =	sdelay $0x2  }
0x10e: {  	v8 =	vld [tilespmem:$0x4310];
	v10, _, _ =	vpop (xrf0)  }
0x10f: {  	v10 =	vbroadcast v10, $0xF  }
0x110: {  	v11 =	vld [tilespmem:$0x4320];
	vm0 =	vlt.s32 v9, $0x2000  }
0x111: {  	v12 =	vnsel vm0, $0x2000, v9;
	vm1 =	veq.f32 v7, v10  }
0x112: {  	v13 =	vld [tilespmem:$0x4330];
	v12 =	vnsel vm1, $0x2000, v12  }
0x113: {  	vm2 =	vlt.s32 v12, v8  }
0x114: {  	vm0 =	veq.f32 v5, v10;
	vm3 =	veq.f32 v6, v10;
	v8 =	vsel vm2, v12, v8  }
0x115: {  	v11 =	vnsel vm0, $0x2000, v11;
	v8 =	vsel vm3, v8, v12  }
0x116: {  	vm2 =	veq.f32 v4, v10;
	vm4 =	vlt.s32 v8, v11  }
0x117: {  	v10 =	vnsel vm2, $0x2000, v13;
	v8 =	vsel vm4, v8, v11  }
0x118: {  	vm4 =	vlt.s32 v8, v10  }
0x119: {  	v8 =	vsel vm4, v8, v10  }
0x11a: {  	v8 =	vxor.u32 $0x80000000, v8  }
0x11b: {  	(xrf0) =	vmin.scan.msk.u32 $0xffff, v8;
	_ =	sdelay $0x5  }
0x11c: {  	v8, _, _ =	vpop (xrf0)  }
0x11d: {  	(v2sf) =	vpush v8, $0xF;
	_ =	sdelay $0xa  }
0x11e: {  	v11 =	vld [tilespmem:$0x4320]  }
0x11f: {  	v10 =	vld [tilespmem:$0x4310]  }
0x120: {  	v62 =	vld [tilespmem:$0x4330]  }
0x121: {  	s30 =	simm.s32 $0x0  }
0x122: {  	v63 =	vmov s30;
	s29 =	spop (v2sf)  }
0x123: {  	vm4 =	veq.s32 v63, v0;
	v8 =	vimm.s32 $0x0;
	s31 =	sxor.u32 $0x80000000, s29  }
0x124: {  	vm7 =	veq.s32 v10, s31;
	vm5 =	veq.s32 v11, s31;
	vm6 =	veq.s32 v9, s31  }
0x125: {  	s25 =	simm.s32 $0x1;
	s26 =	simm.s32 $0xFFFFFFF0;
	s28 =	sadd.s32 s10, s31;
	v9 =	vimm.s32 $0x0;
	vm7 =	vmand vm3, vm7;
	vm3 =	veq.s32 v62, s31  }
.LBB2_5:
0x126: {  	p1 =	sne.s32 s25, $0x1F;
	vm1 =	vmand vm1, vm6;
	v6 =	vsel vm7, $0x7F800000, v6;
	v10 =	vmov s26;
	s26 =	smov.u32 s25;
	s25 =	sadd.s32 $0x1, s25  }
0x127: {  	vm0 =	vmand vm0, vm5;
	v7 =	vsel vm1, $0x7F800000, v7;
	[tilespmem:$0x4110] =	vst v6;
	vm1 =	vmand vm2, vm3  }
0x128: {  	v8 =	vsel vm4, s28, v8;
	v5 =	vsel vm0, $0x7F800000, v5;
	vm0 =	veq.s32 v10, v0;
	v6 =	vld [tilespmem:$0x4110];
	[tilespmem:$0x4100] =	vst v7  }
0x129: {  	v4 =	vsel vm1, $0x7F800000, v4;
	v9 =	vsel vm0, s28, v9;
	v7 =	vld [tilespmem:$0x4100];
	[tilespmem:$0x4120] =	vst v5  }
0x12a: {  	v5 =	vld [tilespmem:$0x4120];
	[tilespmem:$0x4130] =	vst v4  }
0x12b: {  	v4 =	vld [tilespmem:$0x4130];
	_ =	sdelay $0x2  }
0x12c: {  	v10 =	vmin.f32 v7, v6  }
0x12d: {  	v10 =	vmin.f32 v10, v5  }
0x12e: {  	v10 =	vmin.f32 v10, v4  }
0x12f: {  	(xrf0) =	vmin.scan.msk.f32 $0xffff, v10;
	_ =	sdelay $0x2  }
0x130: {  	v10 =	vld [tilespmem:$0x4300];
	_ =	sdelay $0x2  }
0x131: {  	v11 =	vld [tilespmem:$0x4310];
	v12, _, _ =	vpop (xrf0)  }
0x132: {  	v12 =	vbroadcast v12, $0xF  }
0x133: {  	vm0 =	vlt.s32 v10, $0x2000;
	v13 =	vld [tilespmem:$0x4320]  }
0x134: {  	vm1 =	veq.f32 v7, v12;
	v14 =	vnsel vm0, $0x2000, v10;
	vm0 =	veq.f32 v5, v12  }
0x135: {  	v14 =	vnsel vm1, $0x2000, v14;
	v15 =	vld [tilespmem:$0x4330]  }
0x136: {  	vm2 =	vlt.s32 v14, v11  }
0x137: {  	vm3 =	veq.f32 v6, v12;
	v11 =	vsel vm2, v14, v11  }
0x138: {  	v11 =	vsel vm3, v11, v14;
	v13 =	vnsel vm0, $0x2000, v13  }
0x139: {  	vm2 =	veq.f32 v4, v12;
	vm4 =	vlt.s32 v11, v13  }
0x13a: {  	v11 =	vsel vm4, v11, v13;
	v12 =	vnsel vm2, $0x2000, v15  }
0x13b: {  	vm4 =	vlt.s32 v11, v12  }
0x13c: {  	v11 =	vsel vm4, v11, v12  }
0x13d: {  	v11 =	vxor.u32 $0x80000000, v11  }
0x13e: {  	(xrf0) =	vmin.scan.msk.u32 $0xffff, v11;
	_ =	sdelay $0x5  }
0x13f: {  	v11, _, _ =	vpop (xrf0)  }
0x140: {  	(v2sf) =	vpush v11, $0xF;
	_ =	sdelay $0x9  }
0x141: {  	v11 =	vld [tilespmem:$0x4330]  }
0x142: {  	v12 =	vld [tilespmem:$0x4320]  }
0x143: {  	v13 =	vld [tilespmem:$0x4310];
	_ =	sdelay $0x1  }
.Ltmp1:
0x144: {  	(pc) =	sbr.rel @p1 .LBB2_5-.Ltmp1, $4  }
0x145: {  	s28 =	spop (v2sf)  }
0x146: {  	v14 =	vmov s26;
	s29 =	sxor.u32 $0x80000000, s28  }
0x147: {  	vm4 =	veq.s32 v14, v0;
	vm7 =	veq.s32 v13, s29;
	vm5 =	veq.s32 v12, s29;
	s28 =	sadd.s32 s10, s29  }
0x148: {  	s26 =	sadd.s32 $0xFFFFFFF0, s26;
	vm6 =	veq.s32 v10, s29;
	vm7 =	vmand vm3, vm7;
	vm3 =	veq.s32 v11, s29  }
0x149: {  	vm1 =	vmand vm1, vm6;
	v6 =	vsel vm7, $0x7F800000, v6  }
0x14a: {  	vm0 =	vmand vm0, vm5;
	v7 =	vsel vm1, $0x7F800000, v7;
	[tilespmem:$0x4110] =	vst v6  }
0x14b: {  	vm6 =	vmand vm2, vm3;
	v5 =	vsel vm0, $0x7F800000, v5;
	[tilespmem:$0x4100] =	vst v7  }
0x14c: {  	s25 =	sshll.u32 s23, $0x6;
	v6 =	vmov s26;
	v4 =	vsel vm6, $0x7F800000, v4;
	[tilespmem:$0x4120] =	vst v5  }
0x14d: {  	s24 =	sor.u32 $0x1, s24;
	s25 =	sand.u32 $0x3FFFFFC0, s25;
	v5 =	vsel vm4, s28, v8;
	vm7 =	veq.s32 v6, v0;
	[tilespmem:$0x4130] =	vst v4  }
0x14e: {  	v4 =	vsel vm7, s28, v9;
	[tilespmem:s25+$0x4500] =	vst v5;
	v5 =	vmov s24  }
0x14f: {  	[tilespmem:s25+$0x4510] =	vst v4  }
0x150: {  	_ =	swait.ge [sflag:s18], $0x2000  }
0x151: {  	[sflag:s18] =	ssyncset.done $0x0  }
0x152: {  	s31 =	simm.s32 $0x0;
	[sflag:s18] =	ssyncadd.s32 $0xFFFFE000  }
0x153: {  	s25 =	simm.s32 $0x2140;
	v4 =	vld.idx.msk [tilespmem:v5+s31+$0x0], $0xffff  }
0x154: {  	v5 =	vld [tilespmem:s25+$0xFFFFFFC0];
	_ =	sdelay $0x3  }
0x155: {  	s28 =	simm.s32 $0x0  }
0x156: {  	vm8 =	vle.f32 v5, v4;
	v5 =	vor.u32 s28, v0  }
0x157: {  	[tilespmem:s31+$0x4300] =	vst.msk vm8, v5;
	v5 =	vmpcnt.ones.xlane vm8  }
0x158: {  	v6 =	vld [tilespmem:s25+$0xFFFFFFD0]  }
0x159: {  	(v2sf) =	vpush v5, $0x0;
	_ =	sdelay $0x3  }
0x15a: {  	vm9 =	vle.f32 v6, v4  }
0x15b: {  	v5 =	vmpcnt.ones.xlane vm9;
	_ =	sdelay $0x1  }
0x15c: {  	(v2sf) =	vpush v5, $0x0;
	_ =	sdelay $0x7  }
0x15d: {  	s31 =	spop (v2sf)  }
0x15e: {  	s26 =	sadd.s32 $0x0, s31  }
0x15f: {  	s28 =	simm.s32 $0x10;
	p1 =	slt.s32 s26, $0x1F0  }
0x160: {  	v5 =	vor.u32 s28, v0;
	s26 =	simm.s32 @!p1 $0x1F0  }
0x161: {  	[tilespmem:s26+$0x4300] =	vst.msk vm9, v5  }
0x162: {  	v5 =	vld [tilespmem:s25+$0xFFFFFFE0];
	_ =	sdelay $0x1  }
0x163: {  	s28 =	spop (v2sf)  }
0x164: {  	s26 =	sadd.s32 s26, s28  }
0x165: {  	s28 =	simm.s32 $0x20;
	p1 =	slt.s32 s26, $0x1F0  }
0x166: {  	s26 =	simm.s32 @!p1 $0x1F0;
	vm10 =	vle.f32 v5, v4;
	v5 =	vor.u32 s28, v0  }
0x167: {  	[tilespmem:s26+$0x4300] =	vst.msk vm10, v5;
	v5 =	vmpcnt.ones.xlane vm10  }
0x168: {  	v6 =	vld [tilespmem:s25+$0xFFFFFFF0]  }
0x169: {  	(v2sf) =	vpush v5, $0x0;
	_ =	sdelay $0x3  }
0x16a: {  	vm11 =	vle.f32 v6, v4  }
0x16b: {  	v5 =	vmpcnt.ones.xlane vm11;
	_ =	sdelay $0x1  }
0x16c: {  	(v2sf) =	vpush v5, $0x0;
	_ =	sdelay $0x7  }
0x16d: {  	s28 =	spop (v2sf)  }
0x16e: {  	s26 =	sadd.s32 s26, s28  }
0x16f: {  	s28 =	simm.s32 $0x30;
	p1 =	slt.s32 s26, $0x1F0  }
0x170: {  	v5 =	vor.u32 s28, v0;
	s26 =	simm.s32 @!p1 $0x1F0  }
0x171: {  	[tilespmem:s26+$0x4300] =	vst.msk vm11, v5  }
0x172: {  	v5 =	vld [tilespmem:s25+$0x0];
	_ =	sdelay $0x1  }
0x173: {  	s28 =	spop (v2sf)  }
0x174: {  	s26 =	sadd.s32 s26, s28  }
0x175: {  	s28 =	simm.s32 $0x40;
	p1 =	slt.s32 s26, $0x1F0  }
0x176: {  	s26 =	simm.s32 @!p1 $0x1F0;
	vm12 =	vle.f32 v5, v4;
	v5 =	vor.u32 s28, v0  }
0x177: {  	[tilespmem:s26+$0x4300] =	vst.msk vm12, v5;
	v5 =	vmpcnt.ones.xlane vm12  }
0x178: {  	v6 =	vld [tilespmem:s25+$0x10]  }
0x179: {  	(v2sf) =	vpush v5, $0x0;
	_ =	sdelay $0x3  }
0x17a: {  	vm13 =	vle.f32 v6, v4  }
0x17b: {  	v5 =	vmpcnt.ones.xlane vm13;
	_ =	sdelay $0x1  }
0x17c: {  	(v2sf) =	vpush v5, $0x0;
	_ =	sdelay $0x7  }
0x17d: {  	s28 =	spop (v2sf)  }
0x17e: {  	s26 =	sadd.s32 s26, s28  }
0x17f: {  	s28 =	simm.s32 $0x50;
	p1 =	slt.s32 s26, $0x1F0  }
0x180: {  	v5 =	vor.u32 s28, v0;
	s26 =	simm.s32 @!p1 $0x1F0  }
0x181: {  	[tilespmem:s26+$0x4300] =	vst.msk vm13, v5  }
0x182: {  	v5 =	vld [tilespmem:s25+$0x20];
	_ =	sdelay $0x1  }
0x183: {  	s28 =	spop (v2sf)  }
0x184: {  	s26 =	sadd.s32 s26, s28  }
0x185: {  	s28 =	simm.s32 $0x60;
	p1 =	slt.s32 s26, $0x1F0  }
0x186: {  	s26 =	simm.s32 @!p1 $0x1F0;
	vm14 =	vle.f32 v5, v4;
	v5 =	vor.u32 s28, v0  }
0x187: {  	[tilespmem:s26+$0x4300] =	vst.msk vm14, v5  }
0x188: {  	v6 =	vmpcnt.ones.xlane vm14;
	v5 =	vld [tilespmem:s25+$0x30];
	_ =	sdelay $0x1  }
0x189: {  	(v2sf) =	vpush v6, $0x0;
	_ =	sdelay $0x2  }
0x18a: {  	vm15 =	vle.f32 v5, v4  }
0x18b: {  	v5 =	vmpcnt.ones.xlane vm15;
	_ =	sdelay $0x1  }
0x18c: {  	(v2sf) =	vpush v5, $0x0;
	_ =	sdelay $0x8  }
0x18d: {  	s31 =	spop (v2sf)  }
0x18e: {  	s28 =	sadd.s32 s26, s31  }
0x18f: {  	s31 =	simm.s32 $0x70;
	p1 =	slt.s32 s28, $0x1F0  }
0x190: {  	v5 =	vor.u32 s31, v0;
	s28 =	simm.s32 @!p1 $0x1F0  }
0x191: {  	s26 =	simm.s32 $0x21C0;
	[tilespmem:s28+$0x4300] =	vst.msk vm15, v5  }
0x192: {  	v5 =	vld [tilespmem:s26+$0xFFFFFFC0]  }
0x193: {  	s29 =	spop (v2sf)  }
0x194: {  	s25 =	simm.s32 $0xF0;
	s30 =	sadd.s32 s28, s29  }
0x195: {  	s28 =	simm.s32 $0x170;
	s29 =	simm.s32 $0x80;
	p2 =	slt.s32 s30, $0x1F0  }
.LBB2_7:
0x196: {  	p1 =	sne.s32 s28, $0x1FF0  }
0x197: {  	vm0 =	vle.f32 v5, v4;
	v5 =	vor.u32 s29, v0;
	s30 =	simm.s32 @!p2 $0x1F0;
	s29 =	smov.u32 s28;
	s28 =	sadd.s32 $0x80, s28  }
0x198: {  	[tilespmem:s30+$0x4300] =	vst.msk vm0, v5;
	v5 =	vmpcnt.ones.xlane vm0  }
0x199: {  	v6 =	vld [tilespmem:s26+$0xFFFFFFD0]  }
0x19a: {  	(v2sf) =	vpush v5, $0x0;
	_ =	sdelay $0x3  }
0x19b: {  	vm0 =	vle.f32 v6, v4  }
0x19c: {  	v5 =	vmpcnt.ones.xlane vm0;
	_ =	sdelay $0x1  }
0x19d: {  	(v2sf) =	vpush v5, $0x0;
	_ =	sdelay $0x7  }
0x19e: {  	s31 =	spop (v2sf)  }
0x19f: {  	s30 =	sadd.s32 s30, s31  }
0x1a0: {  	s31 =	sadd.s32 $0xFFFFFFA0, s25;
	p2 =	slt.s32 s30, $0x1F0  }
0x1a1: {  	v5 =	vor.u32 s31, v0;
	s30 =	simm.s32 @!p2 $0x1F0  }
0x1a2: {  	[tilespmem:s30+$0x4300] =	vst.msk vm0, v5  }
0x1a3: {  	v5 =	vld [tilespmem:s26+$0xFFFFFFE0];
	_ =	sdelay $0x1  }
0x1a4: {  	s31 =	spop (v2sf)  }
0x1a5: {  	s30 =	sadd.s32 s30, s31  }
0x1a6: {  	s31 =	sadd.s32 $0xFFFFFFB0, s25;
	p2 =	slt.s32 s30, $0x1F0  }
0x1a7: {  	s30 =	simm.s32 @!p2 $0x1F0;
	vm0 =	vle.f32 v5, v4;
	v5 =	vor.u32 s31, v0  }
0x1a8: {  	[tilespmem:s30+$0x4300] =	vst.msk vm0, v5;
	v5 =	vmpcnt.ones.xlane vm0  }
0x1a9: {  	v6 =	vld [tilespmem:s26+$0xFFFFFFF0]  }
0x1aa: {  	(v2sf) =	vpush v5, $0x0;
	_ =	sdelay $0x3  }
0x1ab: {  	vm0 =	vle.f32 v6, v4  }
0x1ac: {  	v5 =	vmpcnt.ones.xlane vm0;
	_ =	sdelay $0x1  }
0x1ad: {  	(v2sf) =	vpush v5, $0x0;
	_ =	sdelay $0x7  }
0x1ae: {  	s31 =	spop (v2sf)  }
0x1af: {  	s30 =	sadd.s32 s30, s31  }
0x1b0: {  	s31 =	sadd.s32 $0xFFFFFFC0, s25;
	p2 =	slt.s32 s30, $0x1F0  }
0x1b1: {  	v5 =	vor.u32 s31, v0;
	s30 =	simm.s32 @!p2 $0x1F0  }
0x1b2: {  	[tilespmem:s30+$0x4300] =	vst.msk vm0, v5  }
0x1b3: {  	v5 =	vld [tilespmem:s26+$0x0];
	_ =	sdelay $0x1  }
0x1b4: {  	s31 =	spop (v2sf)  }
0x1b5: {  	s30 =	sadd.s32 s30, s31  }
0x1b6: {  	s31 =	sadd.s32 $0xFFFFFFD0, s25;
	p2 =	slt.s32 s30, $0x1F0  }
0x1b7: {  	s30 =	simm.s32 @!p2 $0x1F0;
	vm0 =	vle.f32 v5, v4;
	v5 =	vor.u32 s31, v0  }
0x1b8: {  	[tilespmem:s30+$0x4300] =	vst.msk vm0, v5;
	v5 =	vmpcnt.ones.xlane vm0  }
0x1b9: {  	v6 =	vld [tilespmem:s26+$0x10]  }
0x1ba: {  	(v2sf) =	vpush v5, $0x0;
	_ =	sdelay $0x3  }
0x1bb: {  	vm0 =	vle.f32 v6, v4  }
0x1bc: {  	v5 =	vmpcnt.ones.xlane vm0;
	_ =	sdelay $0x1  }
0x1bd: {  	(v2sf) =	vpush v5, $0x0;
	_ =	sdelay $0x7  }
0x1be: {  	s31 =	spop (v2sf)  }
0x1bf: {  	s30 =	sadd.s32 s30, s31  }
0x1c0: {  	s31 =	sadd.s32 $0xFFFFFFE0, s25;
	p2 =	slt.s32 s30, $0x1F0  }
0x1c1: {  	v5 =	vor.u32 s31, v0;
	s30 =	simm.s32 @!p2 $0x1F0  }
0x1c2: {  	[tilespmem:s30+$0x4300] =	vst.msk vm0, v5  }
0x1c3: {  	v5 =	vld [tilespmem:s26+$0x20];
	_ =	sdelay $0x1  }
0x1c4: {  	s31 =	spop (v2sf)  }
0x1c5: {  	s30 =	sadd.s32 s30, s31  }
0x1c6: {  	s31 =	sadd.s32 $0xFFFFFFF0, s25;
	p2 =	slt.s32 s30, $0x1F0  }
0x1c7: {  	s30 =	simm.s32 @!p2 $0x1F0;
	vm0 =	vle.f32 v5, v4;
	v5 =	vor.u32 s31, v0  }
0x1c8: {  	[tilespmem:s30+$0x4300] =	vst.msk vm0, v5;
	v5 =	vmpcnt.ones.xlane vm0  }
0x1c9: {  	v6 =	vld [tilespmem:s26+$0x30]  }
0x1ca: {  	(v2sf) =	vpush v5, $0x0;
	_ =	sdelay $0x3  }
0x1cb: {  	vm0 =	vle.f32 v6, v4  }
0x1cc: {  	v5 =	vmpcnt.ones.xlane vm0;
	_ =	sdelay $0x1  }
0x1cd: {  	(v2sf) =	vpush v5, $0x0;
	_ =	sdelay $0x7  }
0x1ce: {  	s31 =	spop (v2sf)  }
0x1cf: {  	s30 =	sadd.s32 s30, s31  }
0x1d0: {  	p2 =	slt.s32 s30, $0x1F0  }
0x1d1: {  	v5 =	vor.u32 s25, v0;
	s25 =	smov.u32 s29;
	s30 =	simm.s32 @!p2 $0x1F0  }
0x1d2: {  	s26 =	sadd.s32 $0x80, s26;
	[tilespmem:s30+$0x4300] =	vst.msk vm0, v5  }
.Ltmp2:
0x1d3: {  	v5 =	vld [tilespmem:s26+$0xFFFFFFC0];
	(pc) =	sbr.rel @p1 .LBB2_7-.Ltmp2, $4  }
0x1d4: {  	_ = 	snop  }
0x1d5: {  	s29 =	spop (v2sf)  }
0x1d6: {  	s30 =	sadd.s32 s30, s29  }
0x1d7: {  	s29 =	sadd.s32 $0xFFFFFF90, s25;
	p2 =	slt.s32 s30, $0x1F0  }
0x1d8: {  	vm0 =	vle.f32 v5, v4  }
0x1d9: {  	v5 =	vmpcnt.ones.xlane vm0;
	_ =	sdelay $0x1  }
0x1da: {  	(v2sf) =	vpush v5, $0x0;
	_ =	sdelay $0x5  }
0x1db: {  	s30 =	simm.s32 @!p2 $0x1F0;
	v5 =	vor.u32 s29, v0  }
0x1dc: {  	[tilespmem:s30+$0x4300] =	vst.msk vm0, v5  }
0x1dd: {  	v5 =	vld [tilespmem:s26+$0xFFFFFFD0];
	_ =	sdelay $0x4  }
0x1de: {  	vm0 =	vle.f32 v5, v4  }
0x1df: {  	v5 =	vmpcnt.ones.xlane vm0  }
0x1e0: {  	s28 =	spop (v2sf)  }
0x1e1: {  	(v2sf) =	vpush v5, $0x0;
	s28 =	sadd.s32 s30, s28  }
0x1e2: {  	s31 =	sadd.s32 $0xFFFFFFA0, s25;
	p1 =	slt.s32 s28, $0x1F0  }
0x1e3: {  	v5 =	vor.u32 s31, v0;
	s28 =	simm.s32 @!p1 $0x1F0  }
0x1e4: {  	[tilespmem:s28+$0x4300] =	vst.msk vm0, v5  }
0x1e5: {  	v5 =	vld [tilespmem:s26+$0xFFFFFFE0];
	_ =	sdelay $0x4  }
0x1e6: {  	vm0 =	vle.f32 v5, v4  }
0x1e7: {  	v5 =	vmpcnt.ones.xlane vm0;
	_ =	sdelay $0x1  }
0x1e8: {  	(v2sf) =	vpush v5, $0x0;
	_ =	sdelay $0x2  }
0x1e9: {  	s30 =	spop (v2sf)  }
0x1ea: {  	s28 =	sadd.s32 s28, s30  }
0x1eb: {  	s31 =	sadd.s32 $0xFFFFFFB0, s25;
	p1 =	slt.s32 s28, $0x1F0  }
0x1ec: {  	v5 =	vor.u32 s31, v0;
	s28 =	simm.s32 @!p1 $0x1F0  }
0x1ed: {  	[tilespmem:s28+$0x4300] =	vst.msk vm0, v5  }
0x1ee: {  	v5 =	vld [tilespmem:s26+$0xFFFFFFF0];
	_ =	sdelay $0x4  }
0x1ef: {  	vm0 =	vle.f32 v5, v4  }
0x1f0: {  	v5 =	vmpcnt.ones.xlane vm0  }
0x1f1: {  	s30 =	spop (v2sf)  }
0x1f2: {  	(v2sf) =	vpush v5, $0x0;
	s28 =	sadd.s32 s28, s30  }
0x1f3: {  	s31 =	sadd.s32 $0xFFFFFFC0, s25;
	p1 =	slt.s32 s28, $0x1F0  }
0x1f4: {  	v5 =	vor.u32 s31, v0;
	s28 =	simm.s32 @!p1 $0x1F0  }
0x1f5: {  	[tilespmem:s28+$0x4300] =	vst.msk vm0, v5  }
0x1f6: {  	v5 =	vld [tilespmem:s26+$0x0];
	_ =	sdelay $0x4  }
0x1f7: {  	vm0 =	vle.f32 v5, v4  }
0x1f8: {  	v5 =	vmpcnt.ones.xlane vm0;
	_ =	sdelay $0x1  }
0x1f9: {  	(v2sf) =	vpush v5, $0x0;
	_ =	sdelay $0x2  }
0x1fa: {  	s30 =	spop (v2sf)  }
0x1fb: {  	s28 =	sadd.s32 s28, s30  }
0x1fc: {  	s31 =	sadd.s32 $0xFFFFFFD0, s25;
	p1 =	slt.s32 s28, $0x1F0  }
0x1fd: {  	v5 =	vor.u32 s31, v0;
	s28 =	simm.s32 @!p1 $0x1F0  }
0x1fe: {  	[tilespmem:s28+$0x4300] =	vst.msk vm0, v5  }
0x1ff: {  	v5 =	vld [tilespmem:s26+$0x10];
	_ =	sdelay $0x4  }
0x200: {  	vm0 =	vle.f32 v5, v4  }
0x201: {  	v5 =	vmpcnt.ones.xlane vm0  }
0x202: {  	s30 =	spop (v2sf)  }
0x203: {  	(v2sf) =	vpush v5, $0x0;
	s28 =	sadd.s32 s28, s30  }
0x204: {  	s31 =	sadd.s32 $0xFFFFFFE0, s25;
	p1 =	slt.s32 s28, $0x1F0  }
0x205: {  	v5 =	vor.u32 s31, v0;
	s28 =	simm.s32 @!p1 $0x1F0  }
0x206: {  	[tilespmem:s28+$0x4300] =	vst.msk vm0, v5  }
0x207: {  	v5 =	vld [tilespmem:s26+$0x20];
	_ =	sdelay $0x4  }
0x208: {  	vm0 =	vle.f32 v5, v4  }
0x209: {  	v5 =	vmpcnt.ones.xlane vm0;
	_ =	sdelay $0x1  }
0x20a: {  	(v2sf) =	vpush v5, $0x0;
	_ =	sdelay $0x2  }
0x20b: {  	s30 =	spop (v2sf)  }
0x20c: {  	s28 =	sadd.s32 s28, s30  }
0x20d: {  	s31 =	sadd.s32 $0xFFFFFFF0, s25;
	p1 =	slt.s32 s28, $0x1F0  }
0x20e: {  	v5 =	vor.u32 s31, v0;
	s28 =	simm.s32 @!p1 $0x1F0  }
0x20f: {  	[tilespmem:s28+$0x4300] =	vst.msk vm0, v5  }
0x210: {  	v5 =	vld [tilespmem:s26+$0x30];
	_ =	sdelay $0x4  }
0x211: {  	vm0 =	vle.f32 v5, v4  }
0x212: {  	v4 =	vmpcnt.ones.xlane vm0  }
0x213: {  	s30 =	spop (v2sf)  }
0x214: {  	(v2sf) =	vpush v4, $0x0;
	s26 =	sadd.s32 s28, s30  }
0x215: {  	p1 =	slt.s32 s26, $0x1F0  }
0x216: {  	v4 =	vor.u32 s25, v0;
	s26 =	simm.s32 @!p1 $0x1F0  }
0x217: {  	[tilespmem:s26+$0x4300] =	vst.msk vm0, v4  }
0x218: {  	v4 =	vld [tilespmem:$0x4300];
	_ =	sdelay $0x4  }
0x219: {  	vm0 =	vgt.s32 v4, $0x0  }
0x21a: {  	v4 =	vnsel vm0, $0x0, v4  }
0x21b: {  	v5 =	vld [tilespmem:$0x4310];
	v4 =	vmin.u32 v4, $0x1FFF;
	_ =	sdelay $0x3  }
0x21c: {  	s31 =	spop (v2sf)  }
0x21d: {  	vm0 =	vgt.s32 v5, $0x0;
	s25 =	sadd.s32 s26, s31;
	v4 =	vld.idx.msk [tilespmem:v4+s16+$0x0], $0xffff  }
0x21e: {  	v5 =	vnsel vm0, $0x0, v5;
	p1 =	slt.s32 s25, $0x1F0  }
0x21f: {  	v6 =	vld [tilespmem:$0x4320];
	v5 =	vmin.u32 v5, $0x1FFF;
	s25 =	simm.s32 @!p1 $0x1F0  }
0x220: {  	v7 =	vmov s25  }
0x221: {  	vm0 =	vgt.s32 v7, v0  }
0x222: {  	v4 =	vnsel vm0, $0x7F800000, v4  }
0x223: {  	[tilespmem:$0x4100] =	vst v4  }
0x224: {  	vm0 =	vgt.s32 v6, $0x0;
	v4 =	vld.idx.msk [tilespmem:v5+s16+$0x0], $0xffff  }
0x225: {  	v5 =	vnsel vm0, $0x0, v6  }
0x226: {  	v6 =	vld [tilespmem:$0x4330];
	v5 =	vmin.u32 v5, $0x1FFF;
	_ =	sdelay $0x1  }
0x227: {  	vm0 =	vgt.s32 v7, v1  }
0x228: {  	v4 =	vnsel vm0, $0x7F800000, v4  }
0x229: {  	[tilespmem:$0x4110] =	vst v4  }
0x22a: {  	vm0 =	vgt.s32 v6, $0x0;
	v4 =	vld.idx.msk [tilespmem:v5+s16+$0x0], $0xffff  }
0x22b: {  	v5 =	vnsel vm0, $0x0, v6  }
0x22c: {  	v5 =	vmin.u32 v5, $0x1FFF;
	_ =	sdelay $0x1  }
0x22d: {  	vm0 =	vgt.s32 v7, v2  }
0x22e: {  	v4 =	vnsel vm0, $0x7F800000, v4  }
0x22f: {  	[tilespmem:$0x4120] =	vst v4  }
0x230: {  	v4 =	vld.idx.msk [tilespmem:v5+s16+$0x0], $0xffff;
	_ =	sdelay $0x3  }
0x231: {  	s25 =	sadd.s32 @!p0 s4, s24;
	vm0 =	vgt.s32 v7, v3  }
0x232: {  	s25 =	sshll.u32 @!p0 s25, $0xA;
	v4 =	vnsel vm0, $0x7F800000, v4  }
0x233: {  	s28 =	simm.s32 @!p0 $0x2100;
	s26 =	simm.s32 @!p0 $0x0;
	s25 =	sadd.s32 @!p0 s25, s9;
	[tilespmem:$0x4130] =	vst v4  }
0x234: {  	[tilespmem:s28], [sflag:$0x2] =	stream.linear.gather @!p0 [hbm4b:s25+s26], $0x2000, $0x38;
	[tilespmem:$0xB500] =	vst v63  }
0x235: {  	v6 =	vld [tilespmem:$0x4110]  }
0x236: {  	v7 =	vld [tilespmem:$0x4100]  }
0x237: {  	v5 =	vld [tilespmem:$0x4120]  }
0x238: {  	v4 =	vld [tilespmem:$0x4130];
	_ =	sdelay $0x2  }
0x239: {  	v8 =	vmin.f32 v7, v6  }
0x23a: {  	v8 =	vmin.f32 v8, v5  }
0x23b: {  	v8 =	vmin.f32 v8, v4  }
0x23c: {  	(xrf0) =	vmin.scan.msk.f32 $0xffff, v8;
	_ =	sdelay $0x2  }
0x23d: {  	v9 =	vld [tilespmem:$0x4300];
	_ =	sdelay $0x2  }
0x23e: {  	v8 =	vld [tilespmem:$0x4310];
	v10, _, _ =	vpop (xrf0)  }
0x23f: {  	v10 =	vbroadcast v10, $0xF  }
0x240: {  	v11 =	vld [tilespmem:$0x4320];
	vm0 =	vlt.s32 v9, $0x2000  }
0x241: {  	v12 =	vnsel vm0, $0x2000, v9;
	vm1 =	veq.f32 v7, v10  }
0x242: {  	v13 =	vld [tilespmem:$0x4330];
	v12 =	vnsel vm1, $0x2000, v12  }
0x243: {  	vm2 =	vlt.s32 v12, v8  }
0x244: {  	vm0 =	veq.f32 v5, v10;
	vm3 =	veq.f32 v6, v10;
	v8 =	vsel vm2, v12, v8  }
0x245: {  	v11 =	vnsel vm0, $0x2000, v11;
	v8 =	vsel vm3, v8, v12  }
0x246: {  	vm2 =	veq.f32 v4, v10;
	vm4 =	vlt.s32 v8, v11  }
0x247: {  	v10 =	vnsel vm2, $0x2000, v13;
	v8 =	vsel vm4, v8, v11  }
0x248: {  	vm4 =	vlt.s32 v8, v10  }
0x249: {  	v8 =	vsel vm4, v8, v10  }
0x24a: {  	v8 =	vxor.u32 $0x80000000, v8  }
0x24b: {  	(xrf0) =	vmin.scan.msk.u32 $0xffff, v8;
	_ =	sdelay $0x5  }
0x24c: {  	v8, _, _ =	vpop (xrf0)  }
0x24d: {  	(v2sf) =	vpush v8, $0xF;
	_ =	sdelay $0xa  }
0x24e: {  	v11 =	vld [tilespmem:$0x4320]  }
0x24f: {  	v10 =	vld [tilespmem:$0x4310]  }
0x250: {  	v62 =	vld [tilespmem:$0x4330]  }
0x251: {  	s30 =	simm.s32 $0x0  }
0x252: {  	v63 =	vmov s30;
	s29 =	spop (v2sf)  }
0x253: {  	vm4 =	veq.s32 v63, v0;
	v8 =	vimm.s32 $0x0;
	s31 =	sxor.u32 $0x80000000, s29  }
0x254: {  	vm7 =	veq.s32 v10, s31;
	vm5 =	veq.s32 v11, s31;
	vm6 =	veq.s32 v9, s31  }
0x255: {  	s25 =	simm.s32 $0x1;
	s26 =	simm.s32 $0xFFFFFFF0;
	s28 =	sadd.s32 s10, s31;
	v9 =	vimm.s32 $0x0;
	vm7 =	vmand vm3, vm7;
	vm3 =	veq.s32 v62, s31  }
.LBB2_9:
0x256: {  	p0 =	sne.s32 s25, $0x1F;
	vm1 =	vmand vm1, vm6;
	v6 =	vsel vm7, $0x7F800000, v6;
	v10 =	vmov s26;
	s26 =	smov.u32 s25;
	s25 =	sadd.s32 $0x1, s25  }
0x257: {  	vm0 =	vmand vm0, vm5;
	v7 =	vsel vm1, $0x7F800000, v7;
	[tilespmem:$0x4110] =	vst v6;
	vm1 =	vmand vm2, vm3  }
0x258: {  	v8 =	vsel vm4, s28, v8;
	v5 =	vsel vm0, $0x7F800000, v5;
	vm0 =	veq.s32 v10, v0;
	v6 =	vld [tilespmem:$0x4110];
	[tilespmem:$0x4100] =	vst v7  }
0x259: {  	v4 =	vsel vm1, $0x7F800000, v4;
	v9 =	vsel vm0, s28, v9;
	v7 =	vld [tilespmem:$0x4100];
	[tilespmem:$0x4120] =	vst v5  }
0x25a: {  	v5 =	vld [tilespmem:$0x4120];
	[tilespmem:$0x4130] =	vst v4  }
0x25b: {  	v4 =	vld [tilespmem:$0x4130];
	_ =	sdelay $0x2  }
0x25c: {  	v10 =	vmin.f32 v7, v6  }
0x25d: {  	v10 =	vmin.f32 v10, v5  }
0x25e: {  	v10 =	vmin.f32 v10, v4  }
0x25f: {  	(xrf0) =	vmin.scan.msk.f32 $0xffff, v10;
	_ =	sdelay $0x2  }
0x260: {  	v10 =	vld [tilespmem:$0x4300];
	_ =	sdelay $0x2  }
0x261: {  	v11 =	vld [tilespmem:$0x4310];
	v12, _, _ =	vpop (xrf0)  }
0x262: {  	v12 =	vbroadcast v12, $0xF  }
0x263: {  	vm0 =	vlt.s32 v10, $0x2000;
	v13 =	vld [tilespmem:$0x4320]  }
0x264: {  	vm1 =	veq.f32 v7, v12;
	v14 =	vnsel vm0, $0x2000, v10;
	vm0 =	veq.f32 v5, v12  }
0x265: {  	v14 =	vnsel vm1, $0x2000, v14;
	v15 =	vld [tilespmem:$0x4330]  }
0x266: {  	vm2 =	vlt.s32 v14, v11  }
0x267: {  	vm3 =	veq.f32 v6, v12;
	v11 =	vsel vm2, v14, v11  }
0x268: {  	v11 =	vsel vm3, v11, v14;
	v13 =	vnsel vm0, $0x2000, v13  }
0x269: {  	vm2 =	veq.f32 v4, v12;
	vm4 =	vlt.s32 v11, v13  }
0x26a: {  	v11 =	vsel vm4, v11, v13;
	v12 =	vnsel vm2, $0x2000, v15  }
0x26b: {  	vm4 =	vlt.s32 v11, v12  }
0x26c: {  	v11 =	vsel vm4, v11, v12  }
0x26d: {  	v11 =	vxor.u32 $0x80000000, v11  }
0x26e: {  	(xrf0) =	vmin.scan.msk.u32 $0xffff, v11;
	_ =	sdelay $0x5  }
0x26f: {  	v11, _, _ =	vpop (xrf0)  }
0x270: {  	(v2sf) =	vpush v11, $0xF;
	_ =	sdelay $0x9  }
0x271: {  	v11 =	vld [tilespmem:$0x4330]  }
0x272: {  	v12 =	vld [tilespmem:$0x4320]  }
0x273: {  	v13 =	vld [tilespmem:$0x4310];
	_ =	sdelay $0x1  }
.Ltmp3:
0x274: {  	(pc) =	sbr.rel @p0 .LBB2_9-.Ltmp3, $4  }
0x275: {  	s28 =	spop (v2sf)  }
0x276: {  	v14 =	vmov s26;
	s29 =	sxor.u32 $0x80000000, s28  }
0x277: {  	vm4 =	veq.s32 v14, v0;
	vm7 =	veq.s32 v13, s29;
	vm5 =	veq.s32 v12, s29;
	s28 =	sadd.s32 s10, s29  }
0x278: {  	s26 =	sadd.s32 $0xFFFFFFF0, s26;
	vm6 =	veq.s32 v10, s29;
	vm7 =	vmand vm3, vm7;
	vm3 =	veq.s32 v11, s29  }
0x279: {  	vm1 =	vmand vm1, vm6;
	v6 =	vsel vm7, $0x7F800000, v6;
	s23 =	sadd.s32 $0x1, s23  }
0x27a: {  	vm0 =	vmand vm0, vm5;
	v7 =	vsel vm1, $0x7F800000, v7;
	[tilespmem:$0x4110] =	vst v6;
	p0 =	sne.s32 s23, $0x80  }
.Ltmp4:
0x27b: {  	vm14 =	vmand vm2, vm3;
	v5 =	vsel vm0, $0x7F800000, v5;
	[tilespmem:$0x4100] =	vst v7;
	(pc) =	sbr.rel @p0 .LBB2_2-.Ltmp4, $4  }
0x27c: {  	v63 =	vmov s26;
	s24 =	sshll.u32 s24, $0x5;
	v4 =	vsel vm14, $0x7F800000, v4;
	[tilespmem:$0x4120] =	vst v5  }
0x27d: {  	vm15 =	veq.s32 v63, v0;
	s24 =	sand.u32 $0x3FFFFFE0, s24;
	v5 =	vsel vm4, s28, v8;
	[tilespmem:$0x4130] =	vst v4  }
0x27e: {  	v4 =	vsel vm15, s28, v9;
	[tilespmem:s24+$0x4500] =	vst v5  }
0x27f: {  	[tilespmem:s24+$0x4510] =	vst v4  }
0x280: {  	s23 =	simm.s32 $0x0;
	s24 =	simm.s32 $0xA500  }
.LBB2_12:
0x281: {  	s25 =	sshll.u32 s23, $0xA  }
0x282: {  	s25 =	sand.u32 $0x3FFFFC00, s25  }
0x283: {  	s25 =	sadd.s32 $0x4500, s25  }
0x284: {  	[tilespmem:s20], [sflag:$0x3] =	stream.indirect.gather [hbm4b:s3+s19], $0x10, s25, s19, $0xb8;
	[tilespmem:$0xB500] =	vst v63  }
0x285: {  	_ =	swait.ge [sflag:s21], $0x4000  }
0x286: {  	[sflag:s21] =	ssyncset.done $0x0  }
0x287: {  	s25 =	simm.s32 $0x6600;
	[sflag:s21] =	ssyncadd.s32 $0xFFFFC000  }
0x288: {  	v5 =	vld [tilespmem:s25+$0x70]  }
0x289: {  	v4 =	vld [tilespmem:s25+$0xFFFFFFF0]  }
0x28a: {  	v15 =	vld [tilespmem:s25+$0x90]  }
0x28b: {  	v22 =	vld [tilespmem:s25+$0xF0]  }
0x28c: {  	v11 =	vld [tilespmem:s25+$0x60]  }
0x28d: {  	v16 =	vld [tilespmem:s25+$0xA0]  }
0x28e: {  	v18 =	vld [tilespmem:s25+$0xB0]  }
0x28f: {  	v27 =	vld [tilespmem:s25+$0xD0]  }
0x290: {  	v19 =	vld [tilespmem:s25+$0xFFFFFF00]  }
0x291: {  	v6 =	vld [tilespmem:s25+$0x50]  }
0x292: {  	v10 =	vld [tilespmem:s25+$0xFFFFFF80]  }
0x293: {  	v8 =	vmov s24;
	v13 =	vld [tilespmem:s25+$0x80]  }
0x294: {  	v20 =	vld [tilespmem:s25+$0xE0]  }
0x295: {  	v17 =	vld [tilespmem:s25+$0xFFFFFF70]  }
0x296: {  	v9 =	vld [tilespmem:s25+$0x40]  }
0x297: {  	s26 =	simm.s32 $0x0;
	v14 =	vld [tilespmem:s25+$0xFFFFFFC0]  }
0x298: {  	v7 =	vld.idx.msk [tilespmem:v8+s26+$0x0 ss:$0x1], $0xffff  }
0x299: {  	v12 =	vld [tilespmem:s25+$0xFFFFFFE0]  }
0x29a: {  	v24 =	vld [tilespmem:s25+$0xFFFFFF20]  }
0x29b: {  	v25 =	vld [tilespmem:s25+$0xFFFFFF10]  }
0x29c: {  	v21 =	vld [tilespmem:s25+$0xFFFFFF30]  }
0x29d: {  	v23 =	vld [tilespmem:s25+$0xC0]  }
0x29e: {  	v26 =	vadd.f32 v19, v7;
	v19 =	vld [tilespmem:s25+$0xFFFFFF40];
	v28 =	vadd.f32 v22, v7  }
0x29f: {  	s28 =	simm.s32 $0x40;
	s29 =	simm.s32 $0x6600;
	s26 =	sshll.u32 s23, $0xB;
	v22 =	vadd.f32 v24, v7;
	v24 =	vld [tilespmem:s25+$0xFFFFFF60];
	v27 =	vadd.f32 v27, v7  }
.LBB2_13:
0x2a0: {  	p0 =	sne.s32 s28, $0x7C0  }
0x2a1: {  	v25 =	vadd.f32 v25, v7;
	v29 =	vld [tilespmem:s25+$0xFFFFFFD0];
	v18 =	vadd.f32 v18, v7;
	[tilespmem:s25+$0xF0] =	vst v28;
	s29 =	sadd.s32 $0x200, s29;
	s30 =	smov.u32 s28;
	s28 =	sadd.s32 $0x40, s28  }
0x2a2: {  	v20 =	vadd.f32 v20, v7;
	[tilespmem:s25+$0xFFFFFF00] =	vst v26;
	v21 =	vadd.f32 v21, v7;
	v26 =	vld [tilespmem:s25+$0xFFFFFFA0]  }
0x2a3: {  	v15 =	vadd.f32 v15, v7;
	v28 =	vld [tilespmem:s25+$0xFFFFFF50];
	v23 =	vadd.f32 v23, v7;
	[tilespmem:s25+$0xD0] =	vst v27  }
0x2a4: {  	v16 =	vadd.f32 v16, v7;
	v19 =	vadd.f32 v19, v7;
	v27 =	vld [tilespmem:s25+$0xFFFFFF90];
	[tilespmem:s25+$0xB0] =	vst v18  }
0x2a5: {  	v17 =	vadd.f32 v17, v7;
	v18 =	vadd.f32 v24, v7;
	v24 =	vld [tilespmem:s25+$0x0];
	[tilespmem:s25+$0x90] =	vst v15  }
0x2a6: {  	v10 =	vadd.f32 v10, v7;
	v5 =	vadd.f32 v5, v7;
	v15 =	vld [tilespmem:s25+$0x20];
	[tilespmem:s25+$0xE0] =	vst v20  }
0x2a7: {  	v11 =	vadd.f32 v11, v7;
	v26 =	vadd.f32 v26, v7;
	v20 =	vld [tilespmem:s25+$0x10];
	[tilespmem:s25+$0xA0] =	vst v16  }
0x2a8: {  	v13 =	vadd.f32 v13, v7;
	[tilespmem:s25+$0xFFFFFF20] =	vst v22;
	v22 =	vadd.f32 v28, v7;
	v16 =	vld [tilespmem:s25+$0x30]  }
0x2a9: {  	v14 =	vadd.f32 v14, v7;
	v27 =	vadd.f32 v27, v7;
	v28 =	vld [tilespmem:s25+$0xFFFFFFB0];
	[tilespmem:s25+$0x70] =	vst v5  }
0x2aa: {  	v12 =	vadd.f32 v12, v7;
	v29 =	vadd.f32 v29, v7;
	v5 =	vld [tilespmem:s29+$0x70];
	[tilespmem:s25+$0x60] =	vst v11  }
0x2ab: {  	v24 =	vadd.f32 v24, v7;
	[tilespmem:s25+$0xFFFFFF70] =	vst v17;
	v17 =	vadd.f32 v4, v7  }
0x2ac: {  	v31 =	vadd.f32 v15, v7;
	v30 =	vadd.f32 v20, v7;
	[tilespmem:s25+$0x80] =	vst v13  }
0x2ad: {  	v9 =	vadd.f32 v9, v7;
	[tilespmem:s25+$0xFFFFFF10] =	vst v25;
	v13 =	vadd.f32 v16, v7  }
0x2ae: {  	v6 =	vadd.f32 v6, v7;
	v20 =	vadd.f32 v28, v7;
	[tilespmem:s25+$0xC0] =	vst v23  }
0x2af: {  	[tilespmem:s25+$0xFFFFFF60] =	vst v18  }
0x2b0: {  	[tilespmem:s25+$0xFFFFFFC0] =	vst v14  }
0x2b1: {  	[tilespmem:s25+$0xFFFFFF30] =	vst v21  }
0x2b2: {  	v4 =	vld [tilespmem:s29+$0xFFFFFFF0];
	[tilespmem:s25+$0x50] =	vst v6  }
0x2b3: {  	v15 =	vld [tilespmem:s29+$0x90];
	[tilespmem:s25+$0xFFFFFFE0] =	vst v12  }
0x2b4: {  	v28 =	vld [tilespmem:s29+$0xF0];
	[tilespmem:s25+$0xFFFFFF40] =	vst v19  }
0x2b5: {  	v11 =	vld [tilespmem:s29+$0x60];
	[tilespmem:s25+$0x40] =	vst v9  }
0x2b6: {  	v16 =	vld [tilespmem:s29+$0xA0];
	[tilespmem:s25+$0xFFFFFFD0] =	vst v29  }
0x2b7: {  	v18 =	vld [tilespmem:s29+$0xB0];
	[tilespmem:s25+$0x30] =	vst v13  }
0x2b8: {  	v29 =	vld [tilespmem:s29+$0xD0];
	[tilespmem:s25+$0xFFFFFF50] =	vst v22  }
0x2b9: {  	v19 =	vld [tilespmem:s29+$0xFFFFFF00];
	[tilespmem:s25+$0xFFFFFFB0] =	vst v20  }
0x2ba: {  	v6 =	vld [tilespmem:s29+$0x50];
	[tilespmem:s25+$0xFFFFFF80] =	vst v10  }
0x2bb: {  	v10 =	vld [tilespmem:s29+$0xFFFFFF80];
	[tilespmem:s25+$0x0] =	vst v24  }
0x2bc: {  	v13 =	vld [tilespmem:s29+$0x80];
	[tilespmem:s25+$0xFFFFFFF0] =	vst v17  }
0x2bd: {  	v20 =	vld [tilespmem:s29+$0xE0];
	[tilespmem:s25+$0x20] =	vst v31  }
0x2be: {  	v17 =	vld [tilespmem:s29+$0xFFFFFF70];
	[tilespmem:s25+$0xFFFFFFA0] =	vst v26  }
0x2bf: {  	v9 =	vld [tilespmem:s29+$0x40];
	[tilespmem:s25+$0xFFFFFF90] =	vst v27  }
0x2c0: {  	s30 =	sshra.s32 s30, $0x2;
	v14 =	vld [tilespmem:s29+$0xFFFFFFC0];
	[tilespmem:s25+$0x10] =	vst v30;
	s25 =	smov.u32 s29  }
0x2c1: {  	v7 =	vld.idx.msk [tilespmem:v8+s30+$0x0 ss:$0x1], $0xffff  }
0x2c2: {  	v12 =	vld [tilespmem:s29+$0xFFFFFFE0]  }
0x2c3: {  	v22 =	vld [tilespmem:s29+$0xFFFFFF20]  }
.Ltmp5:
0x2c4: {  	v25 =	vld [tilespmem:s29+$0xFFFFFF10];
	(pc) =	sbr.rel @p0 .LBB2_13-.Ltmp5, $4  }
0x2c5: {  	v21 =	vld [tilespmem:s29+$0xFFFFFF30]  }
0x2c6: {  	v23 =	vld [tilespmem:s29+$0xC0]  }
0x2c7: {  	v26 =	vadd.f32 v19, v7;
	v28 =	vadd.f32 v28, v7;
	v19 =	vld [tilespmem:s29+$0xFFFFFF40]  }
0x2c8: {  	v27 =	vadd.f32 v29, v7;
	v22 =	vadd.f32 v22, v7;
	v24 =	vld [tilespmem:s29+$0xFFFFFF60]  }
0x2c9: {  	[tilespmem:s25+$0xF0] =	vst v28  }
0x2ca: {  	[tilespmem:s25+$0xFFFFFF00] =	vst v26  }
0x2cb: {  	v8 =	vadd.f32 v18, v7;
	[tilespmem:s25+$0xD0] =	vst v27  }
0x2cc: {  	v15 =	vadd.f32 v15, v7;
	[tilespmem:s25+$0xFFFFFF20] =	vst v22  }
0x2cd: {  	v40 =	vadd.f32 v20, v7;
	[tilespmem:s25+$0xB0] =	vst v8  }
0x2ce: {  	v41 =	vadd.f32 v16, v7;
	[tilespmem:s25+$0x90] =	vst v15  }
0x2cf: {  	v5 =	vadd.f32 v5, v7;
	[tilespmem:s25+$0xE0] =	vst v40  }
0x2d0: {  	v11 =	vadd.f32 v11, v7;
	[tilespmem:s25+$0xA0] =	vst v41  }
0x2d1: {  	v44 =	vadd.f32 v17, v7;
	[tilespmem:s25+$0x70] =	vst v5  }
0x2d2: {  	v13 =	vadd.f32 v13, v7;
	[tilespmem:s25+$0x60] =	vst v11  }
0x2d3: {  	v46 =	vadd.f32 v25, v7;
	[tilespmem:s25+$0xFFFFFF70] =	vst v44  }
0x2d4: {  	v14 =	vadd.f32 v14, v7;
	[tilespmem:s25+$0x80] =	vst v13  }
0x2d5: {  	v6 =	vadd.f32 v6, v7;
	[tilespmem:s25+$0xFFFFFF10] =	vst v46  }
0x2d6: {  	v12 =	vadd.f32 v12, v7;
	[tilespmem:s25+$0xFFFFFFC0] =	vst v14  }
0x2d7: {  	v56 =	vadd.f32 v9, v7;
	[tilespmem:s25+$0x50] =	vst v6  }
0x2d8: {  	v10 =	vadd.f32 v10, v7;
	[tilespmem:s25+$0xFFFFFFE0] =	vst v12  }
0x2d9: {  	v49 =	vld [tilespmem:s25+$0xFFFFFFD0];
	v4 =	vadd.f32 v4, v7;
	[tilespmem:s25+$0x40] =	vst v56  }
0x2da: {  	v45 =	vld [tilespmem:s25+$0x30];
	v50 =	vadd.f32 v21, v7;
	[tilespmem:s25+$0xFFFFFF80] =	vst v10  }
0x2db: {  	v42 =	vld [tilespmem:s25+$0xFFFFFF50];
	v47 =	vadd.f32 v23, v7;
	[tilespmem:s25+$0xFFFFFFF0] =	vst v4  }
0x2dc: {  	v51 =	vld [tilespmem:s25+$0xFFFFFFB0];
	[tilespmem:s25+$0xFFFFFF30] =	vst v50;
	v54 =	vadd.f32 v19, v7  }
0x2dd: {  	v52 =	vld [tilespmem:s25+$0x0];
	v48 =	vadd.f32 v24, v7;
	[tilespmem:s25+$0xC0] =	vst v47  }
0x2de: {  	v53 =	vld [tilespmem:s25+$0x20];
	v57 =	vadd.f32 v49, v7;
	[tilespmem:s25+$0xFFFFFF40] =	vst v54  }
0x2df: {  	v43 =	vld [tilespmem:s25+$0xFFFFFFA0];
	v58 =	vadd.f32 v45, v7;
	[tilespmem:s25+$0xFFFFFF60] =	vst v48  }
0x2e0: {  	v5 =	vld [tilespmem:s25+$0xFFFFFF90];
	v59 =	vadd.f32 v42, v7;
	[tilespmem:s25+$0xFFFFFFD0] =	vst v57  }
0x2e1: {  	v55 =	vld [tilespmem:s25+$0x10];
	v60 =	vadd.f32 v51, v7;
	[tilespmem:s25+$0x30] =	vst v58  }
0x2e2: {  	v61 =	vadd.f32 v52, v7;
	[tilespmem:s25+$0xFFFFFF50] =	vst v59  }
0x2e3: {  	v62 =	vadd.f32 v53, v7;
	[tilespmem:s25+$0xFFFFFFB0] =	vst v60  }
0x2e4: {  	v63 =	vadd.f32 v43, v7;
	[tilespmem:s25+$0x0] =	vst v61  }
0x2e5: {  	v4 =	vadd.f32 v5, v7;
	[tilespmem:s25+$0x20] =	vst v62  }
0x2e6: {  	s23 =	sadd.s32 $0x1, s23;
	v5 =	vadd.f32 v55, v7;
	[tilespmem:s25+$0xFFFFFFA0] =	vst v63  }
0x2e7: {  	p0 =	sne.s32 s23, $0x8;
	[tilespmem:s25+$0xFFFFFF90] =	vst v4  }
.Ltmp6:
0x2e8: {  	s31 =	sadd.s32 s26, s11;
	[tilespmem:s25+$0x10] =	vst v5;
	(pc) =	sbr.rel @p0 .LBB2_12-.Ltmp6, $4  }
0x2e9: {  	[hbm4b:s31+s2] =	stream.linear.scatter [tilespmem:s20], [sflag:$0x4], $0x4000, $0x38;
	[tilespmem:$0xB500] =	vst v63  }
0x2ea: {  	_ =	swait.ge [sflag:s13], $0x4000  }
0x2eb: {  	[sflag:s13] =	ssyncset.done $0x0  }
0x2ec: {  	s24 =	sadd.s32 $0x200, s24;
	[sflag:s13] =	ssyncadd.s32 $0xFFFFC000  }
0x2ed: {  	s22 =	sadd.s32 $0x1, s22  }
0x2ee: {  	p0 =	sne.s32 s22, s12  }
.Ltmp7:
0x2ef: {  	_ = 	snop;
	(pc) =	sbr.rel @p0 .LBB2_1-.Ltmp7, $1  }
0x2f0: {  	_ =	sdelay $0x3  }
0x2f1: {  	_ =	sfence.sel $0x180000  }
0x2f2: {  	[bflag:$0x0] =	sbarrier.arrive $0xFFFF  }
0x2f3: {  	p0 =	sne.s32 s1, $0x0;
	_ =	strace $0x9000004A  }
0x2f4: {  	s0 =	sadd.s32 @!p0 $0x100000, s0;
	[bflag:$0x2] =	sbarrier.arrive $0xFFFF  }
0x2f5: {  	[sflag:s0] =	ssyncadd.tile.s32 @!p0 $0x1;
	_ =	shalt  }
.Lfunc_end2:
_tile_overlayer_lowered:
.L_overlay_start_2:
0x2f6: {  	(tag) =	ssettag $0x2  }
0x2f7: {  	s0 =	rddreg [dreg:$0x0];
	s2 =	stileid.u32  }
0x2f8: {  	s1 =	rddreg [dreg:$0x1];
	p0 =	sne.s32 s2, $0x0  }
0x2f9: {  	s3 =	rddreg [dreg:$0x2];
	[bflag:$0x3] =	sbarrier.arrive $0xFFFF;
	s2 =	simm.s32 @!p0 $0x1C04  }
0x2fa: {  	[timem:s3], [sflag:s2] =	dma.local @!p0 [hbm:s0], s1  }
0x2fb: {  	s0 =	simm.s32 @!p0 $0x4  }
0x2fc: {  	_ =	swait.ge @!p0 [sflag:s0], s1  }
0x2fd: {  	s1 =	ssub.s32 @!p0 $0x0, s1;
	[sflag:s0] =	ssyncset.done @!p0 $0x0  }
0x2fe: {  	[sflag:s0] =	ssyncadd.s32 @!p0 s1  }
0x2ff: {  	[bflag:$0x3] =	sbarrier.arrive $0xFFFF  }
0x300: {  	_ =	shalt  }

// kernel: sparse-core-data-format-call.cloned.1.call-start
scs
called_computation_lowered:
.L_overlay_start_0:
0x0: {  	s1 =	sld [smem:$0x3FD9]  }
0x1: {  	s2 =	sld [smem:$0x3FFE];
	_ =	sdelay $0x1  }
0x2: {  	s3 =	srdreg.scid  }
0x3: {  	s0 =	sand.u32 $0x1, s3  }
0x4: {  	s17 =	sshll.u32 s0, $0xA;
	s1 =	sadd.s32 s2, s1  }
0x5: {  	s1 =	sadd.s32 s1, s17  }
0x6: {  	[smem:$0x3FC7] =	sst s1  }
0x7: {  	_ = 	snop  }
0x8: {  	(tm) =	ssettm $0x1  }
0x9: {  	s18 =	sld [smem:$0x3FFB];
	_ =	sdelay $0x3  }
0xa: {  	_ =	strace s18  }
0xb: {  	s1 =	sld [smem:$0x3FFC];
	_ =	sdelay $0x3  }
0xc: {  	_ =	strace s1  }
0xd: {  	s1 =	sld [smem:$0x3FFD];
	_ =	sdelay $0x3  }
0xe: {  	_ =	strace s1  }
0xf: {  	_ =	strace $0x8FFFFFFF  }
0x10: {  	s19 =	sld [smem:$0x3FDB];
	_ =	sdelay $0x1  }
0x11: {  	s20 =	simm.s32 $_scs_section_size  }
0x12: {  	s4 =	simm.s32 $_size__tile_overlayer_lowered;
	s5 =	simm.s32 $_tile_overlayer_lowered  }
0x13: {  	s23 =	simm.s32 $0x1BFF;
	s22 =	sshll.u32 s5, $0x1;
	s1 =	sadd.s32 s20, s19  }
0x14: {  	s6 =	simm.s32 $0x0;
	s21 =	sshll.u32 s4, $0x1;
	s4 =	sadd.s32 s22, s1  }
0x15: {  	[timem:s6], [sflag:s23] =	dma.local [hbm:s4], s21  }
0x16: {  	_ =	swait.ge [sflag:s23], s21  }
0x17: {  	s2 =	ssub.s32 $0x0, s21;
	[sflag:s23] =	ssyncset.done $0x0  }
0x18: {  	[sflag:s23] =	ssyncadd.s32 s2;
	_ =	sdelay $0x1  }
0x19: {  	s24 =	simm.s32 $0x1B8B  }
0x1a: {  	_ =	swait.ge [sflag:s24], $0x1  }
0x1b: {  	[sflag:s24] =	ssyncset.done $0x0  }
0x1c: {  	s26 =	simm.s32 $0x1B8E;
	s25 =	sld [smem:$0x3FFE];
	[sflag:s24] =	ssyncadd.s32 $0xFFFFFFFF  }
0x1d: {  	s27 =	simm.s32 $execute0_lowered;
	[smem:$0x3FD2] =	sst s26  }
0x1e: {  	s4 =	sshll.u32 s27, $0x1;
	_ =	strace $0x80000046;
	[dreg:$0x1] =	wrdreg $0xFFFFFFFF  }
0x1f: {  	s28 =	simm.s32 $_size_execute0_lowered;
	s1 =	sadd.s32 s1, s4;
	[dreg:$0x0] =	wrdreg $0x0  }
0x20: {  	s4 =	sshll.u32 s28, $0x1;
	[dreg:$0x2] =	wrdreg s1  }
0x21: {  	[dreg:$0x3] =	wrdreg s4  }
0x22: {  	[dreg:$0x4] =	wrdreg $0xC0  }
0x23: {  	_ =	task [dreg:s6], $0x5FFFF  }
0x24: {  	[dreg:$0x1] =	wrdreg $0xFFFFFFFF  }
0x25: {  	[dreg:$0x0] =	wrdreg $0x60  }
0x26: {  	[dreg:$0x2] =	wrdreg s25  }
0x27: {  	[dreg:$0x3] =	wrdreg $0x9  }
0x28: {  	_ =	task.clear_ibuf [dreg:s6], $0x4FFFF;
	_ =	strace $0x90000046  }
0x29: {  	s29 =	simm.s32 $0x9;
	_ =	strace $0x80000048  }
0x2a: {  	_ =	swait.ge [sflag:s29], $0x1  }
0x2b: {  	[sflag:s29] =	ssyncadd.s32 $0xFFFFFFFF  }
0x2c: {  	_ =	strace $0x90000048  }
0x2d: {  	_ =	sfence  }
0x2e: {  	s30 =	sld [smem:$0x0];
	_ =	sdelay $0x2  }
0x2f: {  	s31 =	sshll.u32 s3, $0xD;
	s3 =	sshrl.u32 s3, $0x2  }
0x30: {  	s2 =	sand.u32 $0x4000, s31;
	s1 =	sadd.s32 s3, s30  }
0x31: {  	s0 =	sor.u32 s2, s0;
	s1 =	sshll.u32 s1, $0x11  }
0x32: {  	s0 =	sor.u32 s1, s0  }
0x33: {  	s0 =	sadd.s32 $0x8F2B, s0  }
0x34: {  	[sflag:s0] =	ssyncadd.remote.s32 $0x1  }
0x35: {  	_ =	sfence.sel $0xFFFF  }
0x36: {  	[dreg:$0x0] =	wrdreg $0xFFFFFFFF;
	(pc) =	sbr.abs _section_cstart, $3  }
0x37: {  	[dreg:$0x1] =	wrdreg $0xFFFFFFFF  }
0x38: {  	_ =	task.clear_ibuf [dreg:s6], $0x2FFFF;
	_ =	strace $0x9FFFFFFF  }
0x39: {  	(tm) =	ssettm $0x7FFFFFFF  }
tec
execute0_lowered:
.L_overlay_start_1:
0x0: {  	(tag) =	ssettag $0x1  }
0x1: {  	s1 =	rddreg [dreg:$0x0]  }
0x2: {  	s0 =	rddreg [dreg:$0x1]  }
0x3: {  	_ =	strace $0x80000047;
	s4 =	srdreg.scid;
	s6 =	simm.s32 $0x2  }
0x4: {  	s11 =	simm.s32 $0x0;
	p0 =	por $0x0, $0x0;
	s7 =	simm.s32 $0x2000  }
.Ltmp0:
0x5: {  	s12 =	simm.s32 $0x0;
	s9 =	simm.s32 $0x0;
	(pc) =	sbr.rel .LBB1_1-.Ltmp0, $4  }
0x6: {  	s2 =	sadd.s32 $0x2E00, s1;
	s3 =	sadd.s32 $0x802E00, s1;
	s5 =	sshll.u32 s4, $0x4  }
0x7: {  	s1 =	stileid.u32;
	s4 =	simm.s32 $0x1;
	s5 =	sand.u32 $0x10, s5  }
0x8: {  	s8 =	simm.s32 $0x0;
	[sflag:s4] =	ssyncpa.u1 $0x0;
	s5 =	sor.u32 s1, s5  }
0x9: {  	[sflag:s6] =	ssyncpa.u1 $0x0;
	s6 =	simm.s32 $0x800;
	s10 =	smov.u32 s5  }
.LBB1_7:
0xa: {  	s13 =	sadd.s32 $0x10, s9  }
0xb: {  	s11 =	sadd.s32 $0x20, s10;
	s15 =	smov.u32 s10;
	p2 =	sgt.s32 s13, $0x3F  }
0xc: {  	p1 =	slt.u32 s8, $0x2;
	s15 =	smov.u32 @p2 s11  }
0xd: {  	s8 =	sadd.s32 $0x1, s8;
	s13 =	simm.s32 @p2 $0x0;
	p2 =	sgt.s32 s15, $0x3FF  }
0xe: {  	s15 =	smov.u32 @p2 s5;
	p2 =	sne.s32 s8, $0x82  }
.Ltmp1:
0xf: {  	_ = 	snop;
	(pc) =	sbr.rel @!p2 .LBB1_8-.Ltmp1, $4  }
0x10: {  	s14 =	simm.s32 @!p1 $0x2  }
0x11: {  	s12 =	smov.u32 s10;
	_ =	swait.ge @!p1 [sflag:s14], $0x4000  }
0x12: {  	p0 =	por !p0, !p0;
	s11 =	smov.u32 s9;
	[sflag:s14] =	ssyncset.done @!p1 $0x0  }
0x13: {  	s9 =	smov.u32 s13;
	[sflag:s14] =	ssyncadd.s32 @!p1 $0xFFFFC000;
	s10 =	smov.u32 s15  }
.LBB1_1:
0x14: {  	p1 =	sgt.u32 s8, $0x7F  }
0x15: {  	s13 =	sxor.u32 @!p1 $0xFFFFFFFF, s8;
	s14 =	sshll.u32 @!p1 s10, $0xD  }
0x16: {  	s15 =	sshll.u32 @!p1 s9, $0x7;
	s13 =	sshll.u32 @!p1 s13, $0xE;
	s14 =	sadd.s32 @!p1 s2, s14  }
0x17: {  	s13 =	sand.u32 @!p1 $0x4000, s13;
	s14 =	sadd.s32 @!p1 s15, s14;
	s15 =	simm.s32 @!p1 $0x0  }
0x18: {  	[tilespmem:s13], [sflag:$0x1] =	stream.linear.gather @!p1 [hbm4b:s14+s15], $0x4000, $0x38;
	[tilespmem:$0x10000] =	vst v63  }
0x19: {  	p1 =	seq.s32 s8, $0x0  }
0x1a: {  	p2 =	seq.s32 @!p1 s8, $0x81  }
0x1b: {  	p1 =	por p1, p2  }
.Ltmp2:
0x1c: {  	_ = 	snop;
	(pc) =	sbr.rel @p1 .LBB1_7-.Ltmp2, $1  }
0x1d: {  	_ =	sdelay $0x3  }
0x1e: {  	s13 =	simm.s32 $0x1;
	_ =	swait.ge [sflag:s4], $0x4000;
	s16 =	sshll.u32 s8, $0xE  }
0x1f: {  	s13 =	simm.s32 @!p0 $0x0;
	[sflag:s4] =	ssyncset.done $0x0;
	s31 =	sand.u32 $0x4000, s16  }
0x20: {  	s16 =	simm.s32 $0x0;
	s14 =	sshll.u32 s13, $0xE;
	[sflag:s4] =	ssyncadd.s32 $0xFFFFC000  }
0x21: {  	s13 =	sor.u32 $0x8040, s14;
	s15 =	sor.u32 $0x40, s14;
	s14 =	sor.u32 $0x8000, s31  }
.LBB1_3:
0x22: {  	v0 =	vmov s15;
	_ =	sdelay $0x3  }
0x23: {  	s18 =	simm.s32 $0x0  }
0x24: {  	v6 =	vld.idx.msk [tilespmem:v0+s18+$0x30 ss:$0x1], $0xffff  }
0x25: {  	v7 =	vld.idx.msk [tilespmem:v0+s18+$0xFFFFFFC0 ss:$0x1], $0xffff  }
0x26: {  	v5 =	vld.idx.msk [tilespmem:v0+s18+$0xFFFFFFD0 ss:$0x1], $0xffff  }
0x27: {  	v4 =	vld.idx.msk [tilespmem:v0+s18+$0xFFFFFFE0 ss:$0x1], $0xffff  }
0x28: {  	v3 =	vld.idx.msk [tilespmem:v0+s18+$0xFFFFFFF0 ss:$0x1], $0xffff  }
0x29: {  	v1 =	vld.idx.msk [tilespmem:v0+s18+$0x0 ss:$0x1], $0xffff  }
0x2a: {  	v2 =	vld.idx.msk [tilespmem:v0+s18+$0x10 ss:$0x1], $0xffff;
	[tilespmem:s13+$0x30] =	vst v6  }
0x2b: {  	s17 =	simm.s32 $0x80;
	s19 =	simm.s32 $0x400;
	[tilespmem:s13+$0xFFFFFFC0] =	vst v7;
	v6 =	vld.idx.msk [tilespmem:v0+s18+$0x20 ss:$0x1], $0xffff;
	s18 =	smov.u32 s13  }
.LBB1_4:
0x2c: {  	p1 =	sne.s32 s19, $0xE00;
	v7 =	vld.idx.msk [tilespmem:v0+s17+$0x30 ss:$0x1], $0xffff;
	[tilespmem:s18+$0xFFFFFFD0] =	vst v5  }
0x2d: {  	v8 =	vld.idx.msk [tilespmem:v0+s17+$0xFFFFFFC0 ss:$0x1], $0xffff;
	[tilespmem:s18+$0xFFFFFFE0] =	vst v4  }
0x2e: {  	v5 =	vld.idx.msk [tilespmem:v0+s17+$0xFFFFFFD0 ss:$0x1], $0xffff;
	[tilespmem:s18+$0xFFFFFFF0] =	vst v3  }
.Ltmp3:
0x2f: {  	v4 =	vld.idx.msk [tilespmem:v0+s17+$0xFFFFFFE0 ss:$0x1], $0xffff;
	[tilespmem:s18+$0x0] =	vst v1;
	(pc) =	sbr.rel @p1 .LBB1_4-.Ltmp3, $4  }
0x30: {  	v3 =	vld.idx.msk [tilespmem:v0+s17+$0xFFFFFFF0 ss:$0x1], $0xffff;
	[tilespmem:s18+$0x10] =	vst v2  }
0x31: {  	v1 =	vld.idx.msk [tilespmem:v0+s17+$0x0 ss:$0x1], $0xffff;
	[tilespmem:s18+$0x20] =	vst v6;
	s18 =	sadd.s32 $0x800, s18  }
0x32: {  	v2 =	vld.idx.msk [tilespmem:v0+s17+$0x10 ss:$0x1], $0xffff;
	[tilespmem:s18+$0x30] =	vst v7  }
0x33: {  	[tilespmem:s18+$0xFFFFFFC0] =	vst v8;
	v6 =	vld.idx.msk [tilespmem:v0+s17+$0x20 ss:$0x1], $0xffff;
	s17 =	sshra.s32 s19, $0x2;
	s19 =	sadd.s32 $0x200, s19  }
0x34: {  	_ =	sdelay $0x2  }
0x35: {  	[tilespmem:s18+$0xFFFFFFD0] =	vst v5  }
0x36: {  	v56 =	vld.idx.msk [tilespmem:v0+s17+$0x30 ss:$0x1], $0xffff;
	[tilespmem:s18+$0xFFFFFFE0] =	vst v4  }
0x37: {  	v57 =	vld.idx.msk [tilespmem:v0+s17+$0xFFFFFFC0 ss:$0x1], $0xffff;
	[tilespmem:s18+$0xFFFFFFF0] =	vst v3  }
0x38: {  	v58 =	vld.idx.msk [tilespmem:v0+s17+$0xFFFFFFD0 ss:$0x1], $0xffff;
	[tilespmem:s18+$0x0] =	vst v1  }
0x39: {  	v59 =	vld.idx.msk [tilespmem:v0+s17+$0xFFFFFFE0 ss:$0x1], $0xffff;
	[tilespmem:s18+$0x10] =	vst v2  }
0x3a: {  	v60 =	vld.idx.msk [tilespmem:v0+s17+$0xFFFFFFF0 ss:$0x1], $0xffff;
	s31 =	sadd.s32 $0x800, s18;
	[tilespmem:s18+$0x20] =	vst v6  }
0x3b: {  	v61 =	vld.idx.msk [tilespmem:v0+s17+$0x0 ss:$0x1], $0xffff;
	[tilespmem:s31+$0x30] =	vst v56  }
0x3c: {  	v62 =	vld.idx.msk [tilespmem:v0+s17+$0x10 ss:$0x1], $0xffff;
	s16 =	sadd.s32 $0x1, s16;
	[tilespmem:s31+$0xFFFFFFC0] =	vst v57  }
0x3d: {  	v63 =	vld.idx.msk [tilespmem:v0+s17+$0x20 ss:$0x1], $0xffff;
	p1 =	sne.s32 s16, $0x10;
	[tilespmem:s31+$0xFFFFFFD0] =	vst v58  }
.Ltmp4:
0x3e: {  	[tilespmem:s31+$0xFFFFFFE0] =	vst v59;
	(pc) =	sbr.rel @p1 .LBB1_3-.Ltmp4, $4  }
0x3f: {  	[tilespmem:s31+$0xFFFFFFF0] =	vst v60  }
0x40: {  	[tilespmem:s31+$0x0] =	vst v61  }
0x41: {  	[tilespmem:s31+$0x10] =	vst v62  }
0x42: {  	s13 =	sadd.s32 $0x80, s13;
	s15 =	sadd.s32 $0x400, s15;
	[tilespmem:s31+$0x20] =	vst v63  }
.Ltmp5:
0x43: {  	(pc) =	sbr.rel .LBB1_7-.Ltmp5, $4  }
0x44: {  	s12 =	sshll.u32 s12, $0xD;
	s11 =	sshll.u32 s11, $0x4  }
0x45: {  	s11 =	sand.u32 $0x3F0, s11;
	s12 =	sadd.s32 s3, s12  }
0x46: {  	s11 =	sadd.s32 s11, s12  }
0x47: {  	[hbm4b:s11+s6] =	stream.strided.scatter [tilespmem:s14], [sflag:$0x2], $0x4000, s7, s6, $0x38;
	[tilespmem:$0x10000] =	vst v63  }
.LBB1_8:
0x48: {  	_ =	sfence.sel $0x180000  }
0x49: {  	s2 =	simm.s32 $0x1;
	[bflag:$0x0] =	sbarrier.arrive $0xFFFF  }
0x4a: {  	s31 =	simm.s32 $0x2;
	[sflag:s2] =	ssyncpa.u1 $0x1  }
0x4b: {  	[sflag:s31] =	ssyncpa.u1 $0x1  }
0x4c: {  	p0 =	sne.s32 s1, $0x0;
	_ =	strace $0x90000047  }
0x4d: {  	s0 =	sadd.s32 @!p0 $0x100000, s0;
	[bflag:$0x2] =	sbarrier.arrive $0xFFFF  }
0x4e: {  	[sflag:s0] =	ssyncadd.tile.s32 @!p0 $0x1;
	_ =	shalt  }
.Lfunc_end1:
_tile_overlayer_lowered:
.L_overlay_start_2:
0x4f: {  	(tag) =	ssettag $0x2  }
0x50: {  	s0 =	rddreg [dreg:$0x0];
	s2 =	stileid.u32  }
0x51: {  	s1 =	rddreg [dreg:$0x1];
	p0 =	sne.s32 s2, $0x0  }
0x52: {  	s3 =	rddreg [dreg:$0x2];
	[bflag:$0x3] =	sbarrier.arrive $0xFFFF;
	s2 =	simm.s32 @!p0 $0x1C01  }
0x53: {  	[timem:s3], [sflag:s2] =	dma.local @!p0 [hbm:s0], s1  }
0x54: {  	s0 =	simm.s32 @!p0 $0x1  }
0x55: {  	_ =	swait.ge @!p0 [sflag:s0], s1  }
0x56: {  	s1 =	ssub.s32 @!p0 $0x0, s1;
	[sflag:s0] =	ssyncset.done @!p0 $0x0  }
0x57: {  	[sflag:s0] =	ssyncadd.s32 @!p0 s1  }
0x58: {  	[bflag:$0x3] =	sbarrier.arrive $0xFFFF  }
0x59: {  	_ =	shalt  }

</sc_bundles>
